<compile_context>
chip_gen: v7x
topology: tpu7x:2x2x1
jax: 0.10.2.dev20260603
libtpu: 0.0.44.dev20260713+nightly
codegen_flags: <defaults>
</compile_context>

<pallas_src>
import functools

import jax
import jax.numpy as jnp
import numpy as np
from jax import lax
from jax.experimental import pallas as pl
from jax.experimental.pallas import tpu as pltpu
from jax.experimental.pallas import tpu_sc as plsc

MIN_STEPS = -12
MAX_STEPS = 12
LOWER_BIN = MAX_STEPS

B, C, H = 64, 512, 360
OUT = H - MAX_STEPS + MIN_STEPS
RJ = 112
NSLOT = 2
NB = 2


def _pitch_shift_sc(sp_t, first_bin):
    mesh = plsc.VectorSubcoreMesh(
        core_axis_name="c", subcore_axis_name="s", num_cores=2)

    @functools.partial(
        pl.kernel,
        out_type=(
            jax.ShapeDtypeStruct((B, OUT, C), jnp.float32),
            jax.ShapeDtypeStruct((B, OUT, C), jnp.float32),
        ),
        mesh=mesh,
        scratch_types=(
            [pltpu.VMEM((RJ, C), jnp.float32)] * NSLOT
            + [pltpu.VMEM((RJ,), jnp.int32)] * NSLOT
            + [pltpu.VMEM((16,), jnp.int32)]
            + [pltpu.SemaphoreType.DMA] * (2 * NSLOT)
        ),
        compiler_params=pltpu.CompilerParams(
            needs_layout_passes=False, use_tc_tiling_on_sc=True),
    )
    def k(sp_hbm, fb_hbm, x_hbm, xt_hbm, *scratch):
        obufs = scratch[:NSLOT]
        idxs = scratch[NSLOT:2 * NSLOT]
        fbv = scratch[2 * NSLOT]
        sgs = scratch[2 * NSLOT + 1:3 * NSLOT + 1]
        sos = scratch[3 * NSLOT + 1:]
        cid = lax.axis_index("c")
        sid = lax.axis_index("s")
        wid = sid * 2 + cid
        lane = lax.iota(jnp.int32, 16)

        offs = []
        for bi in range(NB):
            b = wid * NB + bi
            blk = pl.multiple_of((b // 16) * 16, 16)
            pltpu.sync_copy(fb_hbm.at[pl.ds(blk, 16)], fbv)
            offs.append(jnp.sum(jnp.where(lane == (b % 16), fbv[...], 0)))

        units = [
            (bi, base_sel, dst, j0)
            for bi in range(NB)
            for base_sel, dst in ((0, x_hbm), (1, xt_hbm))
            for j0 in range(0, OUT, RJ)
        ]

        gathers = [None] * len(units)
        out_pending = [None] * NSLOT

        def launch(v):
            bi, base_sel, dst, j0 = units[v]
            slot = v % NSLOT
            if out_pending[slot] is not None:
                out_pending[slot].wait()
                out_pending[slot] = None
            base = LOWER_BIN if base_sel == 0 else offs[bi]
            jin0 = base + j0
            for g in range(RJ // 16):
                idxs[slot][pl.ds(g * 16, 16)] = jin0 + g * 16 + lane
            cp = pltpu.make_async_copy(
                sp_hbm.at[wid * NB + bi].at[idxs[slot]],
                obufs[slot], sgs[slot])
            cp.start()
            gathers[v] = cp

        def drain(v):
            bi, base_sel, dst, j0 = units[v]
            slot = v % NSLOT
            gathers[v].wait()
            cp = pltpu.make_async_copy(
                obufs[slot],
                dst.at[wid * NB + bi, pl.ds(j0, RJ), :],
                sos[slot])
            cp.start()
            out_pending[slot] = cp

        launch(0)
        for v in range(1, len(units)):
            launch(v)
            drain(v - 1)
        drain(len(units) - 1)
        for cp in out_pending:
            if cp is not None:
                cp.wait()

    return k(sp_t, first_bin)


def kernel(spectrograms):
    batch_size = spectrograms.shape[0]
    k = jax.random.fold_in(jax.random.key(0), 1)
    n_steps = jax.random.randint(k, (batch_size,), MIN_STEPS, MAX_STEPS + 1,
                                 dtype=jnp.int32)
    first_bin = (LOWER_BIN - n_steps).astype(jnp.int32)
    sp_t = jnp.swapaxes(spectrograms, 1, 2)
    x_t, xt_t = _pitch_shift_sc(sp_t, first_bin)
    return (jnp.swapaxes(x_t, 1, 2), jnp.swapaxes(xt_t, 1, 2), n_steps)

# --- scband reference (transcript-rebuilt; emitter-appended) ---
"""Pipeline reference for scband-pitch-shift-cqt-18605798326400 (READ-ONLY COPY).

The authoritative reference and input builder live on the scoring server;
editing this copy changes nothing except your own understanding.
"""

import jax, jax.numpy as jnp
import numpy as np

MIN_STEPS = -12
MAX_STEPS = 12
LOWER_BIN = MAX_STEPS  # self.lower_bin = self.max_steps


def setup_inputs(seed: int = 0) -> dict:
    key = jax.random.key(seed)
    spectrograms = jax.random.normal(key, (64, 512, 360), dtype=jnp.float32)
    return {"spectrograms": spectrograms}


def _sample_random_steps(batch_size):
    # randint_sampling_fn(min_steps, max_steps): torch.randint(min, max+1, size)
    k = jax.random.fold_in(jax.random.key(0), 1)
    return jax.random.randint(k, (batch_size,), MIN_STEPS, MAX_STEPS + 1, dtype=jnp.int32)


def _extract_bins(inputs, first_bin, output_height):
    # outputs[i, c, j] = inputs[i, c, first_bin[i] + j]
    indices = first_bin[:, None] + jnp.arange(output_height, dtype=jnp.int32)  # (B, out)
    B, C, _ = inputs.shape
    indices = jnp.broadcast_to(indices[:, None, :], (B, C, output_height))
    return jnp.take_along_axis(inputs, indices, axis=-1)


def reference(spectrograms):
    batch_size, _, input_height = spectrograms.shape
    output_height = input_height - MAX_STEPS + MIN_STEPS
    assert output_height > 0
    n_steps = _sample_random_steps(batch_size)
    x = spectrograms[..., LOWER_BIN:LOWER_BIN + output_height]
    xt = _extract_bins(spectrograms, (LOWER_BIN - n_steps).astype(jnp.int32), output_height)
    return (x, xt, n_steps)

if __name__ == "__main__":
    import jax
    _d = setup_inputs()
    print(jax.jit(kernel)(*tuple(_d.values())))

</pallas_src>

<mosaic_0001>
#map = affine_map<(d0, d1) -> (0, 0, 0)>
#map1 = affine_map<(d0, d1) -> (0)>
module attributes {stable_mosaic.version = 14 : i64} {
  func.func @k(%arg0: i32, %arg1: i32, %arg2: memref<64x360x512xf32, #tpu.memory_space<hbm>>, %arg3: memref<64xi32, #tpu.memory_space<hbm>>, %arg4: memref<64x336x512xf32, #tpu.memory_space<hbm>>, %arg5: memref<64x336x512xf32, #tpu.memory_space<hbm>>, %arg6: memref<112x512xf32, #tpu.memory_space<vmem>>, %arg7: memref<112x512xf32, #tpu.memory_space<vmem>>, %arg8: memref<112xi32, #tpu.memory_space<vmem>>, %arg9: memref<112xi32, #tpu.memory_space<vmem>>, %arg10: memref<16xi32, #tpu.memory_space<vmem>>, %arg11: memref<!tpu.dma_semaphore, #tpu.memory_space<semaphore_mem>>, %arg12: memref<!tpu.dma_semaphore, #tpu.memory_space<semaphore_mem>>, %arg13: memref<!tpu.dma_semaphore, #tpu.memory_space<semaphore_mem>>, %arg14: memref<!tpu.dma_semaphore, #tpu.memory_space<semaphore_mem>>) attributes {dimension_semantics = [#tpu.dimension_semantics<core_parallel>, #tpu.dimension_semantics<subcore_parallel>], iteration_bounds = array<i64: 2, 16>, scalar_prefetch = 0 : i64, scratch_operands = 9 : i64, tpu.core_type = #tpu.core_type<sc_vector_subcore>, window_params = [{transform_indices = #map}, {transform_indices = #map1}, {transform_indices = #map}, {transform_indices = #map}]} {
    %mul3A = arith.constant 2 : i32
    %mul3A_0 = arith.muli %arg1, %mul3A : i32
    %add3A = arith.addi %mul3A_0, %arg0 : i32
    %iota3A = tpu.iota {dimensions = array<i32: 0>} : vector<16xi32>
    %mul3A_1 = arith.constant 2 : i32
    %mul3A_2 = arith.muli %add3A, %mul3A_1 : i32
    %add3A_3 = arith.constant 0 : i32
    %add3A_4 = arith.addi %mul3A_2, %add3A_3 : i32
    %jit3A = arith.constant 16 : i32
    %div3A = arith.divsi %add3A_4, %jit3A : i32
    %sign3A = arith.constant 0 : i32
    %sign3A_5 = arith.cmpi sgt, %add3A_4, %sign3A : i32
    %sign3A_6 = arith.extui %sign3A_5 : i1 to i32
    %sign3A_7 = arith.constant 0 : i32
    %sign3A_8 = arith.cmpi slt, %add3A_4, %sign3A_7 : i32
    %sign3A_9 = arith.extui %sign3A_8 : i1 to i32
    %sign3A_10 = arith.subi %sign3A_6, %sign3A_9 : i32
    %sign3A_11 = arith.constant 0 : i32
    %sign3A_12 = arith.cmpi sgt, %jit3A, %sign3A_11 : i32
    %sign3A_13 = arith.extui %sign3A_12 : i1 to i32
    %sign3A_14 = arith.constant 0 : i32
    %sign3A_15 = arith.cmpi slt, %jit3A, %sign3A_14 : i32
    %sign3A_16 = arith.extui %sign3A_15 : i1 to i32
    %sign3A_17 = arith.subi %sign3A_13, %sign3A_16 : i32
    %ne3A = arith.cmpi ne, %sign3A_10, %sign3A_17 : i32
    %rem3A = arith.remsi %add3A_4, %jit3A : i32
    %ne3A_18 = arith.constant 0 : i32
    %ne3A_19 = arith.cmpi ne, %rem3A, %ne3A_18 : i32
    %and3A = arith.andi %ne3A, %ne3A_19 : i1
    %sub3A = arith.constant 1 : i32
    %sub3A_20 = arith.subi %div3A, %sub3A : i32
    %select_n3A = arith.select %and3A, %sub3A_20, %div3A : i32
    %mul3A_21 = arith.constant 16 : i32
    %mul3A_22 = arith.muli %select_n3A, %mul3A_21 : i32
    %multiple_of3A = tpu.assume_multiple %mul3A_22, 16 : i32
    "tpu.region"() ({
      %run_scoped3A = tpu.sem_alloc : memref<!tpu.dma_semaphore, #tpu.memory_space<semaphore_mem>>
      %dma_start3A_1030 = tpu.memref_slice %arg3[%multiple_of3A] : memref<64xi32, #tpu.memory_space<hbm>> -> memref<16xi32, #tpu.memory_space<hbm>>
      %dma_start3A_1031 = tpu.memref_slice %arg3[%multiple_of3A] : memref<64xi32, #tpu.memory_space<hbm>> -> memref<16xi32, #tpu.memory_space<hbm>>
      tpu.enqueue_dma source(%dma_start3A_1031 : memref<16xi32, #tpu.memory_space<hbm>>) target(%arg10 : memref<16xi32, #tpu.memory_space<vmem>>) target_semaphore(%run_scoped3A : memref<!tpu.dma_semaphore, #tpu.memory_space<semaphore_mem>>)
      %dma_wait3A_1032 = tpu.memref_slice %arg3[%multiple_of3A] : memref<64xi32, #tpu.memory_space<hbm>> -> memref<16xi32, #tpu.memory_space<hbm>>
      %dma_wait3A_1033 = tpu.memref_slice %arg3[%multiple_of3A] : memref<64xi32, #tpu.memory_space<hbm>> -> memref<16xi32, #tpu.memory_space<hbm>>
      tpu.wait_dma2 semaphore(%run_scoped3A : memref<!tpu.dma_semaphore, #tpu.memory_space<semaphore_mem>>) src(%dma_wait3A_1033 : memref<16xi32, #tpu.memory_space<hbm>>) dst(%arg10 : memref<16xi32, #tpu.memory_space<vmem>>)
      tpu.yield
    }) : () -> ()
    %jit3A_23 = arith.constant 16 : i32
    %eq3A = arith.constant 0 : i32
    %eq3A_24 = arith.cmpi eq, %jit3A_23, %eq3A : i32
    %jit3A_25 = arith.constant 1 : i32
    %select_n3A_26 = arith.select %eq3A_24, %jit3A_25, %jit3A_23 : i32
    %rem3A_27 = arith.remsi %add3A_4, %select_n3A_26 : i32
    %ne3A_28 = arith.constant 0 : i32
    %ne3A_29 = arith.cmpi ne, %rem3A_27, %ne3A_28 : i32
    %lt3A = arith.constant 0 : i32
    %lt3A_30 = arith.cmpi slt, %rem3A_27, %lt3A : i32
    %lt3A_31 = arith.constant 0 : i32
    %lt3A_32 = arith.cmpi slt, %select_n3A_26, %lt3A_31 : i32
    %ne3A_33 = arith.xori %lt3A_30, %lt3A_32 : i1
    %and3A_34 = arith.andi %ne3A_33, %ne3A_29 : i1
    %add3A_35 = arith.addi %rem3A_27, %select_n3A_26 : i32
    %select_n3A_36 = arith.select %and3A_34, %add3A_35, %rem3A_27 : i32
    %eq3A_37 = vector.broadcast %select_n3A_36 : i32 to vector<16xi32>
    %eq3A_38 = arith.cmpi eq, %iota3A, %eq3A_37 : vector<16xi32>
    %get3A = arith.constant 0 : index
    %get3A_39 = tpu.vector_load %arg10[%get3A] {strides = array<i32>} : memref<16xi32, #tpu.memory_space<vmem>>, vector<16xi32>,
    %jit3A_40 = arith.constant 0 : i32
    %broadcast_in_dim3A = vector.broadcast %jit3A_40 : i32 to vector<16xi32>
    %select_n3A_41 = arith.select %eq3A_38, %get3A_39, %broadcast_in_dim3A : vector<16xi1>, vector<16xi32>
    %reduce_sum3A = arith.constant true
    %reduce_sum3A_42 = vector.broadcast %reduce_sum3A : i1 to vector<16xi1>
    %reduce_sum3A_43 = tpu.scan <sum>, %select_n3A_41 masked %reduce_sum3A_42 : vector<16xi32>, vector<16xi1> -> vector<16xi32>
    %reduce_sum3A_44 = vector.extract %reduce_sum3A_43[15] : i32 from vector<16xi32>
    %mul3A_45 = arith.constant 2 : i32
    %mul3A_46 = arith.muli %add3A, %mul3A_45 : i32
    %add3A_47 = arith.constant 1 : i32
    %add3A_48 = arith.addi %mul3A_46, %add3A_47 : i32
    %jit3A_49 = arith.constant 16 : i32
    %div3A_50 = arith.divsi %add3A_48, %jit3A_49 : i32
    %sign3A_51 = arith.constant 0 : i32
    %sign3A_52 = arith.cmpi sgt, %add3A_48, %sign3A_51 : i32
    %sign3A_53 = arith.extui %sign3A_52 : i1 to i32
    %sign3A_54 = arith.constant 0 : i32
    %sign3A_55 = arith.cmpi slt, %add3A_48, %sign3A_54 : i32
    %sign3A_56 = arith.extui %sign3A_55 : i1 to i32
    %sign3A_57 = arith.subi %sign3A_53, %sign3A_56 : i32
    %sign3A_58 = arith.constant 0 : i32
    %sign3A_59 = arith.cmpi sgt, %jit3A_49, %sign3A_58 : i32
    %sign3A_60 = arith.extui %sign3A_59 : i1 to i32
    %sign3A_61 = arith.constant 0 : i32
    %sign3A_62 = arith.cmpi slt, %jit3A_49, %sign3A_61 : i32
    %sign3A_63 = arith.extui %sign3A_62 : i1 to i32
    %sign3A_64 = arith.subi %sign3A_60, %sign3A_63 : i32
    %ne3A_65 = arith.cmpi ne, %sign3A_57, %sign3A_64 : i32
    %rem3A_66 = arith.remsi %add3A_48, %jit3A_49 : i32
    %ne3A_67 = arith.constant 0 : i32
    %ne3A_68 = arith.cmpi ne, %rem3A_66, %ne3A_67 : i32
    %and3A_69 = arith.andi %ne3A_65, %ne3A_68 : i1
    %sub3A_70 = arith.constant 1 : i32
    %sub3A_71 = arith.subi %div3A_50, %sub3A_70 : i32
    %select_n3A_72 = arith.select %and3A_69, %sub3A_71, %div3A_50 : i32
    %mul3A_73 = arith.constant 16 : i32
    %mul3A_74 = arith.muli %select_n3A_72, %mul3A_73 : i32
    %multiple_of3A_75 = tpu.assume_multiple %mul3A_74, 16 : i32
    "tpu.region"() ({
      %run_scoped3A = tpu.sem_alloc : memref<!tpu.dma_semaphore, #tpu.memory_space<semaphore_mem>>
      %dma_start3A_1030 = tpu.memref_slice %arg3[%multiple_of3A_75] : memref<64xi32, #tpu.memory_space<hbm>> -> memref<16xi32, #tpu.memory_space<hbm>>
      %dma_start3A_1031 = tpu.memref_slice %arg3[%multiple_of3A_75] : memref<64xi32, #tpu.memory_space<hbm>> -> memref<16xi32, #tpu.memory_space<hbm>>
      tpu.enqueue_dma source(%dma_start3A_1031 : memref<16xi32, #tpu.memory_space<hbm>>) target(%arg10 : memref<16xi32, #tpu.memory_space<vmem>>) target_semaphore(%run_scoped3A : memref<!tpu.dma_semaphore, #tpu.memory_space<semaphore_mem>>)
      %dma_wait3A_1032 = tpu.memref_slice %arg3[%multiple_of3A_75] : memref<64xi32, #tpu.memory_space<hbm>> -> memref<16xi32, #tpu.memory_space<hbm>>
      %dma_wait3A_1033 = tpu.memref_slice %arg3[%multiple_of3A_75] : memref<64xi32, #tpu.memory_space<hbm>> -> memref<16xi32, #tpu.memory_space<hbm>>
      tpu.wait_dma2 semaphore(%run_scoped3A : memref<!tpu.dma_semaphore, #tpu.memory_space<semaphore_mem>>) src(%dma_wait3A_1033 : memref<16xi32, #tpu.memory_space<hbm>>) dst(%arg10 : memref<16xi32, #tpu.memory_space<vmem>>)
      tpu.yield
    }) : () -> ()
    %jit3A_76 = arith.constant 16 : i32
    %eq3A_77 = arith.constant 0 : i32
    %eq3A_78 = arith.cmpi eq, %jit3A_76, %eq3A_77 : i32
    %jit3A_79 = arith.constant 1 : i32
    %select_n3A_80 = arith.select %eq3A_78, %jit3A_79, %jit3A_76 : i32
    %rem3A_81 = arith.remsi %add3A_48, %select_n3A_80 : i32
    %ne3A_82 = arith.constant 0 : i32
    %ne3A_83 = arith.cmpi ne, %rem3A_81, %ne3A_82 : i32
    %lt3A_84 = arith.constant 0 : i32
    %lt3A_85 = arith.cmpi slt, %rem3A_81, %lt3A_84 : i32
    %lt3A_86 = arith.constant 0 : i32
    %lt3A_87 = arith.cmpi slt, %select_n3A_80, %lt3A_86 : i32
    %ne3A_88 = arith.xori %lt3A_85, %lt3A_87 : i1
    %and3A_89 = arith.andi %ne3A_88, %ne3A_83 : i1
    %add3A_90 = arith.addi %rem3A_81, %select_n3A_80 : i32
    %select_n3A_91 = arith.select %and3A_89, %add3A_90, %rem3A_81 : i32
    %eq3A_92 = vector.broadcast %select_n3A_91 : i32 to vector<16xi32>
    %eq3A_93 = arith.cmpi eq, %iota3A, %eq3A_92 : vector<16xi32>
    %get3A_94 = arith.constant 0 : index
    %get3A_95 = tpu.vector_load %arg10[%get3A_94] {strides = array<i32>} : memref<16xi32, #tpu.memory_space<vmem>>, vector<16xi32>,
    %jit3A_96 = arith.constant 0 : i32
    %broadcast_in_dim3A_97 = vector.broadcast %jit3A_96 : i32 to vector<16xi32>
    %select_n3A_98 = arith.select %eq3A_93, %get3A_95, %broadcast_in_dim3A_97 : vector<16xi1>, vector<16xi32>
    %reduce_sum3A_99 = arith.constant true
    %reduce_sum3A_100 = vector.broadcast %reduce_sum3A_99 : i1 to vector<16xi1>
    %reduce_sum3A_101 = tpu.scan <sum>, %select_n3A_98 masked %reduce_sum3A_100 : vector<16xi32>, vector<16xi1> -> vector<16xi32>
    %reduce_sum3A_102 = vector.extract %reduce_sum3A_101[15] : i32 from vector<16xi32>
    %add3A_103 = arith.constant 12 : i32
    %add3A_104 = vector.broadcast %add3A_103 : i32 to vector<16xi32>
    %add3A_105 = arith.addi %add3A_104, %iota3A : vector<16xi32>
    %swap3A = arith.constant 0 : index
    %swap3A_106 = tpu.vector_load %arg8[%swap3A] {strides = array<i32>} : memref<112xi32, #tpu.memory_space<vmem>>, vector<16xi32>,
    tpu.vector_store %arg8[%swap3A], %add3A_105 {strides = array<i32>} : memref<112xi32, #tpu.memory_space<vmem>>, vector<16xi32>,
    %add3A_107 = arith.constant 28 : i32
    %add3A_108 = vector.broadcast %add3A_107 : i32 to vector<16xi32>
    %add3A_109 = arith.addi %add3A_108, %iota3A : vector<16xi32>
    %swap3A_110 = arith.constant 16 : index
    %swap3A_111 = tpu.vector_load %arg8[%swap3A_110] {strides = array<i32>} : memref<112xi32, #tpu.memory_space<vmem>>, vector<16xi32>,
    tpu.vector_store %arg8[%swap3A_110], %add3A_109 {strides = array<i32>} : memref<112xi32, #tpu.memory_space<vmem>>, vector<16xi32>,
    %add3A_112 = arith.constant 44 : i32
    %add3A_113 = vector.broadcast %add3A_112 : i32 to vector<16xi32>
    %add3A_114 = arith.addi %add3A_113, %iota3A : vector<16xi32>
    %swap3A_115 = arith.constant 32 : index
    %swap3A_116 = tpu.vector_load %arg8[%swap3A_115] {strides = array<i32>} : memref<112xi32, #tpu.memory_space<vmem>>, vector<16xi32>,
    tpu.vector_store %arg8[%swap3A_115], %add3A_114 {strides = array<i32>} : memref<112xi32, #tpu.memory_space<vmem>>, vector<16xi32>,
    %add3A_117 = arith.constant 60 : i32
    %add3A_118 = vector.broadcast %add3A_117 : i32 to vector<16xi32>
    %add3A_119 = arith.addi %add3A_118, %iota3A : vector<16xi32>
    %swap3A_120 = arith.constant 48 : index
    %swap3A_121 = tpu.vector_load %arg8[%swap3A_120] {strides = array<i32>} : memref<112xi32, #tpu.memory_space<vmem>>, vector<16xi32>,
    tpu.vector_store %arg8[%swap3A_120], %add3A_119 {strides = array<i32>} : memref<112xi32, #tpu.memory_space<vmem>>, vector<16xi32>,
    %add3A_122 = arith.constant 76 : i32
    %add3A_123 = vector.broadcast %add3A_122 : i32 to vector<16xi32>
    %add3A_124 = arith.addi %add3A_123, %iota3A : vector<16xi32>
    %swap3A_125 = arith.constant 64 : index
    %swap3A_126 = tpu.vector_load %arg8[%swap3A_125] {strides = array<i32>} : memref<112xi32, #tpu.memory_space<vmem>>, vector<16xi32>,
    tpu.vector_store %arg8[%swap3A_125], %add3A_124 {strides = array<i32>} : memref<112xi32, #tpu.memory_space<vmem>>, vector<16xi32>,
    %add3A_127 = arith.constant 92 : i32
    %add3A_128 = vector.broadcast %add3A_127 : i32 to vector<16xi32>
    %add3A_129 = arith.addi %add3A_128, %iota3A : vector<16xi32>
    %swap3A_130 = arith.constant 80 : index
    %swap3A_131 = tpu.vector_load %arg8[%swap3A_130] {strides = array<i32>} : memref<112xi32, #tpu.memory_space<vmem>>, vector<16xi32>,
    tpu.vector_store %arg8[%swap3A_130], %add3A_129 {strides = array<i32>} : memref<112xi32, #tpu.memory_space<vmem>>, vector<16xi32>,
    %add3A_132 = arith.constant 108 : i32
    %add3A_133 = vector.broadcast %add3A_132 : i32 to vector<16xi32>
    %add3A_134 = arith.addi %add3A_133, %iota3A : vector<16xi32>
    %swap3A_135 = arith.constant 96 : index
    %swap3A_136 = tpu.vector_load %arg8[%swap3A_135] {strides = array<i32>} : memref<112xi32, #tpu.memory_space<vmem>>, vector<16xi32>,
    tpu.vector_store %arg8[%swap3A_135], %add3A_134 {strides = array<i32>} : memref<112xi32, #tpu.memory_space<vmem>>, vector<16xi32>,
    %mul3A_137 = arith.constant 2 : i32
    %mul3A_138 = arith.muli %add3A, %mul3A_137 : i32
    %add3A_139 = arith.constant 0 : i32
    %add3A_140 = arith.addi %mul3A_138, %add3A_139 : i32
    %dma_start3A = arith.constant 0 : i32
    %dma_start3A_141 = arith.constant 0 : i32
    %dma_start3A_142 = tpu.memref_slice %arg2[%add3A_140, %dma_start3A, %dma_start3A_141] : memref<64x360x512xf32, #tpu.memory_space<hbm>> -> memref<1x360x512xf32, #tpu.memory_space<hbm>>
    %dma_start3A_143 = tpu.memref_squeeze %dma_start3A_142 : memref<1x360x512xf32, #tpu.memory_space<hbm>> -> memref<360x512xf32, #tpu.memory_space<hbm>>
    %dma_start3A_144 = arith.constant 0 : i32
    %dma_start3A_145 = arith.constant 0 : i32
    %dma_start3A_146 = tpu.memref_slice %dma_start3A_143[%dma_start3A_144, %dma_start3A_145] : memref<360x512xf32, #tpu.memory_space<hbm>> -> memref<360x512xf32, #tpu.memory_space<hbm>>
    tpu.enqueue_indirect_dma source(%dma_start3A_146 : memref<360x512xf32, #tpu.memory_space<hbm>>) target(%arg6 : memref<112x512xf32, #tpu.memory_space<vmem>>) offsets(%arg8 : memref<112xi32, #tpu.memory_space<vmem>>) semaphore(%arg11 : memref<!tpu.dma_semaphore, #tpu.memory_space<semaphore_mem>>)
    %add3A_147 = arith.constant 124 : i32
    %add3A_148 = vector.broadcast %add3A_147 : i32 to vector<16xi32>
    %add3A_149 = arith.addi %add3A_148, %iota3A : vector<16xi32>
    %swap3A_150 = arith.constant 0 : index
    %swap3A_151 = tpu.vector_load %arg9[%swap3A_150] {strides = array<i32>} : memref<112xi32, #tpu.memory_space<vmem>>, vector<16xi32>,
    tpu.vector_store %arg9[%swap3A_150], %add3A_149 {strides = array<i32>} : memref<112xi32, #tpu.memory_space<vmem>>, vector<16xi32>,
    %add3A_152 = arith.constant 140 : i32
    %add3A_153 = vector.broadcast %add3A_152 : i32 to vector<16xi32>
    %add3A_154 = arith.addi %add3A_153, %iota3A : vector<16xi32>
    %swap3A_155 = arith.constant 16 : index
    %swap3A_156 = tpu.vector_load %arg9[%swap3A_155] {strides = array<i32>} : memref<112xi32, #tpu.memory_space<vmem>>, vector<16xi32>,
    tpu.vector_store %arg9[%swap3A_155], %add3A_154 {strides = array<i32>} : memref<112xi32, #tpu.memory_space<vmem>>, vector<16xi32>,
    %add3A_157 = arith.constant 156 : i32
    %add3A_158 = vector.broadcast %add3A_157 : i32 to vector<16xi32>
    %add3A_159 = arith.addi %add3A_158, %iota3A : vector<16xi32>
    %swap3A_160 = arith.constant 32 : index
    %swap3A_161 = tpu.vector_load %arg9[%swap3A_160] {strides = array<i32>} : memref<112xi32, #tpu.memory_space<vmem>>, vector<16xi32>,
    tpu.vector_store %arg9[%swap3A_160], %add3A_159 {strides = array<i32>} : memref<112xi32, #tpu.memory_space<vmem>>, vector<16xi32>,
    %add3A_162 = arith.constant 172 : i32
    %add3A_163 = vector.broadcast %add3A_162 : i32 to vector<16xi32>
    %add3A_164 = arith.addi %add3A_163, %iota3A : vector<16xi32>
    %swap3A_165 = arith.constant 48 : index
    %swap3A_166 = tpu.vector_load %arg9[%swap3A_165] {strides = array<i32>} : memref<112xi32, #tpu.memory_space<vmem>>, vector<16xi32>,
    tpu.vector_store %arg9[%swap3A_165], %add3A_164 {strides = array<i32>} : memref<112xi32, #tpu.memory_space<vmem>>, vector<16xi32>,
    %add3A_167 = arith.constant 188 : i32
    %add3A_168 = vector.broadcast %add3A_167 : i32 to vector<16xi32>
    %add3A_169 = arith.addi %add3A_168, %iota3A : vector<16xi32>
    %swap3A_170 = arith.constant 64 : index
    %swap3A_171 = tpu.vector_load %arg9[%swap3A_170] {strides = array<i32>} : memref<112xi32, #tpu.memory_space<vmem>>, vector<16xi32>,
    tpu.vector_store %arg9[%swap3A_170], %add3A_169 {strides = array<i32>} : memref<112xi32, #tpu.memory_space<vmem>>, vector<16xi32>,
    %add3A_172 = arith.constant 204 : i32
    %add3A_173 = vector.broadcast %add3A_172 : i32 to vector<16xi32>
    %add3A_174 = arith.addi %add3A_173, %iota3A : vector<16xi32>
    %swap3A_175 = arith.constant 80 : index
    %swap3A_176 = tpu.vector_load %arg9[%swap3A_175] {strides = array<i32>} : memref<112xi32, #tpu.memory_space<vmem>>, vector<16xi32>,
    tpu.vector_store %arg9[%swap3A_175], %add3A_174 {strides = array<i32>} : memref<112xi32, #tpu.memory_space<vmem>>, vector<16xi32>,
    %add3A_177 = arith.constant 220 : i32
    %add3A_178 = vector.broadcast %add3A_177 : i32 to vector<16xi32>
    %add3A_179 = arith.addi %add3A_178, %iota3A : vector<16xi32>
    %swap3A_180 = arith.constant 96 : index
    %swap3A_181 = tpu.vector_load %arg9[%swap3A_180] {strides = array<i32>} : memref<112xi32, #tpu.memory_space<vmem>>, vector<16xi32>,
    tpu.vector_store %arg9[%swap3A_180], %add3A_179 {strides = array<i32>} : memref<112xi32, #tpu.memory_space<vmem>>, vector<16xi32>,
    %mul3A_182 = arith.constant 2 : i32
    %mul3A_183 = arith.muli %add3A, %mul3A_182 : i32
    %add3A_184 = arith.constant 0 : i32
    %add3A_185 = arith.addi %mul3A_183, %add3A_184 : i32
    %dma_start3A_186 = arith.constant 0 : i32
    %dma_start3A_187 = arith.constant 0 : i32
    %dma_start3A_188 = tpu.memref_slice %arg2[%add3A_185, %dma_start3A_186, %dma_start3A_187] : memref<64x360x512xf32, #tpu.memory_space<hbm>> -> memref<1x360x512xf32, #tpu.memory_space<hbm>>
    %dma_start3A_189 = tpu.memref_squeeze %dma_start3A_188 : memref<1x360x512xf32, #tpu.memory_space<hbm>> -> memref<360x512xf32, #tpu.memory_space<hbm>>
    %dma_start3A_190 = arith.constant 0 : i32
    %dma_start3A_191 = arith.constant 0 : i32
    %dma_start3A_192 = tpu.memref_slice %dma_start3A_189[%dma_start3A_190, %dma_start3A_191] : memref<360x512xf32, #tpu.memory_space<hbm>> -> memref<360x512xf32, #tpu.memory_space<hbm>>
    tpu.enqueue_indirect_dma source(%dma_start3A_192 : memref<360x512xf32, #tpu.memory_space<hbm>>) target(%arg7 : memref<112x512xf32, #tpu.memory_space<vmem>>) offsets(%arg9 : memref<112xi32, #tpu.memory_space<vmem>>) semaphore(%arg12 : memref<!tpu.dma_semaphore, #tpu.memory_space<semaphore_mem>>)
    %dma_wait3A = arith.constant 0 : i32
    %dma_wait3A_193 = arith.constant 0 : i32
    %dma_wait3A_194 = tpu.memref_slice %arg2[%add3A_140, %dma_wait3A, %dma_wait3A_193] : memref<64x360x512xf32, #tpu.memory_space<hbm>> -> memref<1x360x512xf32, #tpu.memory_space<hbm>>
    %dma_wait3A_195 = tpu.memref_squeeze %dma_wait3A_194 : memref<1x360x512xf32, #tpu.memory_space<hbm>> -> memref<360x512xf32, #tpu.memory_space<hbm>>
    %dma_wait3A_196 = arith.constant 0 : i32
    %dma_wait3A_197 = arith.constant 0 : i32
    %dma_wait3A_198 = tpu.memref_slice %dma_wait3A_195[%dma_wait3A_196, %dma_wait3A_197] : memref<360x512xf32, #tpu.memory_space<hbm>> -> memref<360x512xf32, #tpu.memory_space<hbm>>
    tpu.wait_indirect_dma semaphore(%arg11 : memref<!tpu.dma_semaphore, #tpu.memory_space<semaphore_mem>>) src(%dma_wait3A_198 : memref<360x512xf32, #tpu.memory_space<hbm>>) dst(%arg6 : memref<112x512xf32, #tpu.memory_space<vmem>>)
    %mul3A_199 = arith.constant 2 : i32
    %mul3A_200 = arith.muli %add3A, %mul3A_199 : i32
    %add3A_201 = arith.constant 0 : i32
    %add3A_202 = arith.addi %mul3A_200, %add3A_201 : i32
    %dma_start3A_203 = arith.constant 0 : i32
    %dma_start3A_204 = arith.constant 0 : i32
    %dma_start3A_205 = tpu.memref_slice %arg4[%add3A_202, %dma_start3A_203, %dma_start3A_204] : memref<64x336x512xf32, #tpu.memory_space<hbm>> -> memref<1x112x512xf32, #tpu.memory_space<hbm>>
    %dma_start3A_206 = tpu.memref_squeeze %dma_start3A_205 : memref<1x112x512xf32, #tpu.memory_space<hbm>> -> memref<112x512xf32, #tpu.memory_space<hbm>>
    %dma_start3A_207 = arith.constant 0 : i32
    %dma_start3A_208 = arith.constant 0 : i32
    %dma_start3A_209 = tpu.memref_slice %arg4[%add3A_202, %dma_start3A_207, %dma_start3A_208] : memref<64x336x512xf32, #tpu.memory_space<hbm>> -> memref<1x112x512xf32, #tpu.memory_space<hbm>>
    %dma_start3A_210 = tpu.memref_squeeze %dma_start3A_209 : memref<1x112x512xf32, #tpu.memory_space<hbm>> -> memref<112x512xf32, #tpu.memory_space<hbm>>
    tpu.enqueue_dma source(%arg6 : memref<112x512xf32, #tpu.memory_space<vmem>>) target(%dma_start3A_210 : memref<112x512xf32, #tpu.memory_space<hbm>>) target_semaphore(%arg13 : memref<!tpu.dma_semaphore, #tpu.memory_space<semaphore_mem>>)
    %dma_wait3A_211 = arith.constant 0 : i32
    %dma_wait3A_212 = arith.constant 0 : i32
    %dma_wait3A_213 = tpu.memref_slice %arg4[%add3A_202, %dma_wait3A_211, %dma_wait3A_212] : memref<64x336x512xf32, #tpu.memory_space<hbm>> -> memref<1x112x512xf32, #tpu.memory_space<hbm>>
    %dma_wait3A_214 = tpu.memref_squeeze %dma_wait3A_213 : memref<1x112x512xf32, #tpu.memory_space<hbm>> -> memref<112x512xf32, #tpu.memory_space<hbm>>
    %dma_wait3A_215 = arith.constant 0 : i32
    %dma_wait3A_216 = arith.constant 0 : i32
    %dma_wait3A_217 = tpu.memref_slice %arg4[%add3A_202, %dma_wait3A_215, %dma_wait3A_216] : memref<64x336x512xf32, #tpu.memory_space<hbm>> -> memref<1x112x512xf32, #tpu.memory_space<hbm>>
    %dma_wait3A_218 = tpu.memref_squeeze %dma_wait3A_217 : memref<1x112x512xf32, #tpu.memory_space<hbm>> -> memref<112x512xf32, #tpu.memory_space<hbm>>
    tpu.wait_dma2 semaphore(%arg13 : memref<!tpu.dma_semaphore, #tpu.memory_space<semaphore_mem>>) src(%arg6 : memref<112x512xf32, #tpu.memory_space<vmem>>) dst(%dma_wait3A_218 : memref<112x512xf32, #tpu.memory_space<hbm>>)
    %add3A_219 = arith.constant 236 : i32
    %add3A_220 = vector.broadcast %add3A_219 : i32 to vector<16xi32>
    %add3A_221 = arith.addi %add3A_220, %iota3A : vector<16xi32>
    %swap3A_222 = arith.constant 0 : index
    %swap3A_223 = tpu.vector_load %arg8[%swap3A_222] {strides = array<i32>} : memref<112xi32, #tpu.memory_space<vmem>>, vector<16xi32>,
    tpu.vector_store %arg8[%swap3A_222], %add3A_221 {strides = array<i32>} : memref<112xi32, #tpu.memory_space<vmem>>, vector<16xi32>,
    %add3A_224 = arith.constant 252 : i32
    %add3A_225 = vector.broadcast %add3A_224 : i32 to vector<16xi32>
    %add3A_226 = arith.addi %add3A_225, %iota3A : vector<16xi32>
    %swap3A_227 = arith.constant 16 : index
    %swap3A_228 = tpu.vector_load %arg8[%swap3A_227] {strides = array<i32>} : memref<112xi32, #tpu.memory_space<vmem>>, vector<16xi32>,
    tpu.vector_store %arg8[%swap3A_227], %add3A_226 {strides = array<i32>} : memref<112xi32, #tpu.memory_space<vmem>>, vector<16xi32>,
    %add3A_229 = arith.constant 268 : i32
    %add3A_230 = vector.broadcast %add3A_229 : i32 to vector<16xi32>
    %add3A_231 = arith.addi %add3A_230, %iota3A : vector<16xi32>
    %swap3A_232 = arith.constant 32 : index
    %swap3A_233 = tpu.vector_load %arg8[%swap3A_232] {strides = array<i32>} : memref<112xi32, #tpu.memory_space<vmem>>, vector<16xi32>,
    tpu.vector_store %arg8[%swap3A_232], %add3A_231 {strides = array<i32>} : memref<112xi32, #tpu.memory_space<vmem>>, vector<16xi32>,
    %add3A_234 = arith.constant 284 : i32
    %add3A_235 = vector.broadcast %add3A_234 : i32 to vector<16xi32>
    %add3A_236 = arith.addi %add3A_235, %iota3A : vector<16xi32>
    %swap3A_237 = arith.constant 48 : index
    %swap3A_238 = tpu.vector_load %arg8[%swap3A_237] {strides = array<i32>} : memref<112xi32, #tpu.memory_space<vmem>>, vector<16xi32>,
    tpu.vector_store %arg8[%swap3A_237], %add3A_236 {strides = array<i32>} : memref<112xi32, #tpu.memory_space<vmem>>, vector<16xi32>,
    %add3A_239 = arith.constant 300 : i32
    %add3A_240 = vector.broadcast %add3A_239 : i32 to vector<16xi32>
    %add3A_241 = arith.addi %add3A_240, %iota3A : vector<16xi32>
    %swap3A_242 = arith.constant 64 : index
    %swap3A_243 = tpu.vector_load %arg8[%swap3A_242] {strides = array<i32>} : memref<112xi32, #tpu.memory_space<vmem>>, vector<16xi32>,
    tpu.vector_store %arg8[%swap3A_242], %add3A_241 {strides = array<i32>} : memref<112xi32, #tpu.memory_space<vmem>>, vector<16xi32>,
    %add3A_244 = arith.constant 316 : i32
    %add3A_245 = vector.broadcast %add3A_244 : i32 to vector<16xi32>
    %add3A_246 = arith.addi %add3A_245, %iota3A : vector<16xi32>
    %swap3A_247 = arith.constant 80 : index
    %swap3A_248 = tpu.vector_load %arg8[%swap3A_247] {strides = array<i32>} : memref<112xi32, #tpu.memory_space<vmem>>, vector<16xi32>,
    tpu.vector_store %arg8[%swap3A_247], %add3A_246 {strides = array<i32>} : memref<112xi32, #tpu.memory_space<vmem>>, vector<16xi32>,
    %add3A_249 = arith.constant 332 : i32
    %add3A_250 = vector.broadcast %add3A_249 : i32 to vector<16xi32>
    %add3A_251 = arith.addi %add3A_250, %iota3A : vector<16xi32>
    %swap3A_252 = arith.constant 96 : index
    %swap3A_253 = tpu.vector_load %arg8[%swap3A_252] {strides = array<i32>} : memref<112xi32, #tpu.memory_space<vmem>>, vector<16xi32>,
    tpu.vector_store %arg8[%swap3A_252], %add3A_251 {strides = array<i32>} : memref<112xi32, #tpu.memory_space<vmem>>, vector<16xi32>,
    %mul3A_254 = arith.constant 2 : i32
    %mul3A_255 = arith.muli %add3A, %mul3A_254 : i32
    %add3A_256 = arith.constant 0 : i32
    %add3A_257 = arith.addi %mul3A_255, %add3A_256 : i32
    %dma_start3A_258 = arith.constant 0 : i32
    %dma_start3A_259 = arith.constant 0 : i32
    %dma_start3A_260 = tpu.memref_slice %arg2[%add3A_257, %dma_start3A_258, %dma_start3A_259] : memref<64x360x512xf32, #tpu.memory_space<hbm>> -> memref<1x360x512xf32, #tpu.memory_space<hbm>>
    %dma_start3A_261 = tpu.memref_squeeze %dma_start3A_260 : memref<1x360x512xf32, #tpu.memory_space<hbm>> -> memref<360x512xf32, #tpu.memory_space<hbm>>
    %dma_start3A_262 = arith.constant 0 : i32
    %dma_start3A_263 = arith.constant 0 : i32
    %dma_start3A_264 = tpu.memref_slice %dma_start3A_261[%dma_start3A_262, %dma_start3A_263] : memref<360x512xf32, #tpu.memory_space<hbm>> -> memref<360x512xf32, #tpu.memory_space<hbm>>
    tpu.enqueue_indirect_dma source(%dma_start3A_264 : memref<360x512xf32, #tpu.memory_space<hbm>>) target(%arg6 : memref<112x512xf32, #tpu.memory_space<vmem>>) offsets(%arg8 : memref<112xi32, #tpu.memory_space<vmem>>) semaphore(%arg11 : memref<!tpu.dma_semaphore, #tpu.memory_space<semaphore_mem>>)
    %dma_wait3A_265 = arith.constant 0 : i32
    %dma_wait3A_266 = arith.constant 0 : i32
    %dma_wait3A_267 = tpu.memref_slice %arg2[%add3A_185, %dma_wait3A_265, %dma_wait3A_266] : memref<64x360x512xf32, #tpu.memory_space<hbm>> -> memref<1x360x512xf32, #tpu.memory_space<hbm>>
    %dma_wait3A_268 = tpu.memref_squeeze %dma_wait3A_267 : memref<1x360x512xf32, #tpu.memory_space<hbm>> -> memref<360x512xf32, #tpu.memory_space<hbm>>
    %dma_wait3A_269 = arith.constant 0 : i32
    %dma_wait3A_270 = arith.constant 0 : i32
    %dma_wait3A_271 = tpu.memref_slice %dma_wait3A_268[%dma_wait3A_269, %dma_wait3A_270] : memref<360x512xf32, #tpu.memory_space<hbm>> -> memref<360x512xf32, #tpu.memory_space<hbm>>
    tpu.wait_indirect_dma semaphore(%arg12 : memref<!tpu.dma_semaphore, #tpu.memory_space<semaphore_mem>>) src(%dma_wait3A_271 : memref<360x512xf32, #tpu.memory_space<hbm>>) dst(%arg7 : memref<112x512xf32, #tpu.memory_space<vmem>>)
    %mul3A_272 = arith.constant 2 : i32
    %mul3A_273 = arith.muli %add3A, %mul3A_272 : i32
    %add3A_274 = arith.constant 0 : i32
    %add3A_275 = arith.addi %mul3A_273, %add3A_274 : i32
    %dma_start3A_276 = arith.constant 112 : i32
    %dma_start3A_277 = arith.constant 0 : i32
    %dma_start3A_278 = tpu.memref_slice %arg4[%add3A_275, %dma_start3A_276, %dma_start3A_277] : memref<64x336x512xf32, #tpu.memory_space<hbm>> -> memref<1x112x512xf32, #tpu.memory_space<hbm>>
    %dma_start3A_279 = tpu.memref_squeeze %dma_start3A_278 : memref<1x112x512xf32, #tpu.memory_space<hbm>> -> memref<112x512xf32, #tpu.memory_space<hbm>>
    %dma_start3A_280 = arith.constant 112 : i32
    %dma_start3A_281 = arith.constant 0 : i32
    %dma_start3A_282 = tpu.memref_slice %arg4[%add3A_275, %dma_start3A_280, %dma_start3A_281] : memref<64x336x512xf32, #tpu.memory_space<hbm>> -> memref<1x112x512xf32, #tpu.memory_space<hbm>>
    %dma_start3A_283 = tpu.memref_squeeze %dma_start3A_282 : memref<1x112x512xf32, #tpu.memory_space<hbm>> -> memref<112x512xf32, #tpu.memory_space<hbm>>
    tpu.enqueue_dma source(%arg7 : memref<112x512xf32, #tpu.memory_space<vmem>>) target(%dma_start3A_283 : memref<112x512xf32, #tpu.memory_space<hbm>>) target_semaphore(%arg14 : memref<!tpu.dma_semaphore, #tpu.memory_space<semaphore_mem>>)
    %dma_wait3A_284 = arith.constant 112 : i32
    %dma_wait3A_285 = arith.constant 0 : i32
    %dma_wait3A_286 = tpu.memref_slice %arg4[%add3A_275, %dma_wait3A_284, %dma_wait3A_285] : memref<64x336x512xf32, #tpu.memory_space<hbm>> -> memref<1x112x512xf32, #tpu.memory_space<hbm>>
    %dma_wait3A_287 = tpu.memref_squeeze %dma_wait3A_286 : memref<1x112x512xf32, #tpu.memory_space<hbm>> -> memref<112x512xf32, #tpu.memory_space<hbm>>
    %dma_wait3A_288 = arith.constant 112 : i32
    %dma_wait3A_289 = arith.constant 0 : i32
    %dma_wait3A_290 = tpu.memref_slice %arg4[%add3A_275, %dma_wait3A_288, %dma_wait3A_289] : memref<64x336x512xf32, #tpu.memory_space<hbm>> -> memref<1x112x512xf32, #tpu.memory_space<hbm>>
    %dma_wait3A_291 = tpu.memref_squeeze %dma_wait3A_290 : memref<1x112x512xf32, #tpu.memory_space<hbm>> -> memref<112x512xf32, #tpu.memory_space<hbm>>
    tpu.wait_dma2 semaphore(%arg14 : memref<!tpu.dma_semaphore, #tpu.memory_space<semaphore_mem>>) src(%arg7 : memref<112x512xf32, #tpu.memory_space<vmem>>) dst(%dma_wait3A_291 : memref<112x512xf32, #tpu.memory_space<hbm>>)
    %add3A_292 = arith.constant 0 : i32
    %add3A_293 = arith.addi %reduce_sum3A_44, %add3A_292 : i32
    %add3A_294 = arith.constant 0 : i32
    %add3A_295 = arith.addi %add3A_293, %add3A_294 : i32
    %add3A_296 = vector.broadcast %add3A_295 : i32 to vector<16xi32>
    %add3A_297 = arith.addi %add3A_296, %iota3A : vector<16xi32>
    %swap3A_298 = arith.constant 0 : index
    %swap3A_299 = tpu.vector_load %arg9[%swap3A_298] {strides = array<i32>} : memref<112xi32, #tpu.memory_space<vmem>>, vector<16xi32>,
    tpu.vector_store %arg9[%swap3A_298], %add3A_297 {strides = array<i32>} : memref<112xi32, #tpu.memory_space<vmem>>, vector<16xi32>,
    %add3A_300 = arith.constant 16 : i32
    %add3A_301 = arith.addi %add3A_293, %add3A_300 : i32
    %add3A_302 = vector.broadcast %add3A_301 : i32 to vector<16xi32>
    %add3A_303 = arith.addi %add3A_302, %iota3A : vector<16xi32>
    %swap3A_304 = arith.constant 16 : index
    %swap3A_305 = tpu.vector_load %arg9[%swap3A_304] {strides = array<i32>} : memref<112xi32, #tpu.memory_space<vmem>>, vector<16xi32>,
    tpu.vector_store %arg9[%swap3A_304], %add3A_303 {strides = array<i32>} : memref<112xi32, #tpu.memory_space<vmem>>, vector<16xi32>,
    %add3A_306 = arith.constant 32 : i32
    %add3A_307 = arith.addi %add3A_293, %add3A_306 : i32
    %add3A_308 = vector.broadcast %add3A_307 : i32 to vector<16xi32>
    %add3A_309 = arith.addi %add3A_308, %iota3A : vector<16xi32>
    %swap3A_310 = arith.constant 32 : index
    %swap3A_311 = tpu.vector_load %arg9[%swap3A_310] {strides = array<i32>} : memref<112xi32, #tpu.memory_space<vmem>>, vector<16xi32>,
    tpu.vector_store %arg9[%swap3A_310], %add3A_309 {strides = array<i32>} : memref<112xi32, #tpu.memory_space<vmem>>, vector<16xi32>,
    %add3A_312 = arith.constant 48 : i32
    %add3A_313 = arith.addi %add3A_293, %add3A_312 : i32
    %add3A_314 = vector.broadcast %add3A_313 : i32 to vector<16xi32>
    %add3A_315 = arith.addi %add3A_314, %iota3A : vector<16xi32>
    %swap3A_316 = arith.constant 48 : index
    %swap3A_317 = tpu.vector_load %arg9[%swap3A_316] {strides = array<i32>} : memref<112xi32, #tpu.memory_space<vmem>>, vector<16xi32>,
    tpu.vector_store %arg9[%swap3A_316], %add3A_315 {strides = array<i32>} : memref<112xi32, #tpu.memory_space<vmem>>, vector<16xi32>,
    %add3A_318 = arith.constant 64 : i32
    %add3A_319 = arith.addi %add3A_293, %add3A_318 : i32
    %add3A_320 = vector.broadcast %add3A_319 : i32 to vector<16xi32>
    %add3A_321 = arith.addi %add3A_320, %iota3A : vector<16xi32>
    %swap3A_322 = arith.constant 64 : index
    %swap3A_323 = tpu.vector_load %arg9[%swap3A_322] {strides = array<i32>} : memref<112xi32, #tpu.memory_space<vmem>>, vector<16xi32>,
    tpu.vector_store %arg9[%swap3A_322], %add3A_321 {strides = array<i32>} : memref<112xi32, #tpu.memory_space<vmem>>, vector<16xi32>,
    %add3A_324 = arith.constant 80 : i32
    %add3A_325 = arith.addi %add3A_293, %add3A_324 : i32
    %add3A_326 = vector.broadcast %add3A_325 : i32 to vector<16xi32>
    %add3A_327 = arith.addi %add3A_326, %iota3A : vector<16xi32>
    %swap3A_328 = arith.constant 80 : index
    %swap3A_329 = tpu.vector_load %arg9[%swap3A_328] {strides = array<i32>} : memref<112xi32, #tpu.memory_space<vmem>>, vector<16xi32>,
    tpu.vector_store %arg9[%swap3A_328], %add3A_327 {strides = array<i32>} : memref<112xi32, #tpu.memory_space<vmem>>, vector<16xi32>,
    %add3A_330 = arith.constant 96 : i32
    %add3A_331 = arith.addi %add3A_293, %add3A_330 : i32
    %add3A_332 = vector.broadcast %add3A_331 : i32 to vector<16xi32>
    %add3A_333 = arith.addi %add3A_332, %iota3A : vector<16xi32>
    %swap3A_334 = arith.constant 96 : index
    %swap3A_335 = tpu.vector_load %arg9[%swap3A_334] {strides = array<i32>} : memref<112xi32, #tpu.memory_space<vmem>>, vector<16xi32>,
    tpu.vector_store %arg9[%swap3A_334], %add3A_333 {strides = array<i32>} : memref<112xi32, #tpu.memory_space<vmem>>, vector<16xi32>,
    %mul3A_336 = arith.constant 2 : i32
    %mul3A_337 = arith.muli %add3A, %mul3A_336 : i32
    %add3A_338 = arith.constant 0 : i32
    %add3A_339 = arith.addi %mul3A_337, %add3A_338 : i32
    %dma_start3A_340 = arith.constant 0 : i32
    %dma_start3A_341 = arith.constant 0 : i32
    %dma_start3A_342 = tpu.memref_slice %arg2[%add3A_339, %dma_start3A_340, %dma_start3A_341] : memref<64x360x512xf32, #tpu.memory_space<hbm>> -> memref<1x360x512xf32, #tpu.memory_space<hbm>>
    %dma_start3A_343 = tpu.memref_squeeze %dma_start3A_342 : memref<1x360x512xf32, #tpu.memory_space<hbm>> -> memref<360x512xf32, #tpu.memory_space<hbm>>
    %dma_start3A_344 = arith.constant 0 : i32
    %dma_start3A_345 = arith.constant 0 : i32
    %dma_start3A_346 = tpu.memref_slice %dma_start3A_343[%dma_start3A_344, %dma_start3A_345] : memref<360x512xf32, #tpu.memory_space<hbm>> -> memref<360x512xf32, #tpu.memory_space<hbm>>
    tpu.enqueue_indirect_dma source(%dma_start3A_346 : memref<360x512xf32, #tpu.memory_space<hbm>>) target(%arg7 : memref<112x512xf32, #tpu.memory_space<vmem>>) offsets(%arg9 : memref<112xi32, #tpu.memory_space<vmem>>) semaphore(%arg12 : memref<!tpu.dma_semaphore, #tpu.memory_space<semaphore_mem>>)
    %dma_wait3A_347 = arith.constant 0 : i32
    %dma_wait3A_348 = arith.constant 0 : i32
    %dma_wait3A_349 = tpu.memref_slice %arg2[%add3A_257, %dma_wait3A_347, %dma_wait3A_348] : memref<64x360x512xf32, #tpu.memory_space<hbm>> -> memref<1x360x512xf32, #tpu.memory_space<hbm>>
    %dma_wait3A_350 = tpu.memref_squeeze %dma_wait3A_349 : memref<1x360x512xf32, #tpu.memory_space<hbm>> -> memref<360x512xf32, #tpu.memory_space<hbm>>
    %dma_wait3A_351 = arith.constant 0 : i32
    %dma_wait3A_352 = arith.constant 0 : i32
    %dma_wait3A_353 = tpu.memref_slice %dma_wait3A_350[%dma_wait3A_351, %dma_wait3A_352] : memref<360x512xf32, #tpu.memory_space<hbm>> -> memref<360x512xf32, #tpu.memory_space<hbm>>
    tpu.wait_indirect_dma semaphore(%arg11 : memref<!tpu.dma_semaphore, #tpu.memory_space<semaphore_mem>>) src(%dma_wait3A_353 : memref<360x512xf32, #tpu.memory_space<hbm>>) dst(%arg6 : memref<112x512xf32, #tpu.memory_space<vmem>>)
    %mul3A_354 = arith.constant 2 : i32
    %mul3A_355 = arith.muli %add3A, %mul3A_354 : i32
    %add3A_356 = arith.constant 0 : i32
    %add3A_357 = arith.addi %mul3A_355, %add3A_356 : i32
    %dma_start3A_358 = arith.constant 224 : i32
    %dma_start3A_359 = arith.constant 0 : i32
    %dma_start3A_360 = tpu.memref_slice %arg4[%add3A_357, %dma_start3A_358, %dma_start3A_359] : memref<64x336x512xf32, #tpu.memory_space<hbm>> -> memref<1x112x512xf32, #tpu.memory_space<hbm>>
    %dma_start3A_361 = tpu.memref_squeeze %dma_start3A_360 : memref<1x112x512xf32, #tpu.memory_space<hbm>> -> memref<112x512xf32, #tpu.memory_space<hbm>>
    %dma_start3A_362 = arith.constant 224 : i32
    %dma_start3A_363 = arith.constant 0 : i32
    %dma_start3A_364 = tpu.memref_slice %arg4[%add3A_357, %dma_start3A_362, %dma_start3A_363] : memref<64x336x512xf32, #tpu.memory_space<hbm>> -> memref<1x112x512xf32, #tpu.memory_space<hbm>>
    %dma_start3A_365 = tpu.memref_squeeze %dma_start3A_364 : memref<1x112x512xf32, #tpu.memory_space<hbm>> -> memref<112x512xf32, #tpu.memory_space<hbm>>
    tpu.enqueue_dma source(%arg6 : memref<112x512xf32, #tpu.memory_space<vmem>>) target(%dma_start3A_365 : memref<112x512xf32, #tpu.memory_space<hbm>>) target_semaphore(%arg13 : memref<!tpu.dma_semaphore, #tpu.memory_space<semaphore_mem>>)
    %dma_wait3A_366 = arith.constant 224 : i32
    %dma_wait3A_367 = arith.constant 0 : i32
    %dma_wait3A_368 = tpu.memref_slice %arg4[%add3A_357, %dma_wait3A_366, %dma_wait3A_367] : memref<64x336x512xf32, #tpu.memory_space<hbm>> -> memref<1x112x512xf32, #tpu.memory_space<hbm>>
    %dma_wait3A_369 = tpu.memref_squeeze %dma_wait3A_368 : memref<1x112x512xf32, #tpu.memory_space<hbm>> -> memref<112x512xf32, #tpu.memory_space<hbm>>
    %dma_wait3A_370 = arith.constant 224 : i32
    %dma_wait3A_371 = arith.constant 0 : i32
    %dma_wait3A_372 = tpu.memref_slice %arg4[%add3A_357, %dma_wait3A_370, %dma_wait3A_371] : memref<64x336x512xf32, #tpu.memory_space<hbm>> -> memref<1x112x512xf32, #tpu.memory_space<hbm>>
    %dma_wait3A_373 = tpu.memref_squeeze %dma_wait3A_372 : memref<1x112x512xf32, #tpu.memory_space<hbm>> -> memref<112x512xf32, #tpu.memory_space<hbm>>
    tpu.wait_dma2 semaphore(%arg13 : memref<!tpu.dma_semaphore, #tpu.memory_space<semaphore_mem>>) src(%arg6 : memref<112x512xf32, #tpu.memory_space<vmem>>) dst(%dma_wait3A_373 : memref<112x512xf32, #tpu.memory_space<hbm>>)
    %add3A_374 = arith.constant 112 : i32
    %add3A_375 = arith.addi %reduce_sum3A_44, %add3A_374 : i32
    %add3A_376 = arith.constant 0 : i32
    %add3A_377 = arith.addi %add3A_375, %add3A_376 : i32
    %add3A_378 = vector.broadcast %add3A_377 : i32 to vector<16xi32>
    %add3A_379 = arith.addi %add3A_378, %iota3A : vector<16xi32>
    %swap3A_380 = arith.constant 0 : index
    %swap3A_381 = tpu.vector_load %arg8[%swap3A_380] {strides = array<i32>} : memref<112xi32, #tpu.memory_space<vmem>>, vector<16xi32>,
    tpu.vector_store %arg8[%swap3A_380], %add3A_379 {strides = array<i32>} : memref<112xi32, #tpu.memory_space<vmem>>, vector<16xi32>,
    %add3A_382 = arith.constant 16 : i32
    %add3A_383 = arith.addi %add3A_375, %add3A_382 : i32
    %add3A_384 = vector.broadcast %add3A_383 : i32 to vector<16xi32>
    %add3A_385 = arith.addi %add3A_384, %iota3A : vector<16xi32>
    %swap3A_386 = arith.constant 16 : index
    %swap3A_387 = tpu.vector_load %arg8[%swap3A_386] {strides = array<i32>} : memref<112xi32, #tpu.memory_space<vmem>>, vector<16xi32>,
    tpu.vector_store %arg8[%swap3A_386], %add3A_385 {strides = array<i32>} : memref<112xi32, #tpu.memory_space<vmem>>, vector<16xi32>,
    %add3A_388 = arith.constant 32 : i32
    %add3A_389 = arith.addi %add3A_375, %add3A_388 : i32
    %add3A_390 = vector.broadcast %add3A_389 : i32 to vector<16xi32>
    %add3A_391 = arith.addi %add3A_390, %iota3A : vector<16xi32>
    %swap3A_392 = arith.constant 32 : index
    %swap3A_393 = tpu.vector_load %arg8[%swap3A_392] {strides = array<i32>} : memref<112xi32, #tpu.memory_space<vmem>>, vector<16xi32>,
    tpu.vector_store %arg8[%swap3A_392], %add3A_391 {strides = array<i32>} : memref<112xi32, #tpu.memory_space<vmem>>, vector<16xi32>,
    %add3A_394 = arith.constant 48 : i32
    %add3A_395 = arith.addi %add3A_375, %add3A_394 : i32
    %add3A_396 = vector.broadcast %add3A_395 : i32 to vector<16xi32>
    %add3A_397 = arith.addi %add3A_396, %iota3A : vector<16xi32>
    %swap3A_398 = arith.constant 48 : index
    %swap3A_399 = tpu.vector_load %arg8[%swap3A_398] {strides = array<i32>} : memref<112xi32, #tpu.memory_space<vmem>>, vector<16xi32>,
    tpu.vector_store %arg8[%swap3A_398], %add3A_397 {strides = array<i32>} : memref<112xi32, #tpu.memory_space<vmem>>, vector<16xi32>,
    %add3A_400 = arith.constant 64 : i32
    %add3A_401 = arith.addi %add3A_375, %add3A_400 : i32
    %add3A_402 = vector.broadcast %add3A_401 : i32 to vector<16xi32>
    %add3A_403 = arith.addi %add3A_402, %iota3A : vector<16xi32>
    %swap3A_404 = arith.constant 64 : index
    %swap3A_405 = tpu.vector_load %arg8[%swap3A_404] {strides = array<i32>} : memref<112xi32, #tpu.memory_space<vmem>>, vector<16xi32>,
    tpu.vector_store %arg8[%swap3A_404], %add3A_403 {strides = array<i32>} : memref<112xi32, #tpu.memory_space<vmem>>, vector<16xi32>,
    %add3A_406 = arith.constant 80 : i32
    %add3A_407 = arith.addi %add3A_375, %add3A_406 : i32
    %add3A_408 = vector.broadcast %add3A_407 : i32 to vector<16xi32>
    %add3A_409 = arith.addi %add3A_408, %iota3A : vector<16xi32>
    %swap3A_410 = arith.constant 80 : index
    %swap3A_411 = tpu.vector_load %arg8[%swap3A_410] {strides = array<i32>} : memref<112xi32, #tpu.memory_space<vmem>>, vector<16xi32>,
    tpu.vector_store %arg8[%swap3A_410], %add3A_409 {strides = array<i32>} : memref<112xi32, #tpu.memory_space<vmem>>, vector<16xi32>,
    %add3A_412 = arith.constant 96 : i32
    %add3A_413 = arith.addi %add3A_375, %add3A_412 : i32
    %add3A_414 = vector.broadcast %add3A_413 : i32 to vector<16xi32>
    %add3A_415 = arith.addi %add3A_414, %iota3A : vector<16xi32>
    %swap3A_416 = arith.constant 96 : index
    %swap3A_417 = tpu.vector_load %arg8[%swap3A_416] {strides = array<i32>} : memref<112xi32, #tpu.memory_space<vmem>>, vector<16xi32>,
    tpu.vector_store %arg8[%swap3A_416], %add3A_415 {strides = array<i32>} : memref<112xi32, #tpu.memory_space<vmem>>, vector<16xi32>,
    %mul3A_418 = arith.constant 2 : i32
    %mul3A_419 = arith.muli %add3A, %mul3A_418 : i32
    %add3A_420 = arith.constant 0 : i32
    %add3A_421 = arith.addi %mul3A_419, %add3A_420 : i32
    %dma_start3A_422 = arith.constant 0 : i32
    %dma_start3A_423 = arith.constant 0 : i32
    %dma_start3A_424 = tpu.memref_slice %arg2[%add3A_421, %dma_start3A_422, %dma_start3A_423] : memref<64x360x512xf32, #tpu.memory_space<hbm>> -> memref<1x360x512xf32, #tpu.memory_space<hbm>>
    %dma_start3A_425 = tpu.memref_squeeze %dma_start3A_424 : memref<1x360x512xf32, #tpu.memory_space<hbm>> -> memref<360x512xf32, #tpu.memory_space<hbm>>
    %dma_start3A_426 = arith.constant 0 : i32
    %dma_start3A_427 = arith.constant 0 : i32
    %dma_start3A_428 = tpu.memref_slice %dma_start3A_425[%dma_start3A_426, %dma_start3A_427] : memref<360x512xf32, #tpu.memory_space<hbm>> -> memref<360x512xf32, #tpu.memory_space<hbm>>
    tpu.enqueue_indirect_dma source(%dma_start3A_428 : memref<360x512xf32, #tpu.memory_space<hbm>>) target(%arg6 : memref<112x512xf32, #tpu.memory_space<vmem>>) offsets(%arg8 : memref<112xi32, #tpu.memory_space<vmem>>) semaphore(%arg11 : memref<!tpu.dma_semaphore, #tpu.memory_space<semaphore_mem>>)
    %dma_wait3A_429 = arith.constant 0 : i32
    %dma_wait3A_430 = arith.constant 0 : i32
    %dma_wait3A_431 = tpu.memref_slice %arg2[%add3A_339, %dma_wait3A_429, %dma_wait3A_430] : memref<64x360x512xf32, #tpu.memory_space<hbm>> -> memref<1x360x512xf32, #tpu.memory_space<hbm>>
    %dma_wait3A_432 = tpu.memref_squeeze %dma_wait3A_431 : memref<1x360x512xf32, #tpu.memory_space<hbm>> -> memref<360x512xf32, #tpu.memory_space<hbm>>
    %dma_wait3A_433 = arith.constant 0 : i32
    %dma_wait3A_434 = arith.constant 0 : i32
    %dma_wait3A_435 = tpu.memref_slice %dma_wait3A_432[%dma_wait3A_433, %dma_wait3A_434] : memref<360x512xf32, #tpu.memory_space<hbm>> -> memref<360x512xf32, #tpu.memory_space<hbm>>
    tpu.wait_indirect_dma semaphore(%arg12 : memref<!tpu.dma_semaphore, #tpu.memory_space<semaphore_mem>>) src(%dma_wait3A_435 : memref<360x512xf32, #tpu.memory_space<hbm>>) dst(%arg7 : memref<112x512xf32, #tpu.memory_space<vmem>>)
    %mul3A_436 = arith.constant 2 : i32
    %mul3A_437 = arith.muli %add3A, %mul3A_436 : i32
    %add3A_438 = arith.constant 0 : i32
    %add3A_439 = arith.addi %mul3A_437, %add3A_438 : i32
    %dma_start3A_440 = arith.constant 0 : i32
    %dma_start3A_441 = arith.constant 0 : i32
    %dma_start3A_442 = tpu.memref_slice %arg5[%add3A_439, %dma_start3A_440, %dma_start3A_441] : memref<64x336x512xf32, #tpu.memory_space<hbm>> -> memref<1x112x512xf32, #tpu.memory_space<hbm>>
    %dma_start3A_443 = tpu.memref_squeeze %dma_start3A_442 : memref<1x112x512xf32, #tpu.memory_space<hbm>> -> memref<112x512xf32, #tpu.memory_space<hbm>>
    %dma_start3A_444 = arith.constant 0 : i32
    %dma_start3A_445 = arith.constant 0 : i32
    %dma_start3A_446 = tpu.memref_slice %arg5[%add3A_439, %dma_start3A_444, %dma_start3A_445] : memref<64x336x512xf32, #tpu.memory_space<hbm>> -> memref<1x112x512xf32, #tpu.memory_space<hbm>>
    %dma_start3A_447 = tpu.memref_squeeze %dma_start3A_446 : memref<1x112x512xf32, #tpu.memory_space<hbm>> -> memref<112x512xf32, #tpu.memory_space<hbm>>
    tpu.enqueue_dma source(%arg7 : memref<112x512xf32, #tpu.memory_space<vmem>>) target(%dma_start3A_447 : memref<112x512xf32, #tpu.memory_space<hbm>>) target_semaphore(%arg14 : memref<!tpu.dma_semaphore, #tpu.memory_space<semaphore_mem>>)
    %dma_wait3A_448 = arith.constant 0 : i32
    %dma_wait3A_449 = arith.constant 0 : i32
    %dma_wait3A_450 = tpu.memref_slice %arg5[%add3A_439, %dma_wait3A_448, %dma_wait3A_449] : memref<64x336x512xf32, #tpu.memory_space<hbm>> -> memref<1x112x512xf32, #tpu.memory_space<hbm>>
    %dma_wait3A_451 = tpu.memref_squeeze %dma_wait3A_450 : memref<1x112x512xf32, #tpu.memory_space<hbm>> -> memref<112x512xf32, #tpu.memory_space<hbm>>
    %dma_wait3A_452 = arith.constant 0 : i32
    %dma_wait3A_453 = arith.constant 0 : i32
    %dma_wait3A_454 = tpu.memref_slice %arg5[%add3A_439, %dma_wait3A_452, %dma_wait3A_453] : memref<64x336x512xf32, #tpu.memory_space<hbm>> -> memref<1x112x512xf32, #tpu.memory_space<hbm>>
    %dma_wait3A_455 = tpu.memref_squeeze %dma_wait3A_454 : memref<1x112x512xf32, #tpu.memory_space<hbm>> -> memref<112x512xf32, #tpu.memory_space<hbm>>
    tpu.wait_dma2 semaphore(%arg14 : memref<!tpu.dma_semaphore, #tpu.memory_space<semaphore_mem>>) src(%arg7 : memref<112x512xf32, #tpu.memory_space<vmem>>) dst(%dma_wait3A_455 : memref<112x512xf32, #tpu.memory_space<hbm>>)
    %add3A_456 = arith.constant 224 : i32
    %add3A_457 = arith.addi %reduce_sum3A_44, %add3A_456 : i32
    %add3A_458 = arith.constant 0 : i32
    %add3A_459 = arith.addi %add3A_457, %add3A_458 : i32
    %add3A_460 = vector.broadcast %add3A_459 : i32 to vector<16xi32>
    %add3A_461 = arith.addi %add3A_460, %iota3A : vector<16xi32>
    %swap3A_462 = arith.constant 0 : index
    %swap3A_463 = tpu.vector_load %arg9[%swap3A_462] {strides = array<i32>} : memref<112xi32, #tpu.memory_space<vmem>>, vector<16xi32>,
    tpu.vector_store %arg9[%swap3A_462], %add3A_461 {strides = array<i32>} : memref<112xi32, #tpu.memory_space<vmem>>, vector<16xi32>,
    %add3A_464 = arith.constant 16 : i32
    %add3A_465 = arith.addi %add3A_457, %add3A_464 : i32
    %add3A_466 = vector.broadcast %add3A_465 : i32 to vector<16xi32>
    %add3A_467 = arith.addi %add3A_466, %iota3A : vector<16xi32>
    %swap3A_468 = arith.constant 16 : index
    %swap3A_469 = tpu.vector_load %arg9[%swap3A_468] {strides = array<i32>} : memref<112xi32, #tpu.memory_space<vmem>>, vector<16xi32>,
    tpu.vector_store %arg9[%swap3A_468], %add3A_467 {strides = array<i32>} : memref<112xi32, #tpu.memory_space<vmem>>, vector<16xi32>,
    %add3A_470 = arith.constant 32 : i32
    %add3A_471 = arith.addi %add3A_457, %add3A_470 : i32
    %add3A_472 = vector.broadcast %add3A_471 : i32 to vector<16xi32>
    %add3A_473 = arith.addi %add3A_472, %iota3A : vector<16xi32>
    %swap3A_474 = arith.constant 32 : index
    %swap3A_475 = tpu.vector_load %arg9[%swap3A_474] {strides = array<i32>} : memref<112xi32, #tpu.memory_space<vmem>>, vector<16xi32>,
    tpu.vector_store %arg9[%swap3A_474], %add3A_473 {strides = array<i32>} : memref<112xi32, #tpu.memory_space<vmem>>, vector<16xi32>,
    %add3A_476 = arith.constant 48 : i32
    %add3A_477 = arith.addi %add3A_457, %add3A_476 : i32
    %add3A_478 = vector.broadcast %add3A_477 : i32 to vector<16xi32>
    %add3A_479 = arith.addi %add3A_478, %iota3A : vector<16xi32>
    %swap3A_480 = arith.constant 48 : index
    %swap3A_481 = tpu.vector_load %arg9[%swap3A_480] {strides = array<i32>} : memref<112xi32, #tpu.memory_space<vmem>>, vector<16xi32>,
    tpu.vector_store %arg9[%swap3A_480], %add3A_479 {strides = array<i32>} : memref<112xi32, #tpu.memory_space<vmem>>, vector<16xi32>,
    %add3A_482 = arith.constant 64 : i32
    %add3A_483 = arith.addi %add3A_457, %add3A_482 : i32
    %add3A_484 = vector.broadcast %add3A_483 : i32 to vector<16xi32>
    %add3A_485 = arith.addi %add3A_484, %iota3A : vector<16xi32>
    %swap3A_486 = arith.constant 64 : index
    %swap3A_487 = tpu.vector_load %arg9[%swap3A_486] {strides = array<i32>} : memref<112xi32, #tpu.memory_space<vmem>>, vector<16xi32>,
    tpu.vector_store %arg9[%swap3A_486], %add3A_485 {strides = array<i32>} : memref<112xi32, #tpu.memory_space<vmem>>, vector<16xi32>,
    %add3A_488 = arith.constant 80 : i32
    %add3A_489 = arith.addi %add3A_457, %add3A_488 : i32
    %add3A_490 = vector.broadcast %add3A_489 : i32 to vector<16xi32>
    %add3A_491 = arith.addi %add3A_490, %iota3A : vector<16xi32>
    %swap3A_492 = arith.constant 80 : index
    %swap3A_493 = tpu.vector_load %arg9[%swap3A_492] {strides = array<i32>} : memref<112xi32, #tpu.memory_space<vmem>>, vector<16xi32>,
    tpu.vector_store %arg9[%swap3A_492], %add3A_491 {strides = array<i32>} : memref<112xi32, #tpu.memory_space<vmem>>, vector<16xi32>,
    %add3A_494 = arith.constant 96 : i32
    %add3A_495 = arith.addi %add3A_457, %add3A_494 : i32
    %add3A_496 = vector.broadcast %add3A_495 : i32 to vector<16xi32>
    %add3A_497 = arith.addi %add3A_496, %iota3A : vector<16xi32>
    %swap3A_498 = arith.constant 96 : index
    %swap3A_499 = tpu.vector_load %arg9[%swap3A_498] {strides = array<i32>} : memref<112xi32, #tpu.memory_space<vmem>>, vector<16xi32>,
    tpu.vector_store %arg9[%swap3A_498], %add3A_497 {strides = array<i32>} : memref<112xi32, #tpu.memory_space<vmem>>, vector<16xi32>,
    %mul3A_500 = arith.constant 2 : i32
    %mul3A_501 = arith.muli %add3A, %mul3A_500 : i32
    %add3A_502 = arith.constant 0 : i32
    %add3A_503 = arith.addi %mul3A_501, %add3A_502 : i32
    %dma_start3A_504 = arith.constant 0 : i32
    %dma_start3A_505 = arith.constant 0 : i32
    %dma_start3A_506 = tpu.memref_slice %arg2[%add3A_503, %dma_start3A_504, %dma_start3A_505] : memref<64x360x512xf32, #tpu.memory_space<hbm>> -> memref<1x360x512xf32, #tpu.memory_space<hbm>>
    %dma_start3A_507 = tpu.memref_squeeze %dma_start3A_506 : memref<1x360x512xf32, #tpu.memory_space<hbm>> -> memref<360x512xf32, #tpu.memory_space<hbm>>
    %dma_start3A_508 = arith.constant 0 : i32
    %dma_start3A_509 = arith.constant 0 : i32
    %dma_start3A_510 = tpu.memref_slice %dma_start3A_507[%dma_start3A_508, %dma_start3A_509] : memref<360x512xf32, #tpu.memory_space<hbm>> -> memref<360x512xf32, #tpu.memory_space<hbm>>
    tpu.enqueue_indirect_dma source(%dma_start3A_510 : memref<360x512xf32, #tpu.memory_space<hbm>>) target(%arg7 : memref<112x512xf32, #tpu.memory_space<vmem>>) offsets(%arg9 : memref<112xi32, #tpu.memory_space<vmem>>) semaphore(%arg12 : memref<!tpu.dma_semaphore, #tpu.memory_space<semaphore_mem>>)
    %dma_wait3A_511 = arith.constant 0 : i32
    %dma_wait3A_512 = arith.constant 0 : i32
    %dma_wait3A_513 = tpu.memref_slice %arg2[%add3A_421, %dma_wait3A_511, %dma_wait3A_512] : memref<64x360x512xf32, #tpu.memory_space<hbm>> -> memref<1x360x512xf32, #tpu.memory_space<hbm>>
    %dma_wait3A_514 = tpu.memref_squeeze %dma_wait3A_513 : memref<1x360x512xf32, #tpu.memory_space<hbm>> -> memref<360x512xf32, #tpu.memory_space<hbm>>
    %dma_wait3A_515 = arith.constant 0 : i32
    %dma_wait3A_516 = arith.constant 0 : i32
    %dma_wait3A_517 = tpu.memref_slice %dma_wait3A_514[%dma_wait3A_515, %dma_wait3A_516] : memref<360x512xf32, #tpu.memory_space<hbm>> -> memref<360x512xf32, #tpu.memory_space<hbm>>
    tpu.wait_indirect_dma semaphore(%arg11 : memref<!tpu.dma_semaphore, #tpu.memory_space<semaphore_mem>>) src(%dma_wait3A_517 : memref<360x512xf32, #tpu.memory_space<hbm>>) dst(%arg6 : memref<112x512xf32, #tpu.memory_space<vmem>>)
    %mul3A_518 = arith.constant 2 : i32
    %mul3A_519 = arith.muli %add3A, %mul3A_518 : i32
    %add3A_520 = arith.constant 0 : i32
    %add3A_521 = arith.addi %mul3A_519, %add3A_520 : i32
    %dma_start3A_522 = arith.constant 112 : i32
    %dma_start3A_523 = arith.constant 0 : i32
    %dma_start3A_524 = tpu.memref_slice %arg5[%add3A_521, %dma_start3A_522, %dma_start3A_523] : memref<64x336x512xf32, #tpu.memory_space<hbm>> -> memref<1x112x512xf32, #tpu.memory_space<hbm>>
    %dma_start3A_525 = tpu.memref_squeeze %dma_start3A_524 : memref<1x112x512xf32, #tpu.memory_space<hbm>> -> memref<112x512xf32, #tpu.memory_space<hbm>>
    %dma_start3A_526 = arith.constant 112 : i32
    %dma_start3A_527 = arith.constant 0 : i32
    %dma_start3A_528 = tpu.memref_slice %arg5[%add3A_521, %dma_start3A_526, %dma_start3A_527] : memref<64x336x512xf32, #tpu.memory_space<hbm>> -> memref<1x112x512xf32, #tpu.memory_space<hbm>>
    %dma_start3A_529 = tpu.memref_squeeze %dma_start3A_528 : memref<1x112x512xf32, #tpu.memory_space<hbm>> -> memref<112x512xf32, #tpu.memory_space<hbm>>
    tpu.enqueue_dma source(%arg6 : memref<112x512xf32, #tpu.memory_space<vmem>>) target(%dma_start3A_529 : memref<112x512xf32, #tpu.memory_space<hbm>>) target_semaphore(%arg13 : memref<!tpu.dma_semaphore, #tpu.memory_space<semaphore_mem>>)
    %dma_wait3A_530 = arith.constant 112 : i32
    %dma_wait3A_531 = arith.constant 0 : i32
    %dma_wait3A_532 = tpu.memref_slice %arg5[%add3A_521, %dma_wait3A_530, %dma_wait3A_531] : memref<64x336x512xf32, #tpu.memory_space<hbm>> -> memref<1x112x512xf32, #tpu.memory_space<hbm>>
    %dma_wait3A_533 = tpu.memref_squeeze %dma_wait3A_532 : memref<1x112x512xf32, #tpu.memory_space<hbm>> -> memref<112x512xf32, #tpu.memory_space<hbm>>
    %dma_wait3A_534 = arith.constant 112 : i32
    %dma_wait3A_535 = arith.constant 0 : i32
    %dma_wait3A_536 = tpu.memref_slice %arg5[%add3A_521, %dma_wait3A_534, %dma_wait3A_535] : memref<64x336x512xf32, #tpu.memory_space<hbm>> -> memref<1x112x512xf32, #tpu.memory_space<hbm>>
    %dma_wait3A_537 = tpu.memref_squeeze %dma_wait3A_536 : memref<1x112x512xf32, #tpu.memory_space<hbm>> -> memref<112x512xf32, #tpu.memory_space<hbm>>
    tpu.wait_dma2 semaphore(%arg13 : memref<!tpu.dma_semaphore, #tpu.memory_space<semaphore_mem>>) src(%arg6 : memref<112x512xf32, #tpu.memory_space<vmem>>) dst(%dma_wait3A_537 : memref<112x512xf32, #tpu.memory_space<hbm>>)
    %add3A_538 = arith.constant 12 : i32
    %add3A_539 = vector.broadcast %add3A_538 : i32 to vector<16xi32>
    %add3A_540 = arith.addi %add3A_539, %iota3A : vector<16xi32>
    %swap3A_541 = arith.constant 0 : index
    %swap3A_542 = tpu.vector_load %arg8[%swap3A_541] {strides = array<i32>} : memref<112xi32, #tpu.memory_space<vmem>>, vector<16xi32>,
    tpu.vector_store %arg8[%swap3A_541], %add3A_540 {strides = array<i32>} : memref<112xi32, #tpu.memory_space<vmem>>, vector<16xi32>,
    %add3A_543 = arith.constant 28 : i32
    %add3A_544 = vector.broadcast %add3A_543 : i32 to vector<16xi32>
    %add3A_545 = arith.addi %add3A_544, %iota3A : vector<16xi32>
    %swap3A_546 = arith.constant 16 : index
    %swap3A_547 = tpu.vector_load %arg8[%swap3A_546] {strides = array<i32>} : memref<112xi32, #tpu.memory_space<vmem>>, vector<16xi32>,
    tpu.vector_store %arg8[%swap3A_546], %add3A_545 {strides = array<i32>} : memref<112xi32, #tpu.memory_space<vmem>>, vector<16xi32>,
    %add3A_548 = arith.constant 44 : i32
    %add3A_549 = vector.broadcast %add3A_548 : i32 to vector<16xi32>
    %add3A_550 = arith.addi %add3A_549, %iota3A : vector<16xi32>
    %swap3A_551 = arith.constant 32 : index
    %swap3A_552 = tpu.vector_load %arg8[%swap3A_551] {strides = array<i32>} : memref<112xi32, #tpu.memory_space<vmem>>, vector<16xi32>,
    tpu.vector_store %arg8[%swap3A_551], %add3A_550 {strides = array<i32>} : memref<112xi32, #tpu.memory_space<vmem>>, vector<16xi32>,
    %add3A_553 = arith.constant 60 : i32
    %add3A_554 = vector.broadcast %add3A_553 : i32 to vector<16xi32>
    %add3A_555 = arith.addi %add3A_554, %iota3A : vector<16xi32>
    %swap3A_556 = arith.constant 48 : index
    %swap3A_557 = tpu.vector_load %arg8[%swap3A_556] {strides = array<i32>} : memref<112xi32, #tpu.memory_space<vmem>>, vector<16xi32>,
    tpu.vector_store %arg8[%swap3A_556], %add3A_555 {strides = array<i32>} : memref<112xi32, #tpu.memory_space<vmem>>, vector<16xi32>,
    %add3A_558 = arith.constant 76 : i32
    %add3A_559 = vector.broadcast %add3A_558 : i32 to vector<16xi32>
    %add3A_560 = arith.addi %add3A_559, %iota3A : vector<16xi32>
    %swap3A_561 = arith.constant 64 : index
    %swap3A_562 = tpu.vector_load %arg8[%swap3A_561] {strides = array<i32>} : memref<112xi32, #tpu.memory_space<vmem>>, vector<16xi32>,
    tpu.vector_store %arg8[%swap3A_561], %add3A_560 {strides = array<i32>} : memref<112xi32, #tpu.memory_space<vmem>>, vector<16xi32>,
    %add3A_563 = arith.constant 92 : i32
    %add3A_564 = vector.broadcast %add3A_563 : i32 to vector<16xi32>
    %add3A_565 = arith.addi %add3A_564, %iota3A : vector<16xi32>
    %swap3A_566 = arith.constant 80 : index
    %swap3A_567 = tpu.vector_load %arg8[%swap3A_566] {strides = array<i32>} : memref<112xi32, #tpu.memory_space<vmem>>, vector<16xi32>,
    tpu.vector_store %arg8[%swap3A_566], %add3A_565 {strides = array<i32>} : memref<112xi32, #tpu.memory_space<vmem>>, vector<16xi32>,
    %add3A_568 = arith.constant 108 : i32
    %add3A_569 = vector.broadcast %add3A_568 : i32 to vector<16xi32>
    %add3A_570 = arith.addi %add3A_569, %iota3A : vector<16xi32>
    %swap3A_571 = arith.constant 96 : index
    %swap3A_572 = tpu.vector_load %arg8[%swap3A_571] {strides = array<i32>} : memref<112xi32, #tpu.memory_space<vmem>>, vector<16xi32>,
    tpu.vector_store %arg8[%swap3A_571], %add3A_570 {strides = array<i32>} : memref<112xi32, #tpu.memory_space<vmem>>, vector<16xi32>,
    %mul3A_573 = arith.constant 2 : i32
    %mul3A_574 = arith.muli %add3A, %mul3A_573 : i32
    %add3A_575 = arith.constant 1 : i32
    %add3A_576 = arith.addi %mul3A_574, %add3A_575 : i32
    %dma_start3A_577 = arith.constant 0 : i32
    %dma_start3A_578 = arith.constant 0 : i32
    %dma_start3A_579 = tpu.memref_slice %arg2[%add3A_576, %dma_start3A_577, %dma_start3A_578] : memref<64x360x512xf32, #tpu.memory_space<hbm>> -> memref<1x360x512xf32, #tpu.memory_space<hbm>>
    %dma_start3A_580 = tpu.memref_squeeze %dma_start3A_579 : memref<1x360x512xf32, #tpu.memory_space<hbm>> -> memref<360x512xf32, #tpu.memory_space<hbm>>
    %dma_start3A_581 = arith.constant 0 : i32
    %dma_start3A_582 = arith.constant 0 : i32
    %dma_start3A_583 = tpu.memref_slice %dma_start3A_580[%dma_start3A_581, %dma_start3A_582] : memref<360x512xf32, #tpu.memory_space<hbm>> -> memref<360x512xf32, #tpu.memory_space<hbm>>
    tpu.enqueue_indirect_dma source(%dma_start3A_583 : memref<360x512xf32, #tpu.memory_space<hbm>>) target(%arg6 : memref<112x512xf32, #tpu.memory_space<vmem>>) offsets(%arg8 : memref<112xi32, #tpu.memory_space<vmem>>) semaphore(%arg11 : memref<!tpu.dma_semaphore, #tpu.memory_space<semaphore_mem>>)
    %dma_wait3A_584 = arith.constant 0 : i32
    %dma_wait3A_585 = arith.constant 0 : i32
    %dma_wait3A_586 = tpu.memref_slice %arg2[%add3A_503, %dma_wait3A_584, %dma_wait3A_585] : memref<64x360x512xf32, #tpu.memory_space<hbm>> -> memref<1x360x512xf32, #tpu.memory_space<hbm>>
    %dma_wait3A_587 = tpu.memref_squeeze %dma_wait3A_586 : memref<1x360x512xf32, #tpu.memory_space<hbm>> -> memref<360x512xf32, #tpu.memory_space<hbm>>
    %dma_wait3A_588 = arith.constant 0 : i32
    %dma_wait3A_589 = arith.constant 0 : i32
    %dma_wait3A_590 = tpu.memref_slice %dma_wait3A_587[%dma_wait3A_588, %dma_wait3A_589] : memref<360x512xf32, #tpu.memory_space<hbm>> -> memref<360x512xf32, #tpu.memory_space<hbm>>
    tpu.wait_indirect_dma semaphore(%arg12 : memref<!tpu.dma_semaphore, #tpu.memory_space<semaphore_mem>>) src(%dma_wait3A_590 : memref<360x512xf32, #tpu.memory_space<hbm>>) dst(%arg7 : memref<112x512xf32, #tpu.memory_space<vmem>>)
    %mul3A_591 = arith.constant 2 : i32
    %mul3A_592 = arith.muli %add3A, %mul3A_591 : i32
    %add3A_593 = arith.constant 0 : i32
    %add3A_594 = arith.addi %mul3A_592, %add3A_593 : i32
    %dma_start3A_595 = arith.constant 224 : i32
    %dma_start3A_596 = arith.constant 0 : i32
    %dma_start3A_597 = tpu.memref_slice %arg5[%add3A_594, %dma_start3A_595, %dma_start3A_596] : memref<64x336x512xf32, #tpu.memory_space<hbm>> -> memref<1x112x512xf32, #tpu.memory_space<hbm>>
    %dma_start3A_598 = tpu.memref_squeeze %dma_start3A_597 : memref<1x112x512xf32, #tpu.memory_space<hbm>> -> memref<112x512xf32, #tpu.memory_space<hbm>>
    %dma_start3A_599 = arith.constant 224 : i32
    %dma_start3A_600 = arith.constant 0 : i32
    %dma_start3A_601 = tpu.memref_slice %arg5[%add3A_594, %dma_start3A_599, %dma_start3A_600] : memref<64x336x512xf32, #tpu.memory_space<hbm>> -> memref<1x112x512xf32, #tpu.memory_space<hbm>>
    %dma_start3A_602 = tpu.memref_squeeze %dma_start3A_601 : memref<1x112x512xf32, #tpu.memory_space<hbm>> -> memref<112x512xf32, #tpu.memory_space<hbm>>
    tpu.enqueue_dma source(%arg7 : memref<112x512xf32, #tpu.memory_space<vmem>>) target(%dma_start3A_602 : memref<112x512xf32, #tpu.memory_space<hbm>>) target_semaphore(%arg14 : memref<!tpu.dma_semaphore, #tpu.memory_space<semaphore_mem>>)
    %dma_wait3A_603 = arith.constant 224 : i32
    %dma_wait3A_604 = arith.constant 0 : i32
    %dma_wait3A_605 = tpu.memref_slice %arg5[%add3A_594, %dma_wait3A_603, %dma_wait3A_604] : memref<64x336x512xf32, #tpu.memory_space<hbm>> -> memref<1x112x512xf32, #tpu.memory_space<hbm>>
    %dma_wait3A_606 = tpu.memref_squeeze %dma_wait3A_605 : memref<1x112x512xf32, #tpu.memory_space<hbm>> -> memref<112x512xf32, #tpu.memory_space<hbm>>
    %dma_wait3A_607 = arith.constant 224 : i32
    %dma_wait3A_608 = arith.constant 0 : i32
    %dma_wait3A_609 = tpu.memref_slice %arg5[%add3A_594, %dma_wait3A_607, %dma_wait3A_608] : memref<64x336x512xf32, #tpu.memory_space<hbm>> -> memref<1x112x512xf32, #tpu.memory_space<hbm>>
    %dma_wait3A_610 = tpu.memref_squeeze %dma_wait3A_609 : memref<1x112x512xf32, #tpu.memory_space<hbm>> -> memref<112x512xf32, #tpu.memory_space<hbm>>
    tpu.wait_dma2 semaphore(%arg14 : memref<!tpu.dma_semaphore, #tpu.memory_space<semaphore_mem>>) src(%arg7 : memref<112x512xf32, #tpu.memory_space<vmem>>) dst(%dma_wait3A_610 : memref<112x512xf32, #tpu.memory_space<hbm>>)
    %add3A_611 = arith.constant 124 : i32
    %add3A_612 = vector.broadcast %add3A_611 : i32 to vector<16xi32>
    %add3A_613 = arith.addi %add3A_612, %iota3A : vector<16xi32>
    %swap3A_614 = arith.constant 0 : index
    %swap3A_615 = tpu.vector_load %arg9[%swap3A_614] {strides = array<i32>} : memref<112xi32, #tpu.memory_space<vmem>>, vector<16xi32>,
    tpu.vector_store %arg9[%swap3A_614], %add3A_613 {strides = array<i32>} : memref<112xi32, #tpu.memory_space<vmem>>, vector<16xi32>,
    %add3A_616 = arith.constant 140 : i32
    %add3A_617 = vector.broadcast %add3A_616 : i32 to vector<16xi32>
    %add3A_618 = arith.addi %add3A_617, %iota3A : vector<16xi32>
    %swap3A_619 = arith.constant 16 : index
    %swap3A_620 = tpu.vector_load %arg9[%swap3A_619] {strides = array<i32>} : memref<112xi32, #tpu.memory_space<vmem>>, vector<16xi32>,
    tpu.vector_store %arg9[%swap3A_619], %add3A_618 {strides = array<i32>} : memref<112xi32, #tpu.memory_space<vmem>>, vector<16xi32>,
    %add3A_621 = arith.constant 156 : i32
    %add3A_622 = vector.broadcast %add3A_621 : i32 to vector<16xi32>
    %add3A_623 = arith.addi %add3A_622, %iota3A : vector<16xi32>
    %swap3A_624 = arith.constant 32 : index
    %swap3A_625 = tpu.vector_load %arg9[%swap3A_624] {strides = array<i32>} : memref<112xi32, #tpu.memory_space<vmem>>, vector<16xi32>,
    tpu.vector_store %arg9[%swap3A_624], %add3A_623 {strides = array<i32>} : memref<112xi32, #tpu.memory_space<vmem>>, vector<16xi32>,
    %add3A_626 = arith.constant 172 : i32
    %add3A_627 = vector.broadcast %add3A_626 : i32 to vector<16xi32>
    %add3A_628 = arith.addi %add3A_627, %iota3A : vector<16xi32>
    %swap3A_629 = arith.constant 48 : index
    %swap3A_630 = tpu.vector_load %arg9[%swap3A_629] {strides = array<i32>} : memref<112xi32, #tpu.memory_space<vmem>>, vector<16xi32>,
    tpu.vector_store %arg9[%swap3A_629], %add3A_628 {strides = array<i32>} : memref<112xi32, #tpu.memory_space<vmem>>, vector<16xi32>,
    %add3A_631 = arith.constant 188 : i32
    %add3A_632 = vector.broadcast %add3A_631 : i32 to vector<16xi32>
    %add3A_633 = arith.addi %add3A_632, %iota3A : vector<16xi32>
    %swap3A_634 = arith.constant 64 : index
    %swap3A_635 = tpu.vector_load %arg9[%swap3A_634] {strides = array<i32>} : memref<112xi32, #tpu.memory_space<vmem>>, vector<16xi32>,
    tpu.vector_store %arg9[%swap3A_634], %add3A_633 {strides = array<i32>} : memref<112xi32, #tpu.memory_space<vmem>>, vector<16xi32>,
    %add3A_636 = arith.constant 204 : i32
    %add3A_637 = vector.broadcast %add3A_636 : i32 to vector<16xi32>
    %add3A_638 = arith.addi %add3A_637, %iota3A : vector<16xi32>
    %swap3A_639 = arith.constant 80 : index
    %swap3A_640 = tpu.vector_load %arg9[%swap3A_639] {strides = array<i32>} : memref<112xi32, #tpu.memory_space<vmem>>, vector<16xi32>,
    tpu.vector_store %arg9[%swap3A_639], %add3A_638 {strides = array<i32>} : memref<112xi32, #tpu.memory_space<vmem>>, vector<16xi32>,
    %add3A_641 = arith.constant 220 : i32
    %add3A_642 = vector.broadcast %add3A_641 : i32 to vector<16xi32>
    %add3A_643 = arith.addi %add3A_642, %iota3A : vector<16xi32>
    %swap3A_644 = arith.constant 96 : index
    %swap3A_645 = tpu.vector_load %arg9[%swap3A_644] {strides = array<i32>} : memref<112xi32, #tpu.memory_space<vmem>>, vector<16xi32>,
    tpu.vector_store %arg9[%swap3A_644], %add3A_643 {strides = array<i32>} : memref<112xi32, #tpu.memory_space<vmem>>, vector<16xi32>,
    %mul3A_646 = arith.constant 2 : i32
    %mul3A_647 = arith.muli %add3A, %mul3A_646 : i32
    %add3A_648 = arith.constant 1 : i32
    %add3A_649 = arith.addi %mul3A_647, %add3A_648 : i32
    %dma_start3A_650 = arith.constant 0 : i32
    %dma_start3A_651 = arith.constant 0 : i32
    %dma_start3A_652 = tpu.memref_slice %arg2[%add3A_649, %dma_start3A_650, %dma_start3A_651] : memref<64x360x512xf32, #tpu.memory_space<hbm>> -> memref<1x360x512xf32, #tpu.memory_space<hbm>>
    %dma_start3A_653 = tpu.memref_squeeze %dma_start3A_652 : memref<1x360x512xf32, #tpu.memory_space<hbm>> -> memref<360x512xf32, #tpu.memory_space<hbm>>
    %dma_start3A_654 = arith.constant 0 : i32
    %dma_start3A_655 = arith.constant 0 : i32
    %dma_start3A_656 = tpu.memref_slice %dma_start3A_653[%dma_start3A_654, %dma_start3A_655] : memref<360x512xf32, #tpu.memory_space<hbm>> -> memref<360x512xf32, #tpu.memory_space<hbm>>
    tpu.enqueue_indirect_dma source(%dma_start3A_656 : memref<360x512xf32, #tpu.memory_space<hbm>>) target(%arg7 : memref<112x512xf32, #tpu.memory_space<vmem>>) offsets(%arg9 : memref<112xi32, #tpu.memory_space<vmem>>) semaphore(%arg12 : memref<!tpu.dma_semaphore, #tpu.memory_space<semaphore_mem>>)
    %dma_wait3A_657 = arith.constant 0 : i32
    %dma_wait3A_658 = arith.constant 0 : i32
    %dma_wait3A_659 = tpu.memref_slice %arg2[%add3A_576, %dma_wait3A_657, %dma_wait3A_658] : memref<64x360x512xf32, #tpu.memory_space<hbm>> -> memref<1x360x512xf32, #tpu.memory_space<hbm>>
    %dma_wait3A_660 = tpu.memref_squeeze %dma_wait3A_659 : memref<1x360x512xf32, #tpu.memory_space<hbm>> -> memref<360x512xf32, #tpu.memory_space<hbm>>
    %dma_wait3A_661 = arith.constant 0 : i32
    %dma_wait3A_662 = arith.constant 0 : i32
    %dma_wait3A_663 = tpu.memref_slice %dma_wait3A_660[%dma_wait3A_661, %dma_wait3A_662] : memref<360x512xf32, #tpu.memory_space<hbm>> -> memref<360x512xf32, #tpu.memory_space<hbm>>
    tpu.wait_indirect_dma semaphore(%arg11 : memref<!tpu.dma_semaphore, #tpu.memory_space<semaphore_mem>>) src(%dma_wait3A_663 : memref<360x512xf32, #tpu.memory_space<hbm>>) dst(%arg6 : memref<112x512xf32, #tpu.memory_space<vmem>>)
    %mul3A_664 = arith.constant 2 : i32
    %mul3A_665 = arith.muli %add3A, %mul3A_664 : i32
    %add3A_666 = arith.constant 1 : i32
    %add3A_667 = arith.addi %mul3A_665, %add3A_666 : i32
    %dma_start3A_668 = arith.constant 0 : i32
    %dma_start3A_669 = arith.constant 0 : i32
    %dma_start3A_670 = tpu.memref_slice %arg4[%add3A_667, %dma_start3A_668, %dma_start3A_669] : memref<64x336x512xf32, #tpu.memory_space<hbm>> -> memref<1x112x512xf32, #tpu.memory_space<hbm>>
    %dma_start3A_671 = tpu.memref_squeeze %dma_start3A_670 : memref<1x112x512xf32, #tpu.memory_space<hbm>> -> memref<112x512xf32, #tpu.memory_space<hbm>>
    %dma_start3A_672 = arith.constant 0 : i32
    %dma_start3A_673 = arith.constant 0 : i32
    %dma_start3A_674 = tpu.memref_slice %arg4[%add3A_667, %dma_start3A_672, %dma_start3A_673] : memref<64x336x512xf32, #tpu.memory_space<hbm>> -> memref<1x112x512xf32, #tpu.memory_space<hbm>>
    %dma_start3A_675 = tpu.memref_squeeze %dma_start3A_674 : memref<1x112x512xf32, #tpu.memory_space<hbm>> -> memref<112x512xf32, #tpu.memory_space<hbm>>
    tpu.enqueue_dma source(%arg6 : memref<112x512xf32, #tpu.memory_space<vmem>>) target(%dma_start3A_675 : memref<112x512xf32, #tpu.memory_space<hbm>>) target_semaphore(%arg13 : memref<!tpu.dma_semaphore, #tpu.memory_space<semaphore_mem>>)
    %dma_wait3A_676 = arith.constant 0 : i32
    %dma_wait3A_677 = arith.constant 0 : i32
    %dma_wait3A_678 = tpu.memref_slice %arg4[%add3A_667, %dma_wait3A_676, %dma_wait3A_677] : memref<64x336x512xf32, #tpu.memory_space<hbm>> -> memref<1x112x512xf32, #tpu.memory_space<hbm>>
    %dma_wait3A_679 = tpu.memref_squeeze %dma_wait3A_678 : memref<1x112x512xf32, #tpu.memory_space<hbm>> -> memref<112x512xf32, #tpu.memory_space<hbm>>
    %dma_wait3A_680 = arith.constant 0 : i32
    %dma_wait3A_681 = arith.constant 0 : i32
    %dma_wait3A_682 = tpu.memref_slice %arg4[%add3A_667, %dma_wait3A_680, %dma_wait3A_681] : memref<64x336x512xf32, #tpu.memory_space<hbm>> -> memref<1x112x512xf32, #tpu.memory_space<hbm>>
    %dma_wait3A_683 = tpu.memref_squeeze %dma_wait3A_682 : memref<1x112x512xf32, #tpu.memory_space<hbm>> -> memref<112x512xf32, #tpu.memory_space<hbm>>
    tpu.wait_dma2 semaphore(%arg13 : memref<!tpu.dma_semaphore, #tpu.memory_space<semaphore_mem>>) src(%arg6 : memref<112x512xf32, #tpu.memory_space<vmem>>) dst(%dma_wait3A_683 : memref<112x512xf32, #tpu.memory_space<hbm>>)
    %add3A_684 = arith.constant 236 : i32
    %add3A_685 = vector.broadcast %add3A_684 : i32 to vector<16xi32>
    %add3A_686 = arith.addi %add3A_685, %iota3A : vector<16xi32>
    %swap3A_687 = arith.constant 0 : index
    %swap3A_688 = tpu.vector_load %arg8[%swap3A_687] {strides = array<i32>} : memref<112xi32, #tpu.memory_space<vmem>>, vector<16xi32>,
    tpu.vector_store %arg8[%swap3A_687], %add3A_686 {strides = array<i32>} : memref<112xi32, #tpu.memory_space<vmem>>, vector<16xi32>,
    %add3A_689 = arith.constant 252 : i32
    %add3A_690 = vector.broadcast %add3A_689 : i32 to vector<16xi32>
    %add3A_691 = arith.addi %add3A_690, %iota3A : vector<16xi32>
    %swap3A_692 = arith.constant 16 : index
    %swap3A_693 = tpu.vector_load %arg8[%swap3A_692] {strides = array<i32>} : memref<112xi32, #tpu.memory_space<vmem>>, vector<16xi32>,
    tpu.vector_store %arg8[%swap3A_692], %add3A_691 {strides = array<i32>} : memref<112xi32, #tpu.memory_space<vmem>>, vector<16xi32>,
    %add3A_694 = arith.constant 268 : i32
    %add3A_695 = vector.broadcast %add3A_694 : i32 to vector<16xi32>
    %add3A_696 = arith.addi %add3A_695, %iota3A : vector<16xi32>
    %swap3A_697 = arith.constant 32 : index
    %swap3A_698 = tpu.vector_load %arg8[%swap3A_697] {strides = array<i32>} : memref<112xi32, #tpu.memory_space<vmem>>, vector<16xi32>,
    tpu.vector_store %arg8[%swap3A_697], %add3A_696 {strides = array<i32>} : memref<112xi32, #tpu.memory_space<vmem>>, vector<16xi32>,
    %add3A_699 = arith.constant 284 : i32
    %add3A_700 = vector.broadcast %add3A_699 : i32 to vector<16xi32>
    %add3A_701 = arith.addi %add3A_700, %iota3A : vector<16xi32>
    %swap3A_702 = arith.constant 48 : index
    %swap3A_703 = tpu.vector_load %arg8[%swap3A_702] {strides = array<i32>} : memref<112xi32, #tpu.memory_space<vmem>>, vector<16xi32>,
    tpu.vector_store %arg8[%swap3A_702], %add3A_701 {strides = array<i32>} : memref<112xi32, #tpu.memory_space<vmem>>, vector<16xi32>,
    %add3A_704 = arith.constant 300 : i32
    %add3A_705 = vector.broadcast %add3A_704 : i32 to vector<16xi32>
    %add3A_706 = arith.addi %add3A_705, %iota3A : vector<16xi32>
    %swap3A_707 = arith.constant 64 : index
    %swap3A_708 = tpu.vector_load %arg8[%swap3A_707] {strides = array<i32>} : memref<112xi32, #tpu.memory_space<vmem>>, vector<16xi32>,
    tpu.vector_store %arg8[%swap3A_707], %add3A_706 {strides = array<i32>} : memref<112xi32, #tpu.memory_space<vmem>>, vector<16xi32>,
    %add3A_709 = arith.constant 316 : i32
    %add3A_710 = vector.broadcast %add3A_709 : i32 to vector<16xi32>
    %add3A_711 = arith.addi %add3A_710, %iota3A : vector<16xi32>
    %swap3A_712 = arith.constant 80 : index
    %swap3A_713 = tpu.vector_load %arg8[%swap3A_712] {strides = array<i32>} : memref<112xi32, #tpu.memory_space<vmem>>, vector<16xi32>,
    tpu.vector_store %arg8[%swap3A_712], %add3A_711 {strides = array<i32>} : memref<112xi32, #tpu.memory_space<vmem>>, vector<16xi32>,
    %add3A_714 = arith.constant 332 : i32
    %add3A_715 = vector.broadcast %add3A_714 : i32 to vector<16xi32>
    %add3A_716 = arith.addi %add3A_715, %iota3A : vector<16xi32>
    %swap3A_717 = arith.constant 96 : index
    %swap3A_718 = tpu.vector_load %arg8[%swap3A_717] {strides = array<i32>} : memref<112xi32, #tpu.memory_space<vmem>>, vector<16xi32>,
    tpu.vector_store %arg8[%swap3A_717], %add3A_716 {strides = array<i32>} : memref<112xi32, #tpu.memory_space<vmem>>, vector<16xi32>,
    %mul3A_719 = arith.constant 2 : i32
    %mul3A_720 = arith.muli %add3A, %mul3A_719 : i32
    %add3A_721 = arith.constant 1 : i32
    %add3A_722 = arith.addi %mul3A_720, %add3A_721 : i32
    %dma_start3A_723 = arith.constant 0 : i32
    %dma_start3A_724 = arith.constant 0 : i32
    %dma_start3A_725 = tpu.memref_slice %arg2[%add3A_722, %dma_start3A_723, %dma_start3A_724] : memref<64x360x512xf32, #tpu.memory_space<hbm>> -> memref<1x360x512xf32, #tpu.memory_space<hbm>>
    %dma_start3A_726 = tpu.memref_squeeze %dma_start3A_725 : memref<1x360x512xf32, #tpu.memory_space<hbm>> -> memref<360x512xf32, #tpu.memory_space<hbm>>
    %dma_start3A_727 = arith.constant 0 : i32
    %dma_start3A_728 = arith.constant 0 : i32
    %dma_start3A_729 = tpu.memref_slice %dma_start3A_726[%dma_start3A_727, %dma_start3A_728] : memref<360x512xf32, #tpu.memory_space<hbm>> -> memref<360x512xf32, #tpu.memory_space<hbm>>
    tpu.enqueue_indirect_dma source(%dma_start3A_729 : memref<360x512xf32, #tpu.memory_space<hbm>>) target(%arg6 : memref<112x512xf32, #tpu.memory_space<vmem>>) offsets(%arg8 : memref<112xi32, #tpu.memory_space<vmem>>) semaphore(%arg11 : memref<!tpu.dma_semaphore, #tpu.memory_space<semaphore_mem>>)
    %dma_wait3A_730 = arith.constant 0 : i32
    %dma_wait3A_731 = arith.constant 0 : i32
    %dma_wait3A_732 = tpu.memref_slice %arg2[%add3A_649, %dma_wait3A_730, %dma_wait3A_731] : memref<64x360x512xf32, #tpu.memory_space<hbm>> -> memref<1x360x512xf32, #tpu.memory_space<hbm>>
    %dma_wait3A_733 = tpu.memref_squeeze %dma_wait3A_732 : memref<1x360x512xf32, #tpu.memory_space<hbm>> -> memref<360x512xf32, #tpu.memory_space<hbm>>
    %dma_wait3A_734 = arith.constant 0 : i32
    %dma_wait3A_735 = arith.constant 0 : i32
    %dma_wait3A_736 = tpu.memref_slice %dma_wait3A_733[%dma_wait3A_734, %dma_wait3A_735] : memref<360x512xf32, #tpu.memory_space<hbm>> -> memref<360x512xf32, #tpu.memory_space<hbm>>
    tpu.wait_indirect_dma semaphore(%arg12 : memref<!tpu.dma_semaphore, #tpu.memory_space<semaphore_mem>>) src(%dma_wait3A_736 : memref<360x512xf32, #tpu.memory_space<hbm>>) dst(%arg7 : memref<112x512xf32, #tpu.memory_space<vmem>>)
    %mul3A_737 = arith.constant 2 : i32
    %mul3A_738 = arith.muli %add3A, %mul3A_737 : i32
    %add3A_739 = arith.constant 1 : i32
    %add3A_740 = arith.addi %mul3A_738, %add3A_739 : i32
    %dma_start3A_741 = arith.constant 112 : i32
    %dma_start3A_742 = arith.constant 0 : i32
    %dma_start3A_743 = tpu.memref_slice %arg4[%add3A_740, %dma_start3A_741, %dma_start3A_742] : memref<64x336x512xf32, #tpu.memory_space<hbm>> -> memref<1x112x512xf32, #tpu.memory_space<hbm>>
    %dma_start3A_744 = tpu.memref_squeeze %dma_start3A_743 : memref<1x112x512xf32, #tpu.memory_space<hbm>> -> memref<112x512xf32, #tpu.memory_space<hbm>>
    %dma_start3A_745 = arith.constant 112 : i32
    %dma_start3A_746 = arith.constant 0 : i32
    %dma_start3A_747 = tpu.memref_slice %arg4[%add3A_740, %dma_start3A_745, %dma_start3A_746] : memref<64x336x512xf32, #tpu.memory_space<hbm>> -> memref<1x112x512xf32, #tpu.memory_space<hbm>>
    %dma_start3A_748 = tpu.memref_squeeze %dma_start3A_747 : memref<1x112x512xf32, #tpu.memory_space<hbm>> -> memref<112x512xf32, #tpu.memory_space<hbm>>
    tpu.enqueue_dma source(%arg7 : memref<112x512xf32, #tpu.memory_space<vmem>>) target(%dma_start3A_748 : memref<112x512xf32, #tpu.memory_space<hbm>>) target_semaphore(%arg14 : memref<!tpu.dma_semaphore, #tpu.memory_space<semaphore_mem>>)
    %dma_wait3A_749 = arith.constant 112 : i32
    %dma_wait3A_750 = arith.constant 0 : i32
    %dma_wait3A_751 = tpu.memref_slice %arg4[%add3A_740, %dma_wait3A_749, %dma_wait3A_750] : memref<64x336x512xf32, #tpu.memory_space<hbm>> -> memref<1x112x512xf32, #tpu.memory_space<hbm>>
    %dma_wait3A_752 = tpu.memref_squeeze %dma_wait3A_751 : memref<1x112x512xf32, #tpu.memory_space<hbm>> -> memref<112x512xf32, #tpu.memory_space<hbm>>
    %dma_wait3A_753 = arith.constant 112 : i32
    %dma_wait3A_754 = arith.constant 0 : i32
    %dma_wait3A_755 = tpu.memref_slice %arg4[%add3A_740, %dma_wait3A_753, %dma_wait3A_754] : memref<64x336x512xf32, #tpu.memory_space<hbm>> -> memref<1x112x512xf32, #tpu.memory_space<hbm>>
    %dma_wait3A_756 = tpu.memref_squeeze %dma_wait3A_755 : memref<1x112x512xf32, #tpu.memory_space<hbm>> -> memref<112x512xf32, #tpu.memory_space<hbm>>
    tpu.wait_dma2 semaphore(%arg14 : memref<!tpu.dma_semaphore, #tpu.memory_space<semaphore_mem>>) src(%arg7 : memref<112x512xf32, #tpu.memory_space<vmem>>) dst(%dma_wait3A_756 : memref<112x512xf32, #tpu.memory_space<hbm>>)
    %add3A_757 = arith.constant 0 : i32
    %add3A_758 = arith.addi %reduce_sum3A_102, %add3A_757 : i32
    %add3A_759 = arith.constant 0 : i32
    %add3A_760 = arith.addi %add3A_758, %add3A_759 : i32
    %add3A_761 = vector.broadcast %add3A_760 : i32 to vector<16xi32>
    %add3A_762 = arith.addi %add3A_761, %iota3A : vector<16xi32>
    %swap3A_763 = arith.constant 0 : index
    %swap3A_764 = tpu.vector_load %arg9[%swap3A_763] {strides = array<i32>} : memref<112xi32, #tpu.memory_space<vmem>>, vector<16xi32>,
    tpu.vector_store %arg9[%swap3A_763], %add3A_762 {strides = array<i32>} : memref<112xi32, #tpu.memory_space<vmem>>, vector<16xi32>,
    %add3A_765 = arith.constant 16 : i32
    %add3A_766 = arith.addi %add3A_758, %add3A_765 : i32
    %add3A_767 = vector.broadcast %add3A_766 : i32 to vector<16xi32>
    %add3A_768 = arith.addi %add3A_767, %iota3A : vector<16xi32>
    %swap3A_769 = arith.constant 16 : index
    %swap3A_770 = tpu.vector_load %arg9[%swap3A_769] {strides = array<i32>} : memref<112xi32, #tpu.memory_space<vmem>>, vector<16xi32>,
    tpu.vector_store %arg9[%swap3A_769], %add3A_768 {strides = array<i32>} : memref<112xi32, #tpu.memory_space<vmem>>, vector<16xi32>,
    %add3A_771 = arith.constant 32 : i32
    %add3A_772 = arith.addi %add3A_758, %add3A_771 : i32
    %add3A_773 = vector.broadcast %add3A_772 : i32 to vector<16xi32>
    %add3A_774 = arith.addi %add3A_773, %iota3A : vector<16xi32>
    %swap3A_775 = arith.constant 32 : index
    %swap3A_776 = tpu.vector_load %arg9[%swap3A_775] {strides = array<i32>} : memref<112xi32, #tpu.memory_space<vmem>>, vector<16xi32>,
    tpu.vector_store %arg9[%swap3A_775], %add3A_774 {strides = array<i32>} : memref<112xi32, #tpu.memory_space<vmem>>, vector<16xi32>,
    %add3A_777 = arith.constant 48 : i32
    %add3A_778 = arith.addi %add3A_758, %add3A_777 : i32
    %add3A_779 = vector.broadcast %add3A_778 : i32 to vector<16xi32>
    %add3A_780 = arith.addi %add3A_779, %iota3A : vector<16xi32>
    %swap3A_781 = arith.constant 48 : index
    %swap3A_782 = tpu.vector_load %arg9[%swap3A_781] {strides = array<i32>} : memref<112xi32, #tpu.memory_space<vmem>>, vector<16xi32>,
    tpu.vector_store %arg9[%swap3A_781], %add3A_780 {strides = array<i32>} : memref<112xi32, #tpu.memory_space<vmem>>, vector<16xi32>,
    %add3A_783 = arith.constant 64 : i32
    %add3A_784 = arith.addi %add3A_758, %add3A_783 : i32
    %add3A_785 = vector.broadcast %add3A_784 : i32 to vector<16xi32>
    %add3A_786 = arith.addi %add3A_785, %iota3A : vector<16xi32>
    %swap3A_787 = arith.constant 64 : index
    %swap3A_788 = tpu.vector_load %arg9[%swap3A_787] {strides = array<i32>} : memref<112xi32, #tpu.memory_space<vmem>>, vector<16xi32>,
    tpu.vector_store %arg9[%swap3A_787], %add3A_786 {strides = array<i32>} : memref<112xi32, #tpu.memory_space<vmem>>, vector<16xi32>,
    %add3A_789 = arith.constant 80 : i32
    %add3A_790 = arith.addi %add3A_758, %add3A_789 : i32
    %add3A_791 = vector.broadcast %add3A_790 : i32 to vector<16xi32>
    %add3A_792 = arith.addi %add3A_791, %iota3A : vector<16xi32>
    %swap3A_793 = arith.constant 80 : index
    %swap3A_794 = tpu.vector_load %arg9[%swap3A_793] {strides = array<i32>} : memref<112xi32, #tpu.memory_space<vmem>>, vector<16xi32>,
    tpu.vector_store %arg9[%swap3A_793], %add3A_792 {strides = array<i32>} : memref<112xi32, #tpu.memory_space<vmem>>, vector<16xi32>,
    %add3A_795 = arith.constant 96 : i32
    %add3A_796 = arith.addi %add3A_758, %add3A_795 : i32
    %add3A_797 = vector.broadcast %add3A_796 : i32 to vector<16xi32>
    %add3A_798 = arith.addi %add3A_797, %iota3A : vector<16xi32>
    %swap3A_799 = arith.constant 96 : index
    %swap3A_800 = tpu.vector_load %arg9[%swap3A_799] {strides = array<i32>} : memref<112xi32, #tpu.memory_space<vmem>>, vector<16xi32>,
    tpu.vector_store %arg9[%swap3A_799], %add3A_798 {strides = array<i32>} : memref<112xi32, #tpu.memory_space<vmem>>, vector<16xi32>,
    %mul3A_801 = arith.constant 2 : i32
    %mul3A_802 = arith.muli %add3A, %mul3A_801 : i32
    %add3A_803 = arith.constant 1 : i32
    %add3A_804 = arith.addi %mul3A_802, %add3A_803 : i32
    %dma_start3A_805 = arith.constant 0 : i32
    %dma_start3A_806 = arith.constant 0 : i32
    %dma_start3A_807 = tpu.memref_slice %arg2[%add3A_804, %dma_start3A_805, %dma_start3A_806] : memref<64x360x512xf32, #tpu.memory_space<hbm>> -> memref<1x360x512xf32, #tpu.memory_space<hbm>>
    %dma_start3A_808 = tpu.memref_squeeze %dma_start3A_807 : memref<1x360x512xf32, #tpu.memory_space<hbm>> -> memref<360x512xf32, #tpu.memory_space<hbm>>
    %dma_start3A_809 = arith.constant 0 : i32
    %dma_start3A_810 = arith.constant 0 : i32
    %dma_start3A_811 = tpu.memref_slice %dma_start3A_808[%dma_start3A_809, %dma_start3A_810] : memref<360x512xf32, #tpu.memory_space<hbm>> -> memref<360x512xf32, #tpu.memory_space<hbm>>
    tpu.enqueue_indirect_dma source(%dma_start3A_811 : memref<360x512xf32, #tpu.memory_space<hbm>>) target(%arg7 : memref<112x512xf32, #tpu.memory_space<vmem>>) offsets(%arg9 : memref<112xi32, #tpu.memory_space<vmem>>) semaphore(%arg12 : memref<!tpu.dma_semaphore, #tpu.memory_space<semaphore_mem>>)
    %dma_wait3A_812 = arith.constant 0 : i32
    %dma_wait3A_813 = arith.constant 0 : i32
    %dma_wait3A_814 = tpu.memref_slice %arg2[%add3A_722, %dma_wait3A_812, %dma_wait3A_813] : memref<64x360x512xf32, #tpu.memory_space<hbm>> -> memref<1x360x512xf32, #tpu.memory_space<hbm>>
    %dma_wait3A_815 = tpu.memref_squeeze %dma_wait3A_814 : memref<1x360x512xf32, #tpu.memory_space<hbm>> -> memref<360x512xf32, #tpu.memory_space<hbm>>
    %dma_wait3A_816 = arith.constant 0 : i32
    %dma_wait3A_817 = arith.constant 0 : i32
    %dma_wait3A_818 = tpu.memref_slice %dma_wait3A_815[%dma_wait3A_816, %dma_wait3A_817] : memref<360x512xf32, #tpu.memory_space<hbm>> -> memref<360x512xf32, #tpu.memory_space<hbm>>
    tpu.wait_indirect_dma semaphore(%arg11 : memref<!tpu.dma_semaphore, #tpu.memory_space<semaphore_mem>>) src(%dma_wait3A_818 : memref<360x512xf32, #tpu.memory_space<hbm>>) dst(%arg6 : memref<112x512xf32, #tpu.memory_space<vmem>>)
    %mul3A_819 = arith.constant 2 : i32
    %mul3A_820 = arith.muli %add3A, %mul3A_819 : i32
    %add3A_821 = arith.constant 1 : i32
    %add3A_822 = arith.addi %mul3A_820, %add3A_821 : i32
    %dma_start3A_823 = arith.constant 224 : i32
    %dma_start3A_824 = arith.constant 0 : i32
    %dma_start3A_825 = tpu.memref_slice %arg4[%add3A_822, %dma_start3A_823, %dma_start3A_824] : memref<64x336x512xf32, #tpu.memory_space<hbm>> -> memref<1x112x512xf32, #tpu.memory_space<hbm>>
    %dma_start3A_826 = tpu.memref_squeeze %dma_start3A_825 : memref<1x112x512xf32, #tpu.memory_space<hbm>> -> memref<112x512xf32, #tpu.memory_space<hbm>>
    %dma_start3A_827 = arith.constant 224 : i32
    %dma_start3A_828 = arith.constant 0 : i32
    %dma_start3A_829 = tpu.memref_slice %arg4[%add3A_822, %dma_start3A_827, %dma_start3A_828] : memref<64x336x512xf32, #tpu.memory_space<hbm>> -> memref<1x112x512xf32, #tpu.memory_space<hbm>>
    %dma_start3A_830 = tpu.memref_squeeze %dma_start3A_829 : memref<1x112x512xf32, #tpu.memory_space<hbm>> -> memref<112x512xf32, #tpu.memory_space<hbm>>
    tpu.enqueue_dma source(%arg6 : memref<112x512xf32, #tpu.memory_space<vmem>>) target(%dma_start3A_830 : memref<112x512xf32, #tpu.memory_space<hbm>>) target_semaphore(%arg13 : memref<!tpu.dma_semaphore, #tpu.memory_space<semaphore_mem>>)
    %dma_wait3A_831 = arith.constant 224 : i32
    %dma_wait3A_832 = arith.constant 0 : i32
    %dma_wait3A_833 = tpu.memref_slice %arg4[%add3A_822, %dma_wait3A_831, %dma_wait3A_832] : memref<64x336x512xf32, #tpu.memory_space<hbm>> -> memref<1x112x512xf32, #tpu.memory_space<hbm>>
    %dma_wait3A_834 = tpu.memref_squeeze %dma_wait3A_833 : memref<1x112x512xf32, #tpu.memory_space<hbm>> -> memref<112x512xf32, #tpu.memory_space<hbm>>
    %dma_wait3A_835 = arith.constant 224 : i32
    %dma_wait3A_836 = arith.constant 0 : i32
    %dma_wait3A_837 = tpu.memref_slice %arg4[%add3A_822, %dma_wait3A_835, %dma_wait3A_836] : memref<64x336x512xf32, #tpu.memory_space<hbm>> -> memref<1x112x512xf32, #tpu.memory_space<hbm>>
    %dma_wait3A_838 = tpu.memref_squeeze %dma_wait3A_837 : memref<1x112x512xf32, #tpu.memory_space<hbm>> -> memref<112x512xf32, #tpu.memory_space<hbm>>
    tpu.wait_dma2 semaphore(%arg13 : memref<!tpu.dma_semaphore, #tpu.memory_space<semaphore_mem>>) src(%arg6 : memref<112x512xf32, #tpu.memory_space<vmem>>) dst(%dma_wait3A_838 : memref<112x512xf32, #tpu.memory_space<hbm>>)
    %add3A_839 = arith.constant 112 : i32
    %add3A_840 = arith.addi %reduce_sum3A_102, %add3A_839 : i32
    %add3A_841 = arith.constant 0 : i32
    %add3A_842 = arith.addi %add3A_840, %add3A_841 : i32
    %add3A_843 = vector.broadcast %add3A_842 : i32 to vector<16xi32>
    %add3A_844 = arith.addi %add3A_843, %iota3A : vector<16xi32>
    %swap3A_845 = arith.constant 0 : index
    %swap3A_846 = tpu.vector_load %arg8[%swap3A_845] {strides = array<i32>} : memref<112xi32, #tpu.memory_space<vmem>>, vector<16xi32>,
    tpu.vector_store %arg8[%swap3A_845], %add3A_844 {strides = array<i32>} : memref<112xi32, #tpu.memory_space<vmem>>, vector<16xi32>,
    %add3A_847 = arith.constant 16 : i32
    %add3A_848 = arith.addi %add3A_840, %add3A_847 : i32
    %add3A_849 = vector.broadcast %add3A_848 : i32 to vector<16xi32>
    %add3A_850 = arith.addi %add3A_849, %iota3A : vector<16xi32>
    %swap3A_851 = arith.constant 16 : index
    %swap3A_852 = tpu.vector_load %arg8[%swap3A_851] {strides = array<i32>} : memref<112xi32, #tpu.memory_space<vmem>>, vector<16xi32>,
    tpu.vector_store %arg8[%swap3A_851], %add3A_850 {strides = array<i32>} : memref<112xi32, #tpu.memory_space<vmem>>, vector<16xi32>,
    %add3A_853 = arith.constant 32 : i32
    %add3A_854 = arith.addi %add3A_840, %add3A_853 : i32
    %add3A_855 = vector.broadcast %add3A_854 : i32 to vector<16xi32>
    %add3A_856 = arith.addi %add3A_855, %iota3A : vector<16xi32>
    %swap3A_857 = arith.constant 32 : index
    %swap3A_858 = tpu.vector_load %arg8[%swap3A_857] {strides = array<i32>} : memref<112xi32, #tpu.memory_space<vmem>>, vector<16xi32>,
    tpu.vector_store %arg8[%swap3A_857], %add3A_856 {strides = array<i32>} : memref<112xi32, #tpu.memory_space<vmem>>, vector<16xi32>,
    %add3A_859 = arith.constant 48 : i32
    %add3A_860 = arith.addi %add3A_840, %add3A_859 : i32
    %add3A_861 = vector.broadcast %add3A_860 : i32 to vector<16xi32>
    %add3A_862 = arith.addi %add3A_861, %iota3A : vector<16xi32>
    %swap3A_863 = arith.constant 48 : index
    %swap3A_864 = tpu.vector_load %arg8[%swap3A_863] {strides = array<i32>} : memref<112xi32, #tpu.memory_space<vmem>>, vector<16xi32>,
    tpu.vector_store %arg8[%swap3A_863], %add3A_862 {strides = array<i32>} : memref<112xi32, #tpu.memory_space<vmem>>, vector<16xi32>,
    %add3A_865 = arith.constant 64 : i32
    %add3A_866 = arith.addi %add3A_840, %add3A_865 : i32
    %add3A_867 = vector.broadcast %add3A_866 : i32 to vector<16xi32>
    %add3A_868 = arith.addi %add3A_867, %iota3A : vector<16xi32>
    %swap3A_869 = arith.constant 64 : index
    %swap3A_870 = tpu.vector_load %arg8[%swap3A_869] {strides = array<i32>} : memref<112xi32, #tpu.memory_space<vmem>>, vector<16xi32>,
    tpu.vector_store %arg8[%swap3A_869], %add3A_868 {strides = array<i32>} : memref<112xi32, #tpu.memory_space<vmem>>, vector<16xi32>,
    %add3A_871 = arith.constant 80 : i32
    %add3A_872 = arith.addi %add3A_840, %add3A_871 : i32
    %add3A_873 = vector.broadcast %add3A_872 : i32 to vector<16xi32>
    %add3A_874 = arith.addi %add3A_873, %iota3A : vector<16xi32>
    %swap3A_875 = arith.constant 80 : index
    %swap3A_876 = tpu.vector_load %arg8[%swap3A_875] {strides = array<i32>} : memref<112xi32, #tpu.memory_space<vmem>>, vector<16xi32>,
    tpu.vector_store %arg8[%swap3A_875], %add3A_874 {strides = array<i32>} : memref<112xi32, #tpu.memory_space<vmem>>, vector<16xi32>,
    %add3A_877 = arith.constant 96 : i32
    %add3A_878 = arith.addi %add3A_840, %add3A_877 : i32
    %add3A_879 = vector.broadcast %add3A_878 : i32 to vector<16xi32>
    %add3A_880 = arith.addi %add3A_879, %iota3A : vector<16xi32>
    %swap3A_881 = arith.constant 96 : index
    %swap3A_882 = tpu.vector_load %arg8[%swap3A_881] {strides = array<i32>} : memref<112xi32, #tpu.memory_space<vmem>>, vector<16xi32>,
    tpu.vector_store %arg8[%swap3A_881], %add3A_880 {strides = array<i32>} : memref<112xi32, #tpu.memory_space<vmem>>, vector<16xi32>,
    %mul3A_883 = arith.constant 2 : i32
    %mul3A_884 = arith.muli %add3A, %mul3A_883 : i32
    %add3A_885 = arith.constant 1 : i32
    %add3A_886 = arith.addi %mul3A_884, %add3A_885 : i32
    %dma_start3A_887 = arith.constant 0 : i32
    %dma_start3A_888 = arith.constant 0 : i32
    %dma_start3A_889 = tpu.memref_slice %arg2[%add3A_886, %dma_start3A_887, %dma_start3A_888] : memref<64x360x512xf32, #tpu.memory_space<hbm>> -> memref<1x360x512xf32, #tpu.memory_space<hbm>>
    %dma_start3A_890 = tpu.memref_squeeze %dma_start3A_889 : memref<1x360x512xf32, #tpu.memory_space<hbm>> -> memref<360x512xf32, #tpu.memory_space<hbm>>
    %dma_start3A_891 = arith.constant 0 : i32
    %dma_start3A_892 = arith.constant 0 : i32
    %dma_start3A_893 = tpu.memref_slice %dma_start3A_890[%dma_start3A_891, %dma_start3A_892] : memref<360x512xf32, #tpu.memory_space<hbm>> -> memref<360x512xf32, #tpu.memory_space<hbm>>
    tpu.enqueue_indirect_dma source(%dma_start3A_893 : memref<360x512xf32, #tpu.memory_space<hbm>>) target(%arg6 : memref<112x512xf32, #tpu.memory_space<vmem>>) offsets(%arg8 : memref<112xi32, #tpu.memory_space<vmem>>) semaphore(%arg11 : memref<!tpu.dma_semaphore, #tpu.memory_space<semaphore_mem>>)
    %dma_wait3A_894 = arith.constant 0 : i32
    %dma_wait3A_895 = arith.constant 0 : i32
    %dma_wait3A_896 = tpu.memref_slice %arg2[%add3A_804, %dma_wait3A_894, %dma_wait3A_895] : memref<64x360x512xf32, #tpu.memory_space<hbm>> -> memref<1x360x512xf32, #tpu.memory_space<hbm>>
    %dma_wait3A_897 = tpu.memref_squeeze %dma_wait3A_896 : memref<1x360x512xf32, #tpu.memory_space<hbm>> -> memref<360x512xf32, #tpu.memory_space<hbm>>
    %dma_wait3A_898 = arith.constant 0 : i32
    %dma_wait3A_899 = arith.constant 0 : i32
    %dma_wait3A_900 = tpu.memref_slice %dma_wait3A_897[%dma_wait3A_898, %dma_wait3A_899] : memref<360x512xf32, #tpu.memory_space<hbm>> -> memref<360x512xf32, #tpu.memory_space<hbm>>
    tpu.wait_indirect_dma semaphore(%arg12 : memref<!tpu.dma_semaphore, #tpu.memory_space<semaphore_mem>>) src(%dma_wait3A_900 : memref<360x512xf32, #tpu.memory_space<hbm>>) dst(%arg7 : memref<112x512xf32, #tpu.memory_space<vmem>>)
    %mul3A_901 = arith.constant 2 : i32
    %mul3A_902 = arith.muli %add3A, %mul3A_901 : i32
    %add3A_903 = arith.constant 1 : i32
    %add3A_904 = arith.addi %mul3A_902, %add3A_903 : i32
    %dma_start3A_905 = arith.constant 0 : i32
    %dma_start3A_906 = arith.constant 0 : i32
    %dma_start3A_907 = tpu.memref_slice %arg5[%add3A_904, %dma_start3A_905, %dma_start3A_906] : memref<64x336x512xf32, #tpu.memory_space<hbm>> -> memref<1x112x512xf32, #tpu.memory_space<hbm>>
    %dma_start3A_908 = tpu.memref_squeeze %dma_start3A_907 : memref<1x112x512xf32, #tpu.memory_space<hbm>> -> memref<112x512xf32, #tpu.memory_space<hbm>>
    %dma_start3A_909 = arith.constant 0 : i32
    %dma_start3A_910 = arith.constant 0 : i32
    %dma_start3A_911 = tpu.memref_slice %arg5[%add3A_904, %dma_start3A_909, %dma_start3A_910] : memref<64x336x512xf32, #tpu.memory_space<hbm>> -> memref<1x112x512xf32, #tpu.memory_space<hbm>>
    %dma_start3A_912 = tpu.memref_squeeze %dma_start3A_911 : memref<1x112x512xf32, #tpu.memory_space<hbm>> -> memref<112x512xf32, #tpu.memory_space<hbm>>
    tpu.enqueue_dma source(%arg7 : memref<112x512xf32, #tpu.memory_space<vmem>>) target(%dma_start3A_912 : memref<112x512xf32, #tpu.memory_space<hbm>>) target_semaphore(%arg14 : memref<!tpu.dma_semaphore, #tpu.memory_space<semaphore_mem>>)
    %dma_wait3A_913 = arith.constant 0 : i32
    %dma_wait3A_914 = arith.constant 0 : i32
    %dma_wait3A_915 = tpu.memref_slice %arg5[%add3A_904, %dma_wait3A_913, %dma_wait3A_914] : memref<64x336x512xf32, #tpu.memory_space<hbm>> -> memref<1x112x512xf32, #tpu.memory_space<hbm>>
    %dma_wait3A_916 = tpu.memref_squeeze %dma_wait3A_915 : memref<1x112x512xf32, #tpu.memory_space<hbm>> -> memref<112x512xf32, #tpu.memory_space<hbm>>
    %dma_wait3A_917 = arith.constant 0 : i32
    %dma_wait3A_918 = arith.constant 0 : i32
    %dma_wait3A_919 = tpu.memref_slice %arg5[%add3A_904, %dma_wait3A_917, %dma_wait3A_918] : memref<64x336x512xf32, #tpu.memory_space<hbm>> -> memref<1x112x512xf32, #tpu.memory_space<hbm>>
    %dma_wait3A_920 = tpu.memref_squeeze %dma_wait3A_919 : memref<1x112x512xf32, #tpu.memory_space<hbm>> -> memref<112x512xf32, #tpu.memory_space<hbm>>
    tpu.wait_dma2 semaphore(%arg14 : memref<!tpu.dma_semaphore, #tpu.memory_space<semaphore_mem>>) src(%arg7 : memref<112x512xf32, #tpu.memory_space<vmem>>) dst(%dma_wait3A_920 : memref<112x512xf32, #tpu.memory_space<hbm>>)
    %add3A_921 = arith.constant 224 : i32
    %add3A_922 = arith.addi %reduce_sum3A_102, %add3A_921 : i32
    %add3A_923 = arith.constant 0 : i32
    %add3A_924 = arith.addi %add3A_922, %add3A_923 : i32
    %add3A_925 = vector.broadcast %add3A_924 : i32 to vector<16xi32>
    %add3A_926 = arith.addi %add3A_925, %iota3A : vector<16xi32>
    %swap3A_927 = arith.constant 0 : index
    %swap3A_928 = tpu.vector_load %arg9[%swap3A_927] {strides = array<i32>} : memref<112xi32, #tpu.memory_space<vmem>>, vector<16xi32>,
    tpu.vector_store %arg9[%swap3A_927], %add3A_926 {strides = array<i32>} : memref<112xi32, #tpu.memory_space<vmem>>, vector<16xi32>,
    %add3A_929 = arith.constant 16 : i32
    %add3A_930 = arith.addi %add3A_922, %add3A_929 : i32
    %add3A_931 = vector.broadcast %add3A_930 : i32 to vector<16xi32>
    %add3A_932 = arith.addi %add3A_931, %iota3A : vector<16xi32>
    %swap3A_933 = arith.constant 16 : index
    %swap3A_934 = tpu.vector_load %arg9[%swap3A_933] {strides = array<i32>} : memref<112xi32, #tpu.memory_space<vmem>>, vector<16xi32>,
    tpu.vector_store %arg9[%swap3A_933], %add3A_932 {strides = array<i32>} : memref<112xi32, #tpu.memory_space<vmem>>, vector<16xi32>,
    %add3A_935 = arith.constant 32 : i32
    %add3A_936 = arith.addi %add3A_922, %add3A_935 : i32
    %add3A_937 = vector.broadcast %add3A_936 : i32 to vector<16xi32>
    %add3A_938 = arith.addi %add3A_937, %iota3A : vector<16xi32>
    %swap3A_939 = arith.constant 32 : index
    %swap3A_940 = tpu.vector_load %arg9[%swap3A_939] {strides = array<i32>} : memref<112xi32, #tpu.memory_space<vmem>>, vector<16xi32>,
    tpu.vector_store %arg9[%swap3A_939], %add3A_938 {strides = array<i32>} : memref<112xi32, #tpu.memory_space<vmem>>, vector<16xi32>,
    %add3A_941 = arith.constant 48 : i32
    %add3A_942 = arith.addi %add3A_922, %add3A_941 : i32
    %add3A_943 = vector.broadcast %add3A_942 : i32 to vector<16xi32>
    %add3A_944 = arith.addi %add3A_943, %iota3A : vector<16xi32>
    %swap3A_945 = arith.constant 48 : index
    %swap3A_946 = tpu.vector_load %arg9[%swap3A_945] {strides = array<i32>} : memref<112xi32, #tpu.memory_space<vmem>>, vector<16xi32>,
    tpu.vector_store %arg9[%swap3A_945], %add3A_944 {strides = array<i32>} : memref<112xi32, #tpu.memory_space<vmem>>, vector<16xi32>,
    %add3A_947 = arith.constant 64 : i32
    %add3A_948 = arith.addi %add3A_922, %add3A_947 : i32
    %add3A_949 = vector.broadcast %add3A_948 : i32 to vector<16xi32>
    %add3A_950 = arith.addi %add3A_949, %iota3A : vector<16xi32>
    %swap3A_951 = arith.constant 64 : index
    %swap3A_952 = tpu.vector_load %arg9[%swap3A_951] {strides = array<i32>} : memref<112xi32, #tpu.memory_space<vmem>>, vector<16xi32>,
    tpu.vector_store %arg9[%swap3A_951], %add3A_950 {strides = array<i32>} : memref<112xi32, #tpu.memory_space<vmem>>, vector<16xi32>,
    %add3A_953 = arith.constant 80 : i32
    %add3A_954 = arith.addi %add3A_922, %add3A_953 : i32
    %add3A_955 = vector.broadcast %add3A_954 : i32 to vector<16xi32>
    %add3A_956 = arith.addi %add3A_955, %iota3A : vector<16xi32>
    %swap3A_957 = arith.constant 80 : index
    %swap3A_958 = tpu.vector_load %arg9[%swap3A_957] {strides = array<i32>} : memref<112xi32, #tpu.memory_space<vmem>>, vector<16xi32>,
    tpu.vector_store %arg9[%swap3A_957], %add3A_956 {strides = array<i32>} : memref<112xi32, #tpu.memory_space<vmem>>, vector<16xi32>,
    %add3A_959 = arith.constant 96 : i32
    %add3A_960 = arith.addi %add3A_922, %add3A_959 : i32
    %add3A_961 = vector.broadcast %add3A_960 : i32 to vector<16xi32>
    %add3A_962 = arith.addi %add3A_961, %iota3A : vector<16xi32>
    %swap3A_963 = arith.constant 96 : index
    %swap3A_964 = tpu.vector_load %arg9[%swap3A_963] {strides = array<i32>} : memref<112xi32, #tpu.memory_space<vmem>>, vector<16xi32>,
    tpu.vector_store %arg9[%swap3A_963], %add3A_962 {strides = array<i32>} : memref<112xi32, #tpu.memory_space<vmem>>, vector<16xi32>,
    %mul3A_965 = arith.constant 2 : i32
    %mul3A_966 = arith.muli %add3A, %mul3A_965 : i32
    %add3A_967 = arith.constant 1 : i32
    %add3A_968 = arith.addi %mul3A_966, %add3A_967 : i32
    %dma_start3A_969 = arith.constant 0 : i32
    %dma_start3A_970 = arith.constant 0 : i32
    %dma_start3A_971 = tpu.memref_slice %arg2[%add3A_968, %dma_start3A_969, %dma_start3A_970] : memref<64x360x512xf32, #tpu.memory_space<hbm>> -> memref<1x360x512xf32, #tpu.memory_space<hbm>>
    %dma_start3A_972 = tpu.memref_squeeze %dma_start3A_971 : memref<1x360x512xf32, #tpu.memory_space<hbm>> -> memref<360x512xf32, #tpu.memory_space<hbm>>
    %dma_start3A_973 = arith.constant 0 : i32
    %dma_start3A_974 = arith.constant 0 : i32
    %dma_start3A_975 = tpu.memref_slice %dma_start3A_972[%dma_start3A_973, %dma_start3A_974] : memref<360x512xf32, #tpu.memory_space<hbm>> -> memref<360x512xf32, #tpu.memory_space<hbm>>
    tpu.enqueue_indirect_dma source(%dma_start3A_975 : memref<360x512xf32, #tpu.memory_space<hbm>>) target(%arg7 : memref<112x512xf32, #tpu.memory_space<vmem>>) offsets(%arg9 : memref<112xi32, #tpu.memory_space<vmem>>) semaphore(%arg12 : memref<!tpu.dma_semaphore, #tpu.memory_space<semaphore_mem>>)
    %dma_wait3A_976 = arith.constant 0 : i32
    %dma_wait3A_977 = arith.constant 0 : i32
    %dma_wait3A_978 = tpu.memref_slice %arg2[%add3A_886, %dma_wait3A_976, %dma_wait3A_977] : memref<64x360x512xf32, #tpu.memory_space<hbm>> -> memref<1x360x512xf32, #tpu.memory_space<hbm>>
    %dma_wait3A_979 = tpu.memref_squeeze %dma_wait3A_978 : memref<1x360x512xf32, #tpu.memory_space<hbm>> -> memref<360x512xf32, #tpu.memory_space<hbm>>
    %dma_wait3A_980 = arith.constant 0 : i32
    %dma_wait3A_981 = arith.constant 0 : i32
    %dma_wait3A_982 = tpu.memref_slice %dma_wait3A_979[%dma_wait3A_980, %dma_wait3A_981] : memref<360x512xf32, #tpu.memory_space<hbm>> -> memref<360x512xf32, #tpu.memory_space<hbm>>
    tpu.wait_indirect_dma semaphore(%arg11 : memref<!tpu.dma_semaphore, #tpu.memory_space<semaphore_mem>>) src(%dma_wait3A_982 : memref<360x512xf32, #tpu.memory_space<hbm>>) dst(%arg6 : memref<112x512xf32, #tpu.memory_space<vmem>>)
    %mul3A_983 = arith.constant 2 : i32
    %mul3A_984 = arith.muli %add3A, %mul3A_983 : i32
    %add3A_985 = arith.constant 1 : i32
    %add3A_986 = arith.addi %mul3A_984, %add3A_985 : i32
    %dma_start3A_987 = arith.constant 112 : i32
    %dma_start3A_988 = arith.constant 0 : i32
    %dma_start3A_989 = tpu.memref_slice %arg5[%add3A_986, %dma_start3A_987, %dma_start3A_988] : memref<64x336x512xf32, #tpu.memory_space<hbm>> -> memref<1x112x512xf32, #tpu.memory_space<hbm>>
    %dma_start3A_990 = tpu.memref_squeeze %dma_start3A_989 : memref<1x112x512xf32, #tpu.memory_space<hbm>> -> memref<112x512xf32, #tpu.memory_space<hbm>>
    %dma_start3A_991 = arith.constant 112 : i32
    %dma_start3A_992 = arith.constant 0 : i32
    %dma_start3A_993 = tpu.memref_slice %arg5[%add3A_986, %dma_start3A_991, %dma_start3A_992] : memref<64x336x512xf32, #tpu.memory_space<hbm>> -> memref<1x112x512xf32, #tpu.memory_space<hbm>>
    %dma_start3A_994 = tpu.memref_squeeze %dma_start3A_993 : memref<1x112x512xf32, #tpu.memory_space<hbm>> -> memref<112x512xf32, #tpu.memory_space<hbm>>
    tpu.enqueue_dma source(%arg6 : memref<112x512xf32, #tpu.memory_space<vmem>>) target(%dma_start3A_994 : memref<112x512xf32, #tpu.memory_space<hbm>>) target_semaphore(%arg13 : memref<!tpu.dma_semaphore, #tpu.memory_space<semaphore_mem>>)
    %dma_wait3A_995 = arith.constant 0 : i32
    %dma_wait3A_996 = arith.constant 0 : i32
    %dma_wait3A_997 = tpu.memref_slice %arg2[%add3A_968, %dma_wait3A_995, %dma_wait3A_996] : memref<64x360x512xf32, #tpu.memory_space<hbm>> -> memref<1x360x512xf32, #tpu.memory_space<hbm>>
    %dma_wait3A_998 = tpu.memref_squeeze %dma_wait3A_997 : memref<1x360x512xf32, #tpu.memory_space<hbm>> -> memref<360x512xf32, #tpu.memory_space<hbm>>
    %dma_wait3A_999 = arith.constant 0 : i32
    %dma_wait3A_1000 = arith.constant 0 : i32
    %dma_wait3A_1001 = tpu.memref_slice %dma_wait3A_998[%dma_wait3A_999, %dma_wait3A_1000] : memref<360x512xf32, #tpu.memory_space<hbm>> -> memref<360x512xf32, #tpu.memory_space<hbm>>
    tpu.wait_indirect_dma semaphore(%arg12 : memref<!tpu.dma_semaphore, #tpu.memory_space<semaphore_mem>>) src(%dma_wait3A_1001 : memref<360x512xf32, #tpu.memory_space<hbm>>) dst(%arg7 : memref<112x512xf32, #tpu.memory_space<vmem>>)
    %mul3A_1002 = arith.constant 2 : i32
    %mul3A_1003 = arith.muli %add3A, %mul3A_1002 : i32
    %add3A_1004 = arith.constant 1 : i32
    %add3A_1005 = arith.addi %mul3A_1003, %add3A_1004 : i32
    %dma_start3A_1006 = arith.constant 224 : i32
    %dma_start3A_1007 = arith.constant 0 : i32
    %dma_start3A_1008 = tpu.memref_slice %arg5[%add3A_1005, %dma_start3A_1006, %dma_start3A_1007] : memref<64x336x512xf32, #tpu.memory_space<hbm>> -> memref<1x112x512xf32, #tpu.memory_space<hbm>>
    %dma_start3A_1009 = tpu.memref_squeeze %dma_start3A_1008 : memref<1x112x512xf32, #tpu.memory_space<hbm>> -> memref<112x512xf32, #tpu.memory_space<hbm>>
    %dma_start3A_1010 = arith.constant 224 : i32
    %dma_start3A_1011 = arith.constant 0 : i32
    %dma_start3A_1012 = tpu.memref_slice %arg5[%add3A_1005, %dma_start3A_1010, %dma_start3A_1011] : memref<64x336x512xf32, #tpu.memory_space<hbm>> -> memref<1x112x512xf32, #tpu.memory_space<hbm>>
    %dma_start3A_1013 = tpu.memref_squeeze %dma_start3A_1012 : memref<1x112x512xf32, #tpu.memory_space<hbm>> -> memref<112x512xf32, #tpu.memory_space<hbm>>
    tpu.enqueue_dma source(%arg7 : memref<112x512xf32, #tpu.memory_space<vmem>>) target(%dma_start3A_1013 : memref<112x512xf32, #tpu.memory_space<hbm>>) target_semaphore(%arg14 : memref<!tpu.dma_semaphore, #tpu.memory_space<semaphore_mem>>)
    %dma_wait3A_1014 = arith.constant 112 : i32
    %dma_wait3A_1015 = arith.constant 0 : i32
    %dma_wait3A_1016 = tpu.memref_slice %arg5[%add3A_986, %dma_wait3A_1014, %dma_wait3A_1015] : memref<64x336x512xf32, #tpu.memory_space<hbm>> -> memref<1x112x512xf32, #tpu.memory_space<hbm>>
    %dma_wait3A_1017 = tpu.memref_squeeze %dma_wait3A_1016 : memref<1x112x512xf32, #tpu.memory_space<hbm>> -> memref<112x512xf32, #tpu.memory_space<hbm>>
    %dma_wait3A_1018 = arith.constant 112 : i32
    %dma_wait3A_1019 = arith.constant 0 : i32
    %dma_wait3A_1020 = tpu.memref_slice %arg5[%add3A_986, %dma_wait3A_1018, %dma_wait3A_1019] : memref<64x336x512xf32, #tpu.memory_space<hbm>> -> memref<1x112x512xf32, #tpu.memory_space<hbm>>
    %dma_wait3A_1021 = tpu.memref_squeeze %dma_wait3A_1020 : memref<1x112x512xf32, #tpu.memory_space<hbm>> -> memref<112x512xf32, #tpu.memory_space<hbm>>
    tpu.wait_dma2 semaphore(%arg13 : memref<!tpu.dma_semaphore, #tpu.memory_space<semaphore_mem>>) src(%arg6 : memref<112x512xf32, #tpu.memory_space<vmem>>) dst(%dma_wait3A_1021 : memref<112x512xf32, #tpu.memory_space<hbm>>)
    %dma_wait3A_1022 = arith.constant 224 : i32
    %dma_wait3A_1023 = arith.constant 0 : i32
    %dma_wait3A_1024 = tpu.memref_slice %arg5[%add3A_1005, %dma_wait3A_1022, %dma_wait3A_1023] : memref<64x336x512xf32, #tpu.memory_space<hbm>> -> memref<1x112x512xf32, #tpu.memory_space<hbm>>
    %dma_wait3A_1025 = tpu.memref_squeeze %dma_wait3A_1024 : memref<1x112x512xf32, #tpu.memory_space<hbm>> -> memref<112x512xf32, #tpu.memory_space<hbm>>
    %dma_wait3A_1026 = arith.constant 224 : i32
    %dma_wait3A_1027 = arith.constant 0 : i32
    %dma_wait3A_1028 = tpu.memref_slice %arg5[%add3A_1005, %dma_wait3A_1026, %dma_wait3A_1027] : memref<64x336x512xf32, #tpu.memory_space<hbm>> -> memref<1x112x512xf32, #tpu.memory_space<hbm>>
    %dma_wait3A_1029 = tpu.memref_squeeze %dma_wait3A_1028 : memref<1x112x512xf32, #tpu.memory_space<hbm>> -> memref<112x512xf32, #tpu.memory_space<hbm>>
    tpu.wait_dma2 semaphore(%arg14 : memref<!tpu.dma_semaphore, #tpu.memory_space<semaphore_mem>>) src(%arg7 : memref<112x512xf32, #tpu.memory_space<vmem>>) dst(%dma_wait3A_1029 : memref<112x512xf32, #tpu.memory_space<hbm>>)
    return
  }
}

</mosaic_0001>

<sc_bundles>
// kernel: kernel.5.cloned.1.call-start
scs
__scs_entry_jumppad:
0x0: {  	(pc) =	sbr.rel $0x88, $3  }
0x1: {  	(tag) =	ssettag $0x0;
	lr =	simm.s32 $0x1  }
0x2: {  	[smem:$0x3FA0] =	sst lr;
	_ =	strace $0xD0000000  }
0x3: {  	_ = 	snop  }
0x4: {  	_ = 	snop  }
0x5: {  	_ = 	snop  }
0x6: {  	_ = 	snop  }
0x7: {  	_ = 	snop  }
__scs_overlays_trampoline_lowered:
0x8: {  	[smem:$0x3FAF] =	sst s0  }
0x9: {  	[smem:$0x3FB0] =	sst s1  }
0xa: {  	[smem:$0x3FB1] =	sst s2  }
0xb: {  	[smem:$0x3FB2] =	sst s3  }
0xc: {  	[smem:$0x3FB3] =	sst s4  }
0xd: {  	[smem:$0x3FB4] =	sst s5  }
0xe: {  	[smem:$0x3FB5] =	sst s6  }
0xf: {  	[smem:$0x3FB6] =	sst s7  }
0x10: {  	[smem:$0x3FB7] =	sst s8  }
0x11: {  	[smem:$0x3FB8] =	sst s9;
	s0 =	simm.s32 @!p0 $0x0  }
0x12: {  	s1 =	sld [smem:$0x3F9E];
	s0 =	simm.s32 @p0 $0x1  }
0x13: {  	[smem:$0x3FB9] =	sst s0;
	s0 =	simm.s32 @!p1 $0x0  }
0x14: {  	s2 =	sld [smem:$0x3F9D];
	s0 =	simm.s32 @p1 $0x1  }
0x15: {  	[smem:$0x3FBA] =	sst s0;
	s0 =	simm.s32 @!p2 $0x0  }
0x16: {  	s3 =	sld [smem:$0x3FDB];
	s0 =	simm.s32 @p2 $0x1  }
0x17: {  	s4 =	simm.s32 $0x1BF5;
	[smem:$0x3FBC] =	sst s0  }
0x18: {  	s0 =	sld [smem:$0x3F9F];
	_ =	swait.ge [sflag:s4], $0x0  }
0x19: {  	s7 =	sld [smem:$0x3FA0]  }
0x1a: {  	s8 =	sadd.s32 $0xFFFFE003, lr  }
0x1b: {  	s9 =	sadd.s32 $0xFFFFFEF7, lr;
	s5 =	simm.s32 $0xFFFFFFFF;
	p2 =	slt.u32 s8, $0xFFFFF086  }
0x1c: {  	p1 =	slt.u32 s9, $0xF7A;
	s5 =	simm.s32 @!p2 $0x0  }
0x1d: {  	s5 =	simm.s32 @p1 $0x1;
	p0 =	seq.s32 s7, s2  }
0x1e: {  	s7 =	smul.u32 @!p0 $0xF7A, s2;
	p2 =	seq.s32 @!p0 s5, $0x0  }
0x1f: {  	s9 =	smul.u32 $0xF7A, s1;
	s8 =	simm.s32 @!p0 $0x1BF5;
	p2 =	por !p2, p0  }
0x20: {  	[sflag:s8] =	ssyncset.s32 @!p0 $0xFFFFF086;
	s6 =	sadd.s32 @!p0 s3, s7;
	s7 =	simm.s32 @!p0 $0x108  }
0x21: {  	s3 =	sadd.s32 s3, s9;
	s6 =	sadd.s32 @!p0 $0x88, s6;
	s7 =	simm.s32 @p2 $0x1082  }
0x22: {  	[simem:s7], [sflag:s8] =	dma.local @!p0 [hbm:s6], $0xF7A  }
0x23: {  	s9 =	sor.u32 $0xD0000000, s2;
	s6 =	simm.s32 $0x108;
	_ =	swait.ge @!p0 [sflag:s8], $0x0  }
0x24: {  	s3 =	sadd.s32 $0x88, s3;
	s6 =	simm.s32 @!p1 $0x1082;
	[sflag:s4] =	ssyncset.s32 $0xFFFFF086  }
0x25: {  	[simem:s6], [sflag:s4] =	dma.local [hbm:s3], $0xF7A  }
0x26: {  	[smem:$0x3FA0] =	sst s1;
	(tag) =	ssettag s2;
	_ =	strace s9  }
0x27: {  	s1 =	sld [smem:$0x3FB0]  }
0x28: {  	s2 =	sld [smem:$0x3FB1]  }
0x29: {  	s4 =	sld [smem:$0x3FB3]  }
0x2a: {  	p0 =	seq.s32 s5, $0x0;
	s5 =	sld [smem:$0x3FB4]  }
0x2b: {  	s6 =	sld [smem:$0x3FB5]  }
0x2c: {  	s7 =	sld [smem:$0x3FB6]  }
0x2d: {  	s3 =	simm.s32 $0x108;
	s8 =	sld [smem:$0x3FB7]  }
0x2e: {  	s3 =	simm.s32 @!p0 $0x1082;
	s9 =	sld [smem:$0x3FB8]  }
0x2f: {  	lr =	sadd.s32 s0, s3;
	s0 =	sld [smem:$0x3FAF]  }
0x30: {  	s3 =	sld [smem:$0x3FB2]  }
0x31: {  	[smem:$0x3FBB] =	sst s10  }
0x32: {  	s10 =	sld [smem:$0x3FB9];
	_ =	sdelay $0x3  }
0x33: {  	p0 =	seq.s32 s10, $0x1;
	s10 =	sld [smem:$0x3FBB];
	_ =	sdelay $0x3  }
0x34: {  	[smem:$0x3FBB] =	sst s10  }
0x35: {  	s10 =	sld [smem:$0x3FBA];
	_ =	sdelay $0x3  }
0x36: {  	p1 =	seq.s32 s10, $0x1;
	s10 =	sld [smem:$0x3FBB];
	_ =	sdelay $0x3  }
0x37: {  	[smem:$0x3FBB] =	sst s10  }
0x38: {  	s10 =	sld [smem:$0x3FBC]  }
0x39: {  	_ = 	snop;
	(pc) =	sbr.ind lr, $3  }
0x3a: {  	_ = 	snop  }
0x3b: {  	_ = 	snop  }
0x3c: {  	p2 =	seq.s32 s10, $0x1;
	s10 =	sld [smem:$0x3FBB]  }
0x3d: {  	_ =	shalt  }
0x3e: {  	_ =	shalt  }
0x3f: {  	_ =	shalt  }
0x40: {  	_ =	shalt  }
0x41: {  	_ =	shalt  }
0x42: {  	_ =	shalt  }
0x43: {  	_ =	shalt  }
0x44: {  	_ =	shalt  }
0x45: {  	_ =	shalt  }
0x46: {  	_ =	shalt  }
0x47: {  	_ =	shalt  }
0x48: {  	_ =	shalt  }
0x49: {  	_ =	shalt  }
0x4a: {  	_ =	shalt  }
0x4b: {  	_ =	shalt  }
0x4c: {  	_ =	shalt  }
0x4d: {  	_ =	shalt  }
0x4e: {  	_ =	shalt  }
0x4f: {  	_ =	shalt  }
0x50: {  	_ =	shalt  }
0x51: {  	_ =	shalt  }
0x52: {  	_ =	shalt  }
0x53: {  	_ =	shalt  }
0x54: {  	_ =	shalt  }
0x55: {  	_ =	shalt  }
0x56: {  	_ =	shalt  }
0x57: {  	_ =	shalt  }
0x58: {  	_ =	shalt  }
0x59: {  	_ =	shalt  }
0x5a: {  	_ =	shalt  }
0x5b: {  	_ =	shalt  }
0x5c: {  	_ =	shalt  }
0x5d: {  	_ =	shalt  }
0x5e: {  	_ =	shalt  }
0x5f: {  	_ =	shalt  }
0x60: {  	_ =	shalt  }
0x61: {  	_ =	shalt  }
0x62: {  	_ =	shalt  }
0x63: {  	_ =	shalt  }
0x64: {  	_ =	shalt  }
0x65: {  	_ =	shalt  }
0x66: {  	_ =	shalt  }
0x67: {  	_ =	shalt  }
0x68: {  	_ =	shalt  }
0x69: {  	_ =	shalt  }
0x6a: {  	_ =	shalt  }
0x6b: {  	_ =	shalt  }
0x6c: {  	_ =	shalt  }
0x6d: {  	_ =	shalt  }
0x6e: {  	_ =	shalt  }
0x6f: {  	_ =	shalt  }
0x70: {  	_ =	shalt  }
0x71: {  	_ =	shalt  }
0x72: {  	_ =	shalt  }
0x73: {  	_ =	shalt  }
0x74: {  	_ =	shalt  }
0x75: {  	_ =	shalt  }
0x76: {  	_ =	shalt  }
0x77: {  	_ =	shalt  }
0x78: {  	_ =	shalt  }
0x79: {  	_ =	shalt  }
0x7a: {  	_ =	shalt  }
0x7b: {  	_ =	shalt  }
0x7c: {  	_ =	shalt  }
0x7d: {  	_ =	shalt  }
0x7e: {  	_ =	shalt  }
0x7f: {  	_ =	shalt  }
0x80: {  	_ =	shalt  }
0x81: {  	_ =	shalt  }
0x82: {  	_ =	shalt  }
0x83: {  	_ =	shalt  }
0x84: {  	_ =	shalt  }
0x85: {  	_ =	shalt  }
0x86: {  	_ =	shalt  }
0x87: {  	_ =	shalt  }
.Lfunc_end0:
.L_simem_size_0:
called_computation_lowered:
.L_overlay_start_0:
0x88: {  	s2 =	sld [smem:$0x3FD9]  }
0x89: {  	s3 =	sld [smem:$0x3FFE];
	_ =	sdelay $0x1  }
0x8a: {  	s1 =	srdreg.scid  }
0x8b: {  	s0 =	sand.u32 $0x1, s1  }
0x8c: {  	s14 =	sshll.u32 s0, $0xA;
	s2 =	sadd.s32 s3, s2  }
0x8d: {  	s2 =	sadd.s32 s2, s14  }
0x8e: {  	[smem:$0x3FC7] =	sst s2  }
0x8f: {  	_ = 	snop  }
0x90: {  	s2 =	sld [smem:$0x3FD0];
	_ =	sdelay $0x2  }
0x91: {  	s4 =	simm.s32 $0xA;
	s5 =	simm.s32 $0x10;
	s15 =	sld [smem:$0x3FC9]  }
0x92: {  	[smem:s5], [sflag:s4] =	dma.local [hbm:s2], $0x1  }
0x93: {  	_ =	swait.eq [sflag:s4], $0x1  }
0x94: {  	[sflag:s4] =	ssyncset.done $0x0  }
0x95: {  	s16 =	sld [smem:$0x10];
	[sflag:s4] =	ssyncadd.s32 $0xFFFFFFFF  }
0x96: {  	s17 =	sld [smem:$0x11];
	(tm) =	ssettm $0x1  }
0x97: {  	s18 =	sld [smem:$0x3FFB];
	_ =	sdelay $0x3  }
0x98: {  	_ =	strace s18  }
0x99: {  	s5 =	sld [smem:$0x3FFC];
	_ =	sdelay $0x3  }
0x9a: {  	_ =	strace s5  }
0x9b: {  	s5 =	sld [smem:$0x3FFD];
	_ =	sdelay $0x3  }
0x9c: {  	_ =	strace s5  }
0x9d: {  	_ =	strace $0x8FFFFFFF  }
0x9e: {  	s19 =	sld [smem:$0x3FDB];
	_ =	sdelay $0x1  }
0x9f: {  	s6 =	simm.s32 $_scs_section_size  }
0xa0: {  	s7 =	simm.s32 $_size__tile_overlayer_lowered;
	s8 =	simm.s32 $_tile_overlayer_lowered  }
0xa1: {  	s22 =	simm.s32 $0x1BFF;
	s21 =	sshll.u32 s8, $0x1;
	s5 =	sadd.s32 s6, s19  }
0xa2: {  	s9 =	simm.s32 $0x0;
	s20 =	sshll.u32 s7, $0x1;
	s7 =	sadd.s32 s21, s5  }
0xa3: {  	[timem:s9], [sflag:s22] =	dma.local [hbm:s7], s20  }
0xa4: {  	_ =	swait.ge [sflag:s22], s20  }
0xa5: {  	s6 =	ssub.s32 $0x0, s20;
	[sflag:s22] =	ssyncset.done $0x0  }
0xa6: {  	[sflag:s22] =	ssyncadd.s32 s6;
	_ =	sdelay $0x1  }
0xa7: {  	s23 =	simm.s32 $0x1B8B  }
0xa8: {  	_ =	swait.ge [sflag:s23], $0x1  }
0xa9: {  	[sflag:s23] =	ssyncset.done $0x0  }
0xaa: {  	s25 =	simm.s32 $0x1B8E;
	s24 =	sld [smem:$0x3FFE];
	[sflag:s23] =	ssyncadd.s32 $0xFFFFFFFF  }
0xab: {  	s26 =	simm.s32 $execute0_lowered;
	[smem:$0x3FD2] =	sst s25  }
0xac: {  	s7 =	sshll.u32 s26, $0x1;
	_ =	strace $0x80000046;
	[dreg:$0x1] =	wrdreg $0xFFFFFFFF  }
0xad: {  	s28 =	simm.s32 $_size_execute0_lowered;
	s5 =	sadd.s32 s5, s7;
	[dreg:$0x0] =	wrdreg $0x0  }
0xae: {  	s7 =	sshll.u32 s28, $0x1;
	[dreg:$0x2] =	wrdreg s5  }
0xaf: {  	[dreg:$0x3] =	wrdreg s7  }
0xb0: {  	[dreg:$0x4] =	wrdreg $0xC0  }
0xb1: {  	_ =	task [dreg:s9], $0x5FFFF  }
0xb2: {  	[dreg:$0x1] =	wrdreg $0xFFFFFFFF  }
0xb3: {  	[dreg:$0x0] =	wrdreg $0x60  }
0xb4: {  	[dreg:$0x2] =	wrdreg s15  }
0xb5: {  	[dreg:$0x3] =	wrdreg s24  }
0xb6: {  	[dreg:$0x4] =	wrdreg s16  }
0xb7: {  	[dreg:$0x5] =	wrdreg s17  }
0xb8: {  	[dreg:$0x6] =	wrdreg $0x9  }
0xb9: {  	_ =	task.clear_ibuf [dreg:s9], $0x7FFFF;
	_ =	strace $0x90000046  }
0xba: {  	s29 =	simm.s32 $0x9;
	_ =	strace $0x80000048  }
0xbb: {  	_ =	swait.ge [sflag:s29], $0x1  }
0xbc: {  	[sflag:s29] =	ssyncadd.s32 $0xFFFFFFFF  }
0xbd: {  	_ =	strace $0x90000048  }
0xbe: {  	_ =	sfence  }
0xbf: {  	s30 =	sld [smem:$0x0];
	_ =	sdelay $0x2  }
0xc0: {  	s31 =	sshll.u32 s1, $0xD;
	s1 =	sshrl.u32 s1, $0x2  }
0xc1: {  	s3 =	sand.u32 $0x4000, s31;
	s1 =	sadd.s32 s1, s30  }
0xc2: {  	s0 =	sor.u32 s3, s0;
	s1 =	sshll.u32 s1, $0x11  }
0xc3: {  	s0 =	sor.u32 s1, s0  }
0xc4: {  	s0 =	sadd.s32 $0x8F2B, s0  }
0xc5: {  	[sflag:s0] =	ssyncadd.remote.s32 $0x1  }
0xc6: {  	_ =	sfence.sel $0xFFFF  }
0xc7: {  	[dreg:$0x0] =	wrdreg $0xFFFFFFFF;
	(pc) =	sbr.abs _section_cstart, $3  }
0xc8: {  	[dreg:$0x1] =	wrdreg $0xFFFFFFFF  }
0xc9: {  	_ =	task.clear_ibuf [dreg:s9], $0x2FFFF;
	_ =	strace $0x9FFFFFFF  }
0xca: {  	(tm) =	ssettm $0x7FFFFFFF  }
0xcb: {  	_ =	shalt  }
tec
execute0_lowered:
.L_overlay_start_1:
0x0: {  	(tag) =	ssettag $0x1  }
0x1: {  	v0 =	vimm.s32 $0x47464544;
	v3 =	vimm.s32 $0x27262524;
	v4 =	vimm.s32 $0x43424140  }
0x2: {  	vm1 =	vcmask $0x1F10;
	vm2 =	vcmask $0x704;
	vm3 =	vcmask $0x3B38  }
0x3: {  	v2 =	vunpack.c.0.s8.s32 v0;
	v0 =	vimm.s32 $0x63626160;
	v3 =	vunpack.c.0.s8.s32 v3  }
0x4: {  	s1 =	srdreg.scid;
	v4 =	vunpack.c.0.s8.s32 v4;
	v5 =	vunpack.c.0.s8.s32 v0;
	v0 =	vlaneseq.u32  }
0x5: {  	s8 =	stileid.u32;
	s6 =	sand.u32 $0x1, s1;
	v7 =	vshrl.u32 v0, $0x3;
	v9 =	vadd.s32 $0x5C, v0;
	v10 =	vadd.s32 $0x6C, v0  }
0x6: {  	s4 =	sshll.u32 s8, $0x2;
	s7 =	sshll.u32 s6, $0x1;
	v13 =	vadd.s32 $0x7C, v0;
	v14 =	vadd.s32 $0x8C, v0;
	v15 =	vadd.s32 $0x9C, v0  }
0x7: {  	s4 =	sor.u32 s7, s4;
	v16 =	vadd.s32 $0xAC, v0;
	v17 =	vadd.s32 $0xBC, v0;
	v19 =	vadd.s32 $0xDC, v0  }
0x8: {  	v22 =	vadd.s32 $0xEC, v0;
	v23 =	vadd.s32 $0xFC, v0;
	v24 =	vadd.s32 $0x10C, v0;
	s10 =	sor.u32 $0x1, s4  }
0x9: {  	v26 =	vadd.s32 $0x12C, v0;
	v27 =	vadd.s32 $0x13C, v0;
	v28 =	vadd.s32 $0x14C, v0;
	s15 =	sand.u32 $0xF, s10  }
0xa: {  	s9 =	sand.u32 $0xE, s4;
	v5 =	vsel vm1, v5, v2;
	v2 =	vimm.s32 $0x223;
	v6 =	vmov s15  }
0xb: {  	v7 =	vmul.u32 $0x8, v7;
	v1 =	vmov s9;
	vm0 =	veq.s32 v6, v0  }
0xc: {  	v6 =	vsel vm1, v4, v3;
	vm1 =	vcmask $0x300;
	v3 =	vimm.s32 $0x3E3  }
0xd: {  	v4 =	vadd.s32 $0x3C, v0;
	v2 =	vsel vm1, $0x1E4, v2;
	v3 =	vsel vm1, $0x3A4, v3  }
0xe: {  	vm1 =	vcmask $0xB08;
	v8 =	vcombine.low v6, v5;
	v5 =	vand.u32 $0x7, v0  }
0xf: {  	s0 =	rddreg [dreg:$0x0];
	v6 =	vor.u32 $0x8, v0;
	v2 =	vsel vm2, $0x1E5, v2;
	v3 =	vsel vm2, $0x3A5, v3  }
0x10: {  	s5 =	rddreg [dreg:$0x1];
	vm2 =	vcmask $0xF0C;
	v2 =	vsel vm1, $0x1E6, v2;
	v3 =	vsel vm1, $0x3A6, v3  }
0x11: {  	s3 =	rddreg [dreg:$0x2];
	vm1 =	vcmask $0x1310;
	v11 =	vperm.xlane v8, v5;
	v12 =	vperm.xlane v8, v6  }
0x12: {  	s31 =	rddreg [dreg:$0x3];
	s2 =	simm.s32 $0x0;
	s13 =	sshrl.u32 s8, $0x1;
	v8 =	vadd.s32 $0x4C, v0;
	v2 =	vsel vm2, $0x1E7, v2;
	v3 =	vsel vm2, $0x3A7, v3  }
0x13: {  	[smem:$0x7FF] =	sst s2;
	s7 =	sand.u32 $0x6, s13;
	s14 =	smul.u32 $0x2A000, s4;
	vm2 =	vcmask $0x1714;
	v2 =	vsel vm1, $0x200, v2;
	v3 =	vsel vm1, $0x3C0, v3  }
0x14: {  	_ =	strace $0x80000047;
	s6 =	ssub.s32 $0x2, s6;
	s5 =	sadd.s32 s7, s5;
	vm1 =	vcmask $0x1B18;
	v11 =	vadd.s32 v7, v11;
	v12 =	vadd.s32 v7, v12  }
0x15: {  	s16 =	sshrl.u32 s6, $0x1;
	s5 =	sadd.s32 $0x1400, s5;
	s8 =	sshrl.u32 s14, $0x3;
	v2 =	vsel vm2, $0x201, v2;
	v3 =	vsel vm2, $0x3C1, v3;
	vm2 =	vcmask $0x1F1C  }
0x16: {  	s6 =	ssub.s32 s6, s16;
	[dreg:$0x11] =	wrdreg s5;
	s12 =	sadd.s32 s3, s8;
	v2 =	vsel vm1, $0x202, v2;
	v3 =	vsel vm1, $0x3C2, v3;
	vm1 =	vcmask $0x2320  }
0x17: {  	s11 =	sadd.s32 $0x1C00, s8;
	s19 =	sadd.s32 s31, s8;
	[dreg:$0x5] =	wrdreg s12;
	v2 =	vsel vm2, $0x203, v2;
	v3 =	vsel vm2, $0x3C3, v3;
	vm2 =	vcmask $0x2724  }
0x18: {  	s13 =	sadd.s32 $0x3800, s8;
	s17 =	sadd.s32 s3, s11;
	[dreg:$0x8] =	wrdreg s19;
	v2 =	vsel vm1, $0x204, v2;
	v3 =	vsel vm1, $0x3C4, v3;
	vm1 =	vcmask $0x2B28  }
0x19: {  	s20 =	smul.u32 $0x2A000, s10;
	s18 =	sadd.s32 s3, s13;
	[dreg:$0x6] =	wrdreg s17;
	v2 =	vsel vm2, $0x205, v2;
	v3 =	vsel vm2, $0x3C5, v3;
	vm2 =	vcmask $0x2F2C  }
0x1a: {  	s4 =	smul.u32 $0x5A00, s4;
	s21 =	sadd.s32 s31, s11;
	[dreg:$0x7] =	wrdreg s18;
	v2 =	vsel vm1, $0x206, v2;
	v3 =	vsel vm1, $0x3C6, v3;
	vm1 =	vcmask $0x3330  }
0x1b: {  	s23 =	sshrl.u32 s20, $0x3;
	s22 =	sadd.s32 s31, s13;
	[dreg:$0x9] =	wrdreg s21;
	v2 =	vsel vm2, $0x207, v2;
	v3 =	vsel vm2, $0x3C7, v3;
	vm2 =	vcmask $0x3734  }
0x1c: {  	s28 =	smul.u32 $0x5A00, s10;
	s24 =	sadd.s32 s3, s23;
	[dreg:$0xa] =	wrdreg s22;
	v2 =	vsel vm1, $0x220, v2;
	v3 =	vsel vm1, $0x3E0, v3;
	vm1 =	veq.s32 v1, v0  }
0x1d: {  	s8 =	sadd.s32 $0x1C00, s23;
	s29 =	sadd.s32 s31, s23;
	[dreg:$0xb] =	wrdreg s24;
	v1 =	vadd.s32 $0xC, v0;
	v2 =	vsel vm2, $0x221, v2;
	v3 =	vsel vm2, $0x3E1, v3  }
0x1e: {  	s26 =	sadd.s32 $0x3800, s23;
	s25 =	sadd.s32 s3, s8;
	[dreg:$0xe] =	wrdreg s29;
	vm2 =	vmmov $0xffff;
	v18 =	vsel vm3, $0x222, v2;
	v25 =	vsel vm3, $0x3E2, v3  }
0x1f: {  	s4 =	sadd.s32 s0, s4;
	s3 =	sadd.s32 s3, s26;
	[dreg:$0xc] =	wrdreg s25;
	v2 =	vadd.s32 $0x1C, v0;
	v20 =	vperm.xlane v18, v5;
	v21 =	vperm.xlane v18, v6  }
0x20: {  	s5 =	sadd.s32 s0, s28;
	s30 =	sadd.s32 s31, s8;
	[dreg:$0xd] =	wrdreg s3;
	v3 =	vadd.s32 $0x2C, v0;
	v29 =	vperm.xlane v25, v5;
	v30 =	vperm.xlane v25, v6  }
0x21: {  	s0 =	smax.u32 s6, $0x1;
	s31 =	sadd.s32 s31, s26;
	[dreg:$0xf] =	wrdreg s30;
	v18 =	vadd.s32 $0xCC, v0;
	v25 =	vadd.s32 $0x11C, v0;
	v20 =	vadd.s32 v7, v20  }
0x22: {  	s12 =	simm.s32 $0x1;
	s13 =	simm.s32 $0x3;
	[dreg:$0x10] =	wrdreg s31;
	v21 =	vadd.s32 v7, v21;
	v29 =	vadd.s32 v7, v29;
	v30 =	vadd.s32 v7, v30  }
.LBB2_1:
0x23: {  	[dreg:$0x12] =	wrdreg s0  }
0x24: {  	s15 =	rddreg [dreg:$0x11];
	s16 =	simm.s32 $0x1C100;
	s18 =	simm.s32 $0x5  }
0x25: {  	[tilespmem:s16], [sflag:$0x5] =	stream.linear.gather [hbm4b:s15+s2], $0x10, $0x38;
	[tilespmem:$0x1C180] =	vst v63  }
0x26: {  	_ =	swait.ge [sflag:s18], $0x10  }
0x27: {  	[sflag:s18] =	ssyncset.done $0x0  }
0x28: {  	[sflag:s18] =	ssyncadd.s32 $0xFFFFFFF0  }
0x29: {  	v31 =	vld [tilespmem:$0x1C100];
	_ =	sdelay $0x4  }
0x2a: {  	v31 =	vnsel vm1, $0x0, v31  }
0x2b: {  	(xrf0) =	vadd.scan.msk.s32 $0xffff, v31;
	_ =	sdelay $0x5  }
0x2c: {  	v32, _, _ =	vpop (xrf0)  }
0x2d: {  	(v2sf) =	vpush v32, $0xF;
	_ =	sdelay $0xd  }
0x2e: {  	[tilespmem:s16], [sflag:$0x5] =	stream.linear.gather [hbm4b:s15+s2], $0x10, $0x38;
	[tilespmem:$0x1C180] =	vst v63  }
0x2f: {  	s17 =	spop (v2sf)  }
0x30: {  	_ =	swait.ge [sflag:s18], $0x10  }
0x31: {  	[sflag:s18] =	ssyncset.done $0x0  }
0x32: {  	[sflag:s18] =	ssyncadd.s32 $0xFFFFFFF0  }
0x33: {  	[tilespmem:$0x1C000] =	vst v1  }
0x34: {  	[tilespmem:$0x1C010] =	vst v2  }
0x35: {  	[tilespmem:$0x1C020] =	vst v3  }
0x36: {  	[tilespmem:$0x1C030] =	vst v4  }
0x37: {  	[tilespmem:$0x1C040] =	vst v8  }
0x38: {  	[tilespmem:$0x1C050] =	vst v9  }
0x39: {  	[tilespmem:$0x1C060] =	vst v10  }
0x3a: {  	v31 =	vld [tilespmem:$0x1C100];
	[tilespmem:s2], [sflag:$0x1] =	stream.indirect_vreg.gather [hbm4b:s4+s2], $0x80, v11, vm2, $0xb8  }
0x3b: {  	s25 =	simm.s32 $0x800;
	s16 =	sadd.s32 $0x100, s4  }
0x3c: {  	[tilespmem:s25], [sflag:$0x1] =	stream.indirect_vreg.gather [hbm4b:s16+s2], $0x80, v11, vm2, $0xb8;
	[tilespmem:$0x1C180] =	vst v63  }
0x3d: {  	s26 =	simm.s32 $0x1000  }
0x3e: {  	[tilespmem:s26], [sflag:$0x1] =	stream.indirect_vreg.gather [hbm4b:s4+s2], $0x80, v12, vm2, $0xb8;
	[tilespmem:$0x1C180] =	vst v63  }
0x3f: {  	s28 =	simm.s32 $0x1800  }
0x40: {  	[tilespmem:s28], [sflag:$0x1] =	stream.indirect_vreg.gather [hbm4b:s16+s2], $0x80, v12, vm2, $0xb8;
	[tilespmem:$0x1C180] =	vst v63  }
0x41: {  	v33 =	vld [tilespmem:$0x1C010];
	_ =	sdelay $0x4  }
0x42: {  	v34 =	vshll.u32 v33, $0x2  }
0x43: {  	v33 =	vand.u32 $0x7, v33;
	v34 =	vand.u32 $0xFFFFFFE0, v34  }
0x44: {  	v33 =	vor.u32 v33, v34  }
0x45: {  	v34 =	vperm.xlane v33, v5;
	_ =	sdelay $0x1  }
0x46: {  	v34 =	vadd.s32 v7, v34;
	_ =	sdelay $0x1  }
0x47: {  	v33 =	vperm.xlane v33, v6;
	_ =	sdelay $0x1  }
0x48: {  	s29 =	simm.s32 $0x2000;
	v33 =	vadd.s32 v7, v33  }
0x49: {  	[tilespmem:s29], [sflag:$0x1] =	stream.indirect_vreg.gather [hbm4b:s4+s2], $0x80, v34, vm2, $0xb8;
	[tilespmem:$0x1C180] =	vst v63  }
0x4a: {  	s30 =	simm.s32 $0x2800  }
0x4b: {  	[tilespmem:s30], [sflag:$0x1] =	stream.indirect_vreg.gather [hbm4b:s16+s2], $0x80, v34, vm2, $0xb8;
	[tilespmem:$0x1C180] =	vst v63  }
0x4c: {  	s31 =	simm.s32 $0x3000  }
0x4d: {  	[tilespmem:s31], [sflag:$0x1] =	stream.indirect_vreg.gather [hbm4b:s4+s2], $0x80, v33, vm2, $0xb8;
	[tilespmem:$0x1C180] =	vst v63  }
0x4e: {  	s3 =	simm.s32 $0x3800  }
0x4f: {  	[tilespmem:s3], [sflag:$0x1] =	stream.indirect_vreg.gather [hbm4b:s16+s2], $0x80, v33, vm2, $0xb8;
	[tilespmem:$0x1C180] =	vst v63  }
0x50: {  	v33 =	vld [tilespmem:$0x1C020];
	_ =	sdelay $0x4  }
0x51: {  	v36 =	vshll.u32 v33, $0x2  }
0x52: {  	v33 =	vand.u32 $0x7, v33;
	v34 =	vand.u32 $0xFFFFFFE0, v36  }
0x53: {  	v33 =	vor.u32 v33, v34  }
0x54: {  	v34 =	vperm.xlane v33, v5;
	_ =	sdelay $0x1  }
0x55: {  	v34 =	vadd.s32 v7, v34;
	_ =	sdelay $0x1  }
0x56: {  	v33 =	vperm.xlane v33, v6;
	_ =	sdelay $0x1  }
0x57: {  	s6 =	simm.s32 $0x4000;
	v33 =	vadd.s32 v7, v33  }
0x58: {  	[tilespmem:s6], [sflag:$0x1] =	stream.indirect_vreg.gather [hbm4b:s4+s2], $0x80, v34, vm2, $0xb8;
	[tilespmem:$0x1C180] =	vst v63  }
0x59: {  	s7 =	simm.s32 $0x4800  }
0x5a: {  	[tilespmem:s7], [sflag:$0x1] =	stream.indirect_vreg.gather [hbm4b:s16+s2], $0x80, v34, vm2, $0xb8;
	[tilespmem:$0x1C180] =	vst v63  }
0x5b: {  	s8 =	simm.s32 $0x5000  }
0x5c: {  	[tilespmem:s8], [sflag:$0x1] =	stream.indirect_vreg.gather [hbm4b:s4+s2], $0x80, v33, vm2, $0xb8;
	[tilespmem:$0x1C180] =	vst v63  }
0x5d: {  	s9 =	simm.s32 $0x5800  }
0x5e: {  	[tilespmem:s9], [sflag:$0x1] =	stream.indirect_vreg.gather [hbm4b:s16+s2], $0x80, v33, vm2, $0xb8;
	[tilespmem:$0x1C180] =	vst v63  }
0x5f: {  	v33 =	vld [tilespmem:$0x1C030];
	_ =	sdelay $0x4  }
0x60: {  	v37 =	vshll.u32 v33, $0x2  }
0x61: {  	v33 =	vand.u32 $0x7, v33;
	v34 =	vand.u32 $0xFFFFFFE0, v37  }
0x62: {  	v33 =	vor.u32 v33, v34  }
0x63: {  	v34 =	vperm.xlane v33, v5;
	_ =	sdelay $0x1  }
0x64: {  	v34 =	vadd.s32 v7, v34;
	_ =	sdelay $0x1  }
0x65: {  	v33 =	vperm.xlane v33, v6;
	_ =	sdelay $0x1  }
0x66: {  	s10 =	simm.s32 $0x6000;
	v33 =	vadd.s32 v7, v33  }
0x67: {  	[tilespmem:s10], [sflag:$0x1] =	stream.indirect_vreg.gather [hbm4b:s4+s2], $0x80, v34, vm2, $0xb8;
	[tilespmem:$0x1C180] =	vst v63  }
0x68: {  	s11 =	simm.s32 $0x6800  }
0x69: {  	[tilespmem:s11], [sflag:$0x1] =	stream.indirect_vreg.gather [hbm4b:s16+s2], $0x80, v34, vm2, $0xb8;
	[tilespmem:$0x1C180] =	vst v63  }
0x6a: {  	s15 =	simm.s32 $0x7000  }
0x6b: {  	[tilespmem:s15], [sflag:$0x1] =	stream.indirect_vreg.gather [hbm4b:s4+s2], $0x80, v33, vm2, $0xb8;
	[tilespmem:$0x1C180] =	vst v63  }
0x6c: {  	s18 =	simm.s32 $0x7800  }
0x6d: {  	[tilespmem:s18], [sflag:$0x1] =	stream.indirect_vreg.gather [hbm4b:s16+s2], $0x80, v33, vm2, $0xb8;
	[tilespmem:$0x1C180] =	vst v63  }
0x6e: {  	v33 =	vld [tilespmem:$0x1C040];
	_ =	sdelay $0x4  }
0x6f: {  	v38 =	vshll.u32 v33, $0x2  }
0x70: {  	v33 =	vand.u32 $0x7, v33;
	v34 =	vand.u32 $0xFFFFFFE0, v38  }
0x71: {  	v33 =	vor.u32 v33, v34  }
0x72: {  	v34 =	vperm.xlane v33, v5;
	_ =	sdelay $0x1  }
0x73: {  	v34 =	vadd.s32 v7, v34;
	_ =	sdelay $0x1  }
0x74: {  	v33 =	vperm.xlane v33, v6;
	_ =	sdelay $0x1  }
0x75: {  	s22 =	simm.s32 $0x8000;
	v33 =	vadd.s32 v7, v33  }
0x76: {  	[tilespmem:s22], [sflag:$0x1] =	stream.indirect_vreg.gather [hbm4b:s4+s2], $0x80, v34, vm2, $0xb8;
	[tilespmem:$0x1C180] =	vst v63  }
0x77: {  	s23 =	simm.s32 $0x8800  }
0x78: {  	[tilespmem:s23], [sflag:$0x1] =	stream.indirect_vreg.gather [hbm4b:s16+s2], $0x80, v34, vm2, $0xb8;
	[tilespmem:$0x1C180] =	vst v63  }
0x79: {  	s24 =	simm.s32 $0x9000  }
0x7a: {  	[tilespmem:s24], [sflag:$0x1] =	stream.indirect_vreg.gather [hbm4b:s4+s2], $0x80, v33, vm2, $0xb8;
	[tilespmem:$0x1C180] =	vst v63  }
0x7b: {  	s25 =	simm.s32 $0x9800  }
0x7c: {  	[tilespmem:s25], [sflag:$0x1] =	stream.indirect_vreg.gather [hbm4b:s16+s2], $0x80, v33, vm2, $0xb8;
	[tilespmem:$0x1C180] =	vst v63  }
0x7d: {  	v33 =	vld [tilespmem:$0x1C050];
	_ =	sdelay $0x4  }
0x7e: {  	v39 =	vshll.u32 v33, $0x2  }
0x7f: {  	v33 =	vand.u32 $0x7, v33;
	v34 =	vand.u32 $0xFFFFFFE0, v39  }
0x80: {  	v33 =	vor.u32 v33, v34  }
0x81: {  	v34 =	vperm.xlane v33, v5;
	_ =	sdelay $0x1  }
0x82: {  	v34 =	vadd.s32 v7, v34;
	_ =	sdelay $0x1  }
0x83: {  	v33 =	vperm.xlane v33, v6;
	_ =	sdelay $0x1  }
0x84: {  	s26 =	simm.s32 $0xA000;
	v33 =	vadd.s32 v7, v33  }
0x85: {  	[tilespmem:s26], [sflag:$0x1] =	stream.indirect_vreg.gather [hbm4b:s4+s2], $0x80, v34, vm2, $0xb8;
	[tilespmem:$0x1C180] =	vst v63  }
0x86: {  	s28 =	simm.s32 $0xA800  }
0x87: {  	[tilespmem:s28], [sflag:$0x1] =	stream.indirect_vreg.gather [hbm4b:s16+s2], $0x80, v34, vm2, $0xb8;
	[tilespmem:$0x1C180] =	vst v63  }
0x88: {  	s29 =	simm.s32 $0xB000  }
0x89: {  	[tilespmem:s29], [sflag:$0x1] =	stream.indirect_vreg.gather [hbm4b:s4+s2], $0x80, v33, vm2, $0xb8;
	[tilespmem:$0x1C180] =	vst v63  }
0x8a: {  	s30 =	simm.s32 $0xB800  }
0x8b: {  	[tilespmem:s30], [sflag:$0x1] =	stream.indirect_vreg.gather [hbm4b:s16+s2], $0x80, v33, vm2, $0xb8;
	[tilespmem:$0x1C180] =	vst v63  }
0x8c: {  	v33 =	vld [tilespmem:$0x1C060];
	_ =	sdelay $0x4  }
0x8d: {  	v40 =	vshll.u32 v33, $0x2  }
0x8e: {  	v33 =	vand.u32 $0x7, v33;
	v34 =	vand.u32 $0xFFFFFFE0, v40  }
0x8f: {  	v33 =	vor.u32 v33, v34  }
0x90: {  	v34 =	vperm.xlane v33, v5;
	_ =	sdelay $0x1  }
0x91: {  	v34 =	vadd.s32 v7, v34;
	_ =	sdelay $0x1  }
0x92: {  	v33 =	vperm.xlane v33, v6;
	_ =	sdelay $0x1  }
0x93: {  	s31 =	simm.s32 $0xC000;
	v33 =	vadd.s32 v7, v33  }
0x94: {  	[tilespmem:s31], [sflag:$0x1] =	stream.indirect_vreg.gather [hbm4b:s4+s2], $0x80, v34, vm2, $0xb8;
	[tilespmem:$0x1C180] =	vst v63  }
0x95: {  	s6 =	simm.s32 $0xC800  }
0x96: {  	[tilespmem:s6], [sflag:$0x1] =	stream.indirect_vreg.gather [hbm4b:s16+s2], $0x80, v34, vm2, $0xb8;
	[tilespmem:$0x1C180] =	vst v63  }
0x97: {  	s11 =	simm.s32 $0xD000  }
0x98: {  	[tilespmem:s11], [sflag:$0x1] =	stream.indirect_vreg.gather [hbm4b:s4+s2], $0x80, v33, vm2, $0xb8;
	[tilespmem:$0x1C180] =	vst v63  }
0x99: {  	s15 =	simm.s32 $0xD800  }
0x9a: {  	[tilespmem:s15], [sflag:$0x1] =	stream.indirect_vreg.gather [hbm4b:s16+s2], $0x80, v33, vm2, $0xb8;
	[tilespmem:$0x1C180] =	vst v63  }
0x9b: {  	[tilespmem:$0x1C080] =	vst v13  }
0x9c: {  	[tilespmem:$0x1C090] =	vst v14  }
0x9d: {  	[tilespmem:$0x1C0A0] =	vst v15  }
0x9e: {  	[tilespmem:$0x1C0B0] =	vst v16  }
0x9f: {  	[tilespmem:$0x1C0C0] =	vst v17  }
0xa0: {  	[tilespmem:$0x1C0D0] =	vst v18  }
0xa1: {  	s18 =	simm.s32 $0xE000;
	[tilespmem:$0x1C0E0] =	vst v19  }
0xa2: {  	[tilespmem:s18], [sflag:$0x2] =	stream.indirect_vreg.gather [hbm4b:s4+s2], $0x80, v20, vm2, $0xb8;
	[tilespmem:$0x1C180] =	vst v63  }
0xa3: {  	s0 =	simm.s32 $0xE800  }
0xa4: {  	[tilespmem:s0], [sflag:$0x2] =	stream.indirect_vreg.gather [hbm4b:s16+s2], $0x80, v20, vm2, $0xb8;
	[tilespmem:$0x1C180] =	vst v63  }
0xa5: {  	s18 =	simm.s32 $0xF000  }
0xa6: {  	[tilespmem:s18], [sflag:$0x2] =	stream.indirect_vreg.gather [hbm4b:s4+s2], $0x80, v21, vm2, $0xb8;
	[tilespmem:$0x1C180] =	vst v63  }
0xa7: {  	s0 =	simm.s32 $0xF800  }
0xa8: {  	[tilespmem:s0], [sflag:$0x2] =	stream.indirect_vreg.gather [hbm4b:s16+s2], $0x80, v21, vm2, $0xb8;
	[tilespmem:$0x1C180] =	vst v63  }
0xa9: {  	v33 =	vld [tilespmem:$0x1C090];
	_ =	sdelay $0x4  }
0xaa: {  	v41 =	vshll.u32 v33, $0x2  }
0xab: {  	v33 =	vand.u32 $0x7, v33;
	v34 =	vand.u32 $0xFFFFFFE0, v41  }
0xac: {  	v33 =	vor.u32 v33, v34  }
0xad: {  	v34 =	vperm.xlane v33, v5;
	_ =	sdelay $0x1  }
0xae: {  	v34 =	vadd.s32 v7, v34;
	_ =	sdelay $0x1  }
0xaf: {  	v33 =	vperm.xlane v33, v6;
	_ =	sdelay $0x1  }
0xb0: {  	s18 =	simm.s32 $0x10000;
	v33 =	vadd.s32 v7, v33  }
0xb1: {  	[tilespmem:s18], [sflag:$0x2] =	stream.indirect_vreg.gather [hbm4b:s4+s2], $0x80, v34, vm2, $0xb8;
	[tilespmem:$0x1C180] =	vst v63  }
0xb2: {  	s0 =	simm.s32 $0x10800  }
0xb3: {  	[tilespmem:s0], [sflag:$0x2] =	stream.indirect_vreg.gather [hbm4b:s16+s2], $0x80, v34, vm2, $0xb8;
	[tilespmem:$0x1C180] =	vst v63  }
0xb4: {  	s18 =	simm.s32 $0x11000  }
0xb5: {  	[tilespmem:s18], [sflag:$0x2] =	stream.indirect_vreg.gather [hbm4b:s4+s2], $0x80, v33, vm2, $0xb8;
	[tilespmem:$0x1C180] =	vst v63  }
0xb6: {  	s0 =	simm.s32 $0x11800  }
0xb7: {  	[tilespmem:s0], [sflag:$0x2] =	stream.indirect_vreg.gather [hbm4b:s16+s2], $0x80, v33, vm2, $0xb8;
	[tilespmem:$0x1C180] =	vst v63  }
0xb8: {  	v33 =	vld [tilespmem:$0x1C0A0];
	_ =	sdelay $0x4  }
0xb9: {  	v42 =	vshll.u32 v33, $0x2  }
0xba: {  	v33 =	vand.u32 $0x7, v33;
	v34 =	vand.u32 $0xFFFFFFE0, v42  }
0xbb: {  	v33 =	vor.u32 v33, v34  }
0xbc: {  	v34 =	vperm.xlane v33, v5;
	_ =	sdelay $0x1  }
0xbd: {  	v34 =	vadd.s32 v7, v34;
	_ =	sdelay $0x1  }
0xbe: {  	v33 =	vperm.xlane v33, v6;
	_ =	sdelay $0x1  }
0xbf: {  	s18 =	simm.s32 $0x12000;
	v33 =	vadd.s32 v7, v33  }
0xc0: {  	[tilespmem:s18], [sflag:$0x2] =	stream.indirect_vreg.gather [hbm4b:s4+s2], $0x80, v34, vm2, $0xb8;
	[tilespmem:$0x1C180] =	vst v63  }
0xc1: {  	s0 =	simm.s32 $0x12800  }
0xc2: {  	v31 =	vnsel vm0, $0x0, v31;
	[tilespmem:s0], [sflag:$0x2] =	stream.indirect_vreg.gather [hbm4b:s16+s2], $0x80, v34, vm2, $0xb8;
	[tilespmem:$0x1C180] =	vst v63  }
0xc3: {  	(xrf0) =	vadd.scan.msk.s32 $0xffff, v31;
	s18 =	simm.s32 $0x13000  }
0xc4: {  	[tilespmem:s18], [sflag:$0x2] =	stream.indirect_vreg.gather [hbm4b:s4+s2], $0x80, v33, vm2, $0xb8;
	[tilespmem:$0x1C180] =	vst v63  }
0xc5: {  	s0 =	simm.s32 $0x13800  }
0xc6: {  	[tilespmem:s0], [sflag:$0x2] =	stream.indirect_vreg.gather [hbm4b:s16+s2], $0x80, v33, vm2, $0xb8;
	[tilespmem:$0x1C180] =	vst v63  }
0xc7: {  	v33 =	vld [tilespmem:$0x1C0B0];
	_ =	sdelay $0x1  }
0xc8: {  	v31, _, _ =	vpop (xrf0)  }
0xc9: {  	(v2sf) =	vpush v31, $0xF;
	_ =	sdelay $0x1  }
0xca: {  	v43 =	vshll.u32 v33, $0x2  }
0xcb: {  	v33 =	vand.u32 $0x7, v33;
	v34 =	vand.u32 $0xFFFFFFE0, v43  }
0xcc: {  	v33 =	vor.u32 v33, v34  }
0xcd: {  	v34 =	vperm.xlane v33, v5;
	_ =	sdelay $0x1  }
0xce: {  	v34 =	vadd.s32 v7, v34;
	_ =	sdelay $0x1  }
0xcf: {  	v33 =	vperm.xlane v33, v6;
	_ =	sdelay $0x1  }
0xd0: {  	s18 =	simm.s32 $0x14000;
	v33 =	vadd.s32 v7, v33  }
0xd1: {  	[tilespmem:s18], [sflag:$0x2] =	stream.indirect_vreg.gather [hbm4b:s4+s2], $0x80, v34, vm2, $0xb8;
	[tilespmem:$0x1C180] =	vst v63  }
0xd2: {  	s0 =	simm.s32 $0x14800  }
0xd3: {  	[tilespmem:s0], [sflag:$0x2] =	stream.indirect_vreg.gather [hbm4b:s16+s2], $0x80, v34, vm2, $0xb8;
	[tilespmem:$0x1C180] =	vst v63  }
0xd4: {  	s15 =	spop (v2sf);
	s0 =	simm.s32 $0x15000  }
0xd5: {  	[tilespmem:s0], [sflag:$0x2] =	stream.indirect_vreg.gather [hbm4b:s4+s2], $0x80, v33, vm2, $0xb8;
	[tilespmem:$0x1C180] =	vst v63  }
0xd6: {  	s0 =	simm.s32 $0x15800  }
0xd7: {  	[tilespmem:s0], [sflag:$0x2] =	stream.indirect_vreg.gather [hbm4b:s16+s2], $0x80, v33, vm2, $0xb8;
	[tilespmem:$0x1C180] =	vst v63  }
0xd8: {  	v33 =	vld [tilespmem:$0x1C0C0];
	_ =	sdelay $0x4  }
0xd9: {  	v44 =	vshll.u32 v33, $0x2  }
0xda: {  	v33 =	vand.u32 $0x7, v33;
	v34 =	vand.u32 $0xFFFFFFE0, v44  }
0xdb: {  	v33 =	vor.u32 v33, v34  }
0xdc: {  	v34 =	vperm.xlane v33, v5;
	_ =	sdelay $0x1  }
0xdd: {  	v34 =	vadd.s32 v7, v34;
	_ =	sdelay $0x1  }
0xde: {  	v33 =	vperm.xlane v33, v6;
	_ =	sdelay $0x1  }
0xdf: {  	s18 =	simm.s32 $0x16000;
	v33 =	vadd.s32 v7, v33  }
0xe0: {  	[tilespmem:s18], [sflag:$0x2] =	stream.indirect_vreg.gather [hbm4b:s4+s2], $0x80, v34, vm2, $0xb8;
	[tilespmem:$0x1C180] =	vst v63  }
0xe1: {  	s18 =	simm.s32 $0x16800  }
0xe2: {  	[tilespmem:s18], [sflag:$0x2] =	stream.indirect_vreg.gather [hbm4b:s16+s2], $0x80, v34, vm2, $0xb8;
	[tilespmem:$0x1C180] =	vst v63  }
0xe3: {  	s18 =	simm.s32 $0x17000  }
0xe4: {  	[tilespmem:s18], [sflag:$0x2] =	stream.indirect_vreg.gather [hbm4b:s4+s2], $0x80, v33, vm2, $0xb8;
	[tilespmem:$0x1C180] =	vst v63  }
0xe5: {  	s18 =	simm.s32 $0x17800  }
0xe6: {  	[tilespmem:s18], [sflag:$0x2] =	stream.indirect_vreg.gather [hbm4b:s16+s2], $0x80, v33, vm2, $0xb8;
	[tilespmem:$0x1C180] =	vst v63  }
0xe7: {  	v33 =	vld [tilespmem:$0x1C0D0];
	_ =	sdelay $0x4  }
0xe8: {  	v45 =	vshll.u32 v33, $0x2  }
0xe9: {  	v33 =	vand.u32 $0x7, v33;
	v34 =	vand.u32 $0xFFFFFFE0, v45  }
0xea: {  	v33 =	vor.u32 v33, v34  }
0xeb: {  	v34 =	vperm.xlane v33, v5;
	_ =	sdelay $0x1  }
0xec: {  	v34 =	vadd.s32 v7, v34;
	_ =	sdelay $0x1  }
0xed: {  	v33 =	vperm.xlane v33, v6;
	_ =	sdelay $0x1  }
0xee: {  	s18 =	simm.s32 $0x18000;
	v33 =	vadd.s32 v7, v33  }
0xef: {  	[tilespmem:s18], [sflag:$0x2] =	stream.indirect_vreg.gather [hbm4b:s4+s2], $0x80, v34, vm2, $0xb8;
	[tilespmem:$0x1C180] =	vst v63  }
0xf0: {  	s18 =	simm.s32 $0x18800  }
0xf1: {  	[tilespmem:s18], [sflag:$0x2] =	stream.indirect_vreg.gather [hbm4b:s16+s2], $0x80, v34, vm2, $0xb8;
	[tilespmem:$0x1C180] =	vst v63  }
0xf2: {  	s18 =	simm.s32 $0x19000  }
0xf3: {  	[tilespmem:s18], [sflag:$0x2] =	stream.indirect_vreg.gather [hbm4b:s4+s2], $0x80, v33, vm2, $0xb8;
	[tilespmem:$0x1C180] =	vst v63  }
0xf4: {  	s18 =	simm.s32 $0x19800  }
0xf5: {  	[tilespmem:s18], [sflag:$0x2] =	stream.indirect_vreg.gather [hbm4b:s16+s2], $0x80, v33, vm2, $0xb8;
	[tilespmem:$0x1C180] =	vst v63  }
0xf6: {  	v33 =	vld [tilespmem:$0x1C0E0];
	_ =	sdelay $0x4  }
0xf7: {  	v46 =	vshll.u32 v33, $0x2  }
0xf8: {  	v33 =	vand.u32 $0x7, v33;
	v34 =	vand.u32 $0xFFFFFFE0, v46  }
0xf9: {  	v33 =	vor.u32 v33, v34  }
0xfa: {  	v34 =	vperm.xlane v33, v5;
	_ =	sdelay $0x1  }
0xfb: {  	v34 =	vadd.s32 v7, v34;
	_ =	sdelay $0x1  }
0xfc: {  	v33 =	vperm.xlane v33, v6;
	_ =	sdelay $0x1  }
0xfd: {  	s18 =	simm.s32 $0x1A000;
	v33 =	vadd.s32 v7, v33  }
0xfe: {  	[tilespmem:s18], [sflag:$0x2] =	stream.indirect_vreg.gather [hbm4b:s4+s2], $0x80, v34, vm2, $0xb8;
	[tilespmem:$0x1C180] =	vst v63  }
0xff: {  	s18 =	simm.s32 $0x1A800  }
0x100: {  	[tilespmem:s18], [sflag:$0x2] =	stream.indirect_vreg.gather [hbm4b:s16+s2], $0x80, v34, vm2, $0xb8;
	[tilespmem:$0x1C180] =	vst v63  }
0x101: {  	s18 =	simm.s32 $0x1B000  }
0x102: {  	[tilespmem:s18], [sflag:$0x2] =	stream.indirect_vreg.gather [hbm4b:s4+s2], $0x80, v33, vm2, $0xb8;
	[tilespmem:$0x1C180] =	vst v63  }
0x103: {  	s18 =	simm.s32 $0x1B800  }
0x104: {  	[tilespmem:s18], [sflag:$0x2] =	stream.indirect_vreg.gather [hbm4b:s16+s2], $0x80, v33, vm2, $0xb8;
	[tilespmem:$0x1C180] =	vst v63  }
0x105: {  	_ =	swait.ge [sflag:s12], $0xE000  }
0x106: {  	[sflag:s12] =	ssyncset.done $0x0  }
0x107: {  	s18 =	rddreg [dreg:$0x5];
	[sflag:s12] =	ssyncadd.s32 $0xFFFF2000  }
0x108: {  	[hbm4b:s18+s2] =	stream.linear.scatter [tilespmem:s2], [sflag:$0x3], $0xE000, $0x38;
	[tilespmem:$0x1C180] =	vst v63  }
0x109: {  	_ =	swait.ge [sflag:s13], $0xE000  }
0x10a: {  	[sflag:s13] =	ssyncset.done $0x0  }
0x10b: {  	[sflag:s13] =	ssyncadd.s32 $0xFFFF2000  }
0x10c: {  	[tilespmem:$0x1C000] =	vst v22  }
0x10d: {  	[tilespmem:$0x1C010] =	vst v23  }
0x10e: {  	[tilespmem:$0x1C020] =	vst v24  }
0x10f: {  	[tilespmem:$0x1C030] =	vst v25  }
0x110: {  	[tilespmem:$0x1C040] =	vst v26  }
0x111: {  	[tilespmem:$0x1C050] =	vst v27  }
0x112: {  	[tilespmem:$0x1C060] =	vst v28  }
0x113: {  	[tilespmem:s2], [sflag:$0x1] =	stream.indirect_vreg.gather [hbm4b:s4+s2], $0x80, v29, vm2, $0xb8;
	[tilespmem:$0x1C180] =	vst v63  }
0x114: {  	s18 =	simm.s32 $0x800  }
0x115: {  	[tilespmem:s18], [sflag:$0x1] =	stream.indirect_vreg.gather [hbm4b:s16+s2], $0x80, v29, vm2, $0xb8;
	[tilespmem:$0x1C180] =	vst v63  }
0x116: {  	s14 =	simm.s32 $0x1000  }
0x117: {  	[tilespmem:s14], [sflag:$0x1] =	stream.indirect_vreg.gather [hbm4b:s4+s2], $0x80, v30, vm2, $0xb8;
	[tilespmem:$0x1C180] =	vst v63  }
0x118: {  	s1 =	simm.s32 $0x1800  }
0x119: {  	[tilespmem:s1], [sflag:$0x1] =	stream.indirect_vreg.gather [hbm4b:s16+s2], $0x80, v30, vm2, $0xb8;
	[tilespmem:$0x1C180] =	vst v63  }
0x11a: {  	v47 =	vld [tilespmem:$0x1C010];
	_ =	sdelay $0x4  }
0x11b: {  	v48 =	vshll.u32 v47, $0x2  }
0x11c: {  	v33 =	vand.u32 $0x7, v47;
	v34 =	vand.u32 $0xFFFFFFE0, v48  }
0x11d: {  	v33 =	vor.u32 v33, v34  }
0x11e: {  	v34 =	vperm.xlane v33, v5;
	_ =	sdelay $0x1  }
0x11f: {  	v34 =	vadd.s32 v7, v34;
	_ =	sdelay $0x1  }
0x120: {  	v33 =	vperm.xlane v33, v6;
	_ =	sdelay $0x1  }
0x121: {  	s18 =	simm.s32 $0x2000;
	v33 =	vadd.s32 v7, v33  }
0x122: {  	[tilespmem:s18], [sflag:$0x1] =	stream.indirect_vreg.gather [hbm4b:s4+s2], $0x80, v34, vm2, $0xb8;
	[tilespmem:$0x1C180] =	vst v63  }
0x123: {  	s14 =	simm.s32 $0x2800  }
0x124: {  	[tilespmem:s14], [sflag:$0x1] =	stream.indirect_vreg.gather [hbm4b:s16+s2], $0x80, v34, vm2, $0xb8;
	[tilespmem:$0x1C180] =	vst v63  }
0x125: {  	s18 =	simm.s32 $0x3000  }
0x126: {  	[tilespmem:s18], [sflag:$0x1] =	stream.indirect_vreg.gather [hbm4b:s4+s2], $0x80, v33, vm2, $0xb8;
	[tilespmem:$0x1C180] =	vst v63  }
0x127: {  	s3 =	simm.s32 $0x3800  }
0x128: {  	[tilespmem:s3], [sflag:$0x1] =	stream.indirect_vreg.gather [hbm4b:s16+s2], $0x80, v33, vm2, $0xb8;
	[tilespmem:$0x1C180] =	vst v63  }
0x129: {  	v33 =	vld [tilespmem:$0x1C020];
	_ =	sdelay $0x4  }
0x12a: {  	v49 =	vshll.u32 v33, $0x2  }
0x12b: {  	v33 =	vand.u32 $0x7, v33;
	v34 =	vand.u32 $0xFFFFFFE0, v49  }
0x12c: {  	v33 =	vor.u32 v33, v34  }
0x12d: {  	v34 =	vperm.xlane v33, v5;
	_ =	sdelay $0x1  }
0x12e: {  	v34 =	vadd.s32 v7, v34;
	_ =	sdelay $0x1  }
0x12f: {  	v33 =	vperm.xlane v33, v6;
	_ =	sdelay $0x1  }
0x130: {  	s3 =	simm.s32 $0x4000;
	v33 =	vadd.s32 v7, v33  }
0x131: {  	[tilespmem:s3], [sflag:$0x1] =	stream.indirect_vreg.gather [hbm4b:s4+s2], $0x80, v34, vm2, $0xb8;
	[tilespmem:$0x1C180] =	vst v63  }
0x132: {  	s14 =	simm.s32 $0x4800  }
0x133: {  	[tilespmem:s14], [sflag:$0x1] =	stream.indirect_vreg.gather [hbm4b:s16+s2], $0x80, v34, vm2, $0xb8;
	[tilespmem:$0x1C180] =	vst v63  }
0x134: {  	s18 =	simm.s32 $0x5000  }
0x135: {  	[tilespmem:s18], [sflag:$0x1] =	stream.indirect_vreg.gather [hbm4b:s4+s2], $0x80, v33, vm2, $0xb8;
	[tilespmem:$0x1C180] =	vst v63  }
0x136: {  	s7 =	simm.s32 $0x5800  }
0x137: {  	[tilespmem:s7], [sflag:$0x1] =	stream.indirect_vreg.gather [hbm4b:s16+s2], $0x80, v33, vm2, $0xb8;
	[tilespmem:$0x1C180] =	vst v63  }
0x138: {  	v33 =	vld [tilespmem:$0x1C030];
	_ =	sdelay $0x4  }
0x139: {  	v50 =	vshll.u32 v33, $0x2  }
0x13a: {  	v33 =	vand.u32 $0x7, v33;
	v34 =	vand.u32 $0xFFFFFFE0, v50  }
0x13b: {  	v33 =	vor.u32 v33, v34  }
0x13c: {  	v34 =	vperm.xlane v33, v5;
	_ =	sdelay $0x1  }
0x13d: {  	v34 =	vadd.s32 v7, v34;
	_ =	sdelay $0x1  }
0x13e: {  	v33 =	vperm.xlane v33, v6;
	_ =	sdelay $0x1  }
0x13f: {  	s19 =	simm.s32 $0x6000;
	v33 =	vadd.s32 v7, v33  }
0x140: {  	[tilespmem:s19], [sflag:$0x1] =	stream.indirect_vreg.gather [hbm4b:s4+s2], $0x80, v34, vm2, $0xb8;
	[tilespmem:$0x1C180] =	vst v63  }
0x141: {  	s20 =	simm.s32 $0x6800  }
0x142: {  	[tilespmem:s20], [sflag:$0x1] =	stream.indirect_vreg.gather [hbm4b:s16+s2], $0x80, v34, vm2, $0xb8;
	[tilespmem:$0x1C180] =	vst v63  }
0x143: {  	s21 =	simm.s32 $0x7000  }
0x144: {  	[tilespmem:s21], [sflag:$0x1] =	stream.indirect_vreg.gather [hbm4b:s4+s2], $0x80, v33, vm2, $0xb8;
	[tilespmem:$0x1C180] =	vst v63  }
0x145: {  	s8 =	simm.s32 $0x7800  }
0x146: {  	[tilespmem:s8], [sflag:$0x1] =	stream.indirect_vreg.gather [hbm4b:s16+s2], $0x80, v33, vm2, $0xb8;
	[tilespmem:$0x1C180] =	vst v63  }
0x147: {  	v33 =	vld [tilespmem:$0x1C040];
	_ =	sdelay $0x4  }
0x148: {  	v51 =	vshll.u32 v33, $0x2  }
0x149: {  	v33 =	vand.u32 $0x7, v33;
	v34 =	vand.u32 $0xFFFFFFE0, v51  }
0x14a: {  	v33 =	vor.u32 v33, v34  }
0x14b: {  	v34 =	vperm.xlane v33, v5;
	_ =	sdelay $0x1  }
0x14c: {  	v34 =	vadd.s32 v7, v34;
	_ =	sdelay $0x1  }
0x14d: {  	v33 =	vperm.xlane v33, v6;
	_ =	sdelay $0x1  }
0x14e: {  	s22 =	simm.s32 $0x8000;
	v33 =	vadd.s32 v7, v33  }
0x14f: {  	[tilespmem:s22], [sflag:$0x1] =	stream.indirect_vreg.gather [hbm4b:s4+s2], $0x80, v34, vm2, $0xb8;
	[tilespmem:$0x1C180] =	vst v63  }
0x150: {  	s23 =	simm.s32 $0x8800  }
0x151: {  	[tilespmem:s23], [sflag:$0x1] =	stream.indirect_vreg.gather [hbm4b:s16+s2], $0x80, v34, vm2, $0xb8;
	[tilespmem:$0x1C180] =	vst v63  }
0x152: {  	s24 =	simm.s32 $0x9000  }
0x153: {  	[tilespmem:s24], [sflag:$0x1] =	stream.indirect_vreg.gather [hbm4b:s4+s2], $0x80, v33, vm2, $0xb8;
	[tilespmem:$0x1C180] =	vst v63  }
0x154: {  	s9 =	simm.s32 $0x9800  }
0x155: {  	[tilespmem:s9], [sflag:$0x1] =	stream.indirect_vreg.gather [hbm4b:s16+s2], $0x80, v33, vm2, $0xb8;
	[tilespmem:$0x1C180] =	vst v63  }
0x156: {  	v33 =	vld [tilespmem:$0x1C050];
	_ =	sdelay $0x4  }
0x157: {  	v52 =	vshll.u32 v33, $0x2  }
0x158: {  	v33 =	vand.u32 $0x7, v33;
	v34 =	vand.u32 $0xFFFFFFE0, v52  }
0x159: {  	v33 =	vor.u32 v33, v34  }
0x15a: {  	v34 =	vperm.xlane v33, v5;
	_ =	sdelay $0x1  }
0x15b: {  	v34 =	vadd.s32 v7, v34;
	_ =	sdelay $0x1  }
0x15c: {  	v33 =	vperm.xlane v33, v6;
	_ =	sdelay $0x1  }
0x15d: {  	s25 =	simm.s32 $0xA000;
	v33 =	vadd.s32 v7, v33  }
0x15e: {  	[tilespmem:s25], [sflag:$0x1] =	stream.indirect_vreg.gather [hbm4b:s4+s2], $0x80, v34, vm2, $0xb8;
	[tilespmem:$0x1C180] =	vst v63  }
0x15f: {  	s26 =	simm.s32 $0xA800  }
0x160: {  	[tilespmem:s26], [sflag:$0x1] =	stream.indirect_vreg.gather [hbm4b:s16+s2], $0x80, v34, vm2, $0xb8;
	[tilespmem:$0x1C180] =	vst v63  }
0x161: {  	s28 =	simm.s32 $0xB000  }
0x162: {  	[tilespmem:s28], [sflag:$0x1] =	stream.indirect_vreg.gather [hbm4b:s4+s2], $0x80, v33, vm2, $0xb8;
	[tilespmem:$0x1C180] =	vst v63  }
0x163: {  	s10 =	simm.s32 $0xB800  }
0x164: {  	[tilespmem:s10], [sflag:$0x1] =	stream.indirect_vreg.gather [hbm4b:s16+s2], $0x80, v33, vm2, $0xb8;
	[tilespmem:$0x1C180] =	vst v63  }
0x165: {  	v33 =	vld [tilespmem:$0x1C060];
	_ =	sdelay $0x4  }
0x166: {  	v53 =	vshll.u32 v33, $0x2  }
0x167: {  	v33 =	vand.u32 $0x7, v33;
	v34 =	vand.u32 $0xFFFFFFE0, v53  }
0x168: {  	v33 =	vor.u32 v33, v34  }
0x169: {  	v34 =	vperm.xlane v33, v5;
	_ =	sdelay $0x1  }
0x16a: {  	v34 =	vadd.s32 v7, v34;
	_ =	sdelay $0x1  }
0x16b: {  	v33 =	vperm.xlane v33, v6;
	_ =	sdelay $0x1  }
0x16c: {  	s29 =	simm.s32 $0xC000;
	v33 =	vadd.s32 v7, v33  }
0x16d: {  	[tilespmem:s29], [sflag:$0x1] =	stream.indirect_vreg.gather [hbm4b:s4+s2], $0x80, v34, vm2, $0xb8;
	[tilespmem:$0x1C180] =	vst v63  }
0x16e: {  	s30 =	simm.s32 $0xC800  }
0x16f: {  	[tilespmem:s30], [sflag:$0x1] =	stream.indirect_vreg.gather [hbm4b:s16+s2], $0x80, v34, vm2, $0xb8;
	[tilespmem:$0x1C180] =	vst v63  }
0x170: {  	s31 =	simm.s32 $0xD000  }
0x171: {  	[tilespmem:s31], [sflag:$0x1] =	stream.indirect_vreg.gather [hbm4b:s4+s2], $0x80, v33, vm2, $0xb8;
	[tilespmem:$0x1C180] =	vst v63  }
0x172: {  	s11 =	simm.s32 $0xD800;
	s14 =	simm.s32 $0x2  }
0x173: {  	[tilespmem:s11], [sflag:$0x1] =	stream.indirect_vreg.gather [hbm4b:s16+s2], $0x80, v33, vm2, $0xb8;
	[tilespmem:$0x1C180] =	vst v63  }
0x174: {  	_ =	swait.ge [sflag:s14], $0xE000  }
0x175: {  	[sflag:s14] =	ssyncset.done $0x0  }
0x176: {  	v32 =	vbroadcast v32, $0xF;
	s6 =	simm.s32 $0xE000;
	s1 =	rddreg [dreg:$0x6];
	[sflag:s14] =	ssyncadd.s32 $0xFFFF2000  }
0x177: {  	[hbm4b:s1+s2] =	stream.linear.scatter [tilespmem:s6], [sflag:$0x4], $0xE000, $0x38;
	[tilespmem:$0x1C180] =	vst v63  }
0x178: {  	v32 =	vadd.s32 v0, v32;
	s1 =	simm.s32 $0x4  }
0x179: {  	v54 =	vshll.u32 v32, $0x2;
	_ =	swait.ge [sflag:s1], $0xE000  }
0x17a: {  	v55 =	vand.u32 $0x7, v32;
	v33 =	vand.u32 $0xFFFFFFE0, v54;
	[sflag:s1] =	ssyncset.done $0x0  }
0x17b: {  	s11 =	sadd.s32 $0x10, s17;
	v33 =	vor.u32 v55, v33;
	[sflag:s1] =	ssyncadd.s32 $0xFFFF2000  }
0x17c: {  	s19 =	sadd.s32 $0x20, s17;
	v56 =	vadd.s32 s11, v0;
	v34 =	vperm.xlane v33, v5;
	[tilespmem:$0x1C080] =	vst v32  }
0x17d: {  	v57 =	vadd.s32 s19, v0;
	s31 =	sadd.s32 $0x30, s17;
	[tilespmem:$0x1C090] =	vst v56  }
0x17e: {  	v58 =	vadd.s32 s31, v0;
	s11 =	sadd.s32 $0x40, s17;
	v34 =	vadd.s32 v7, v34;
	[tilespmem:$0x1C0A0] =	vst v57  }
0x17f: {  	s19 =	sadd.s32 $0x50, s17;
	v59 =	vadd.s32 s11, v0;
	[tilespmem:$0x1C0B0] =	vst v58  }
0x180: {  	v60 =	vadd.s32 s19, v0;
	s31 =	sadd.s32 $0x60, s17;
	v33 =	vperm.xlane v33, v6;
	[tilespmem:$0x1C0C0] =	vst v59  }
0x181: {  	v61 =	vadd.s32 s31, v0;
	[tilespmem:$0x1C0D0] =	vst v60  }
0x182: {  	v62 =	vadd.s32 v7, v33;
	[tilespmem:$0x1C0E0] =	vst v61  }
0x183: {  	[tilespmem:s6], [sflag:$0x2] =	stream.indirect_vreg.gather [hbm4b:s4+s2], $0x80, v34, vm2, $0xb8;
	[tilespmem:$0x1C180] =	vst v63  }
0x184: {  	s11 =	simm.s32 $0xE800  }
0x185: {  	[tilespmem:s11], [sflag:$0x2] =	stream.indirect_vreg.gather [hbm4b:s16+s2], $0x80, v34, vm2, $0xb8;
	[tilespmem:$0x1C180] =	vst v63  }
0x186: {  	s18 =	simm.s32 $0xF000  }
0x187: {  	[tilespmem:s18], [sflag:$0x2] =	stream.indirect_vreg.gather [hbm4b:s4+s2], $0x80, v62, vm2, $0xb8;
	[tilespmem:$0x1C180] =	vst v63  }
0x188: {  	s19 =	simm.s32 $0xF800  }
0x189: {  	[tilespmem:s19], [sflag:$0x2] =	stream.indirect_vreg.gather [hbm4b:s16+s2], $0x80, v62, vm2, $0xb8;
	[tilespmem:$0x1C180] =	vst v63  }
0x18a: {  	v32 =	vld [tilespmem:$0x1C090];
	_ =	sdelay $0x4  }
0x18b: {  	v63 =	vshll.u32 v32, $0x2  }
0x18c: {  	v32 =	vand.u32 $0x7, v32;
	v33 =	vand.u32 $0xFFFFFFE0, v63  }
0x18d: {  	v32 =	vor.u32 v32, v33  }
0x18e: {  	v33 =	vperm.xlane v32, v5;
	_ =	sdelay $0x1  }
0x18f: {  	v33 =	vadd.s32 v7, v33;
	_ =	sdelay $0x1  }
0x190: {  	v32 =	vperm.xlane v32, v6;
	_ =	sdelay $0x1  }
0x191: {  	s31 =	simm.s32 $0x10000;
	v32 =	vadd.s32 v7, v32  }
0x192: {  	[tilespmem:s31], [sflag:$0x2] =	stream.indirect_vreg.gather [hbm4b:s4+s2], $0x80, v33, vm2, $0xb8;
	[tilespmem:$0x1C180] =	vst v63  }
0x193: {  	s11 =	simm.s32 $0x10800  }
0x194: {  	[tilespmem:s11], [sflag:$0x2] =	stream.indirect_vreg.gather [hbm4b:s16+s2], $0x80, v33, vm2, $0xb8;
	[tilespmem:$0x1C180] =	vst v63  }
0x195: {  	s18 =	simm.s32 $0x11000  }
0x196: {  	[tilespmem:s18], [sflag:$0x2] =	stream.indirect_vreg.gather [hbm4b:s4+s2], $0x80, v32, vm2, $0xb8;
	[tilespmem:$0x1C180] =	vst v63  }
0x197: {  	s19 =	simm.s32 $0x11800  }
0x198: {  	[tilespmem:s19], [sflag:$0x2] =	stream.indirect_vreg.gather [hbm4b:s16+s2], $0x80, v32, vm2, $0xb8;
	[tilespmem:$0x1C180] =	vst v63  }
0x199: {  	v32 =	vld [tilespmem:$0x1C0A0];
	_ =	sdelay $0x4  }
0x19a: {  	v36 =	vshll.u32 v32, $0x2  }
0x19b: {  	v32 =	vand.u32 $0x7, v32;
	v33 =	vand.u32 $0xFFFFFFE0, v36  }
0x19c: {  	v32 =	vor.u32 v32, v33  }
0x19d: {  	v33 =	vperm.xlane v32, v5;
	_ =	sdelay $0x1  }
0x19e: {  	v33 =	vadd.s32 v7, v33;
	_ =	sdelay $0x1  }
0x19f: {  	v32 =	vperm.xlane v32, v6;
	_ =	sdelay $0x1  }
0x1a0: {  	s31 =	simm.s32 $0x12000;
	v32 =	vadd.s32 v7, v32  }
0x1a1: {  	[tilespmem:s31], [sflag:$0x2] =	stream.indirect_vreg.gather [hbm4b:s4+s2], $0x80, v33, vm2, $0xb8;
	[tilespmem:$0x1C180] =	vst v63  }
0x1a2: {  	s11 =	simm.s32 $0x12800  }
0x1a3: {  	[tilespmem:s11], [sflag:$0x2] =	stream.indirect_vreg.gather [hbm4b:s16+s2], $0x80, v33, vm2, $0xb8;
	[tilespmem:$0x1C180] =	vst v63  }
0x1a4: {  	s18 =	simm.s32 $0x13000  }
0x1a5: {  	[tilespmem:s18], [sflag:$0x2] =	stream.indirect_vreg.gather [hbm4b:s4+s2], $0x80, v32, vm2, $0xb8;
	[tilespmem:$0x1C180] =	vst v63  }
0x1a6: {  	s19 =	simm.s32 $0x13800  }
0x1a7: {  	[tilespmem:s19], [sflag:$0x2] =	stream.indirect_vreg.gather [hbm4b:s16+s2], $0x80, v32, vm2, $0xb8;
	[tilespmem:$0x1C180] =	vst v63  }
0x1a8: {  	v32 =	vld [tilespmem:$0x1C0B0];
	_ =	sdelay $0x4  }
0x1a9: {  	v37 =	vshll.u32 v32, $0x2  }
0x1aa: {  	v32 =	vand.u32 $0x7, v32;
	v33 =	vand.u32 $0xFFFFFFE0, v37  }
0x1ab: {  	v32 =	vor.u32 v32, v33  }
0x1ac: {  	v33 =	vperm.xlane v32, v5;
	_ =	sdelay $0x1  }
0x1ad: {  	v33 =	vadd.s32 v7, v33;
	_ =	sdelay $0x1  }
0x1ae: {  	v32 =	vperm.xlane v32, v6;
	_ =	sdelay $0x1  }
0x1af: {  	s31 =	simm.s32 $0x14000;
	v32 =	vadd.s32 v7, v32  }
0x1b0: {  	[tilespmem:s31], [sflag:$0x2] =	stream.indirect_vreg.gather [hbm4b:s4+s2], $0x80, v33, vm2, $0xb8;
	[tilespmem:$0x1C180] =	vst v63  }
0x1b1: {  	s11 =	simm.s32 $0x14800  }
0x1b2: {  	[tilespmem:s11], [sflag:$0x2] =	stream.indirect_vreg.gather [hbm4b:s16+s2], $0x80, v33, vm2, $0xb8;
	[tilespmem:$0x1C180] =	vst v63  }
0x1b3: {  	s18 =	simm.s32 $0x15000  }
0x1b4: {  	[tilespmem:s18], [sflag:$0x2] =	stream.indirect_vreg.gather [hbm4b:s4+s2], $0x80, v32, vm2, $0xb8;
	[tilespmem:$0x1C180] =	vst v63  }
0x1b5: {  	s0 =	simm.s32 $0x15800  }
0x1b6: {  	[tilespmem:s0], [sflag:$0x2] =	stream.indirect_vreg.gather [hbm4b:s16+s2], $0x80, v32, vm2, $0xb8;
	[tilespmem:$0x1C180] =	vst v63  }
0x1b7: {  	v32 =	vld [tilespmem:$0x1C0C0];
	_ =	sdelay $0x4  }
0x1b8: {  	v38 =	vshll.u32 v32, $0x2  }
0x1b9: {  	v32 =	vand.u32 $0x7, v32;
	v33 =	vand.u32 $0xFFFFFFE0, v38  }
0x1ba: {  	v32 =	vor.u32 v32, v33  }
0x1bb: {  	v33 =	vperm.xlane v32, v5;
	_ =	sdelay $0x1  }
0x1bc: {  	v33 =	vadd.s32 v7, v33;
	_ =	sdelay $0x1  }
0x1bd: {  	v32 =	vperm.xlane v32, v6;
	_ =	sdelay $0x1  }
0x1be: {  	s19 =	simm.s32 $0x16000;
	v32 =	vadd.s32 v7, v32  }
0x1bf: {  	[tilespmem:s19], [sflag:$0x2] =	stream.indirect_vreg.gather [hbm4b:s4+s2], $0x80, v33, vm2, $0xb8;
	[tilespmem:$0x1C180] =	vst v63  }
0x1c0: {  	s31 =	simm.s32 $0x16800  }
0x1c1: {  	[tilespmem:s31], [sflag:$0x2] =	stream.indirect_vreg.gather [hbm4b:s16+s2], $0x80, v33, vm2, $0xb8;
	[tilespmem:$0x1C180] =	vst v63  }
0x1c2: {  	s6 =	simm.s32 $0x17000  }
0x1c3: {  	[tilespmem:s6], [sflag:$0x2] =	stream.indirect_vreg.gather [hbm4b:s4+s2], $0x80, v32, vm2, $0xb8;
	[tilespmem:$0x1C180] =	vst v63  }
0x1c4: {  	s11 =	simm.s32 $0x17800  }
0x1c5: {  	[tilespmem:s11], [sflag:$0x2] =	stream.indirect_vreg.gather [hbm4b:s16+s2], $0x80, v32, vm2, $0xb8;
	[tilespmem:$0x1C180] =	vst v63  }
0x1c6: {  	v32 =	vld [tilespmem:$0x1C0D0];
	_ =	sdelay $0x4  }
0x1c7: {  	v39 =	vshll.u32 v32, $0x2  }
0x1c8: {  	v32 =	vand.u32 $0x7, v32;
	v33 =	vand.u32 $0xFFFFFFE0, v39  }
0x1c9: {  	v32 =	vor.u32 v32, v33  }
0x1ca: {  	v33 =	vperm.xlane v32, v5;
	_ =	sdelay $0x1  }
0x1cb: {  	v33 =	vadd.s32 v7, v33;
	_ =	sdelay $0x1  }
0x1cc: {  	v32 =	vperm.xlane v32, v6;
	_ =	sdelay $0x1  }
0x1cd: {  	s18 =	simm.s32 $0x18000;
	v32 =	vadd.s32 v7, v32  }
0x1ce: {  	[tilespmem:s18], [sflag:$0x2] =	stream.indirect_vreg.gather [hbm4b:s4+s2], $0x80, v33, vm2, $0xb8;
	[tilespmem:$0x1C180] =	vst v63  }
0x1cf: {  	s19 =	simm.s32 $0x18800  }
0x1d0: {  	[tilespmem:s19], [sflag:$0x2] =	stream.indirect_vreg.gather [hbm4b:s16+s2], $0x80, v33, vm2, $0xb8;
	[tilespmem:$0x1C180] =	vst v63  }
0x1d1: {  	s31 =	simm.s32 $0x19000  }
0x1d2: {  	[tilespmem:s31], [sflag:$0x2] =	stream.indirect_vreg.gather [hbm4b:s4+s2], $0x80, v32, vm2, $0xb8;
	[tilespmem:$0x1C180] =	vst v63  }
0x1d3: {  	s6 =	simm.s32 $0x19800  }
0x1d4: {  	[tilespmem:s6], [sflag:$0x2] =	stream.indirect_vreg.gather [hbm4b:s16+s2], $0x80, v32, vm2, $0xb8;
	[tilespmem:$0x1C180] =	vst v63  }
0x1d5: {  	v32 =	vld [tilespmem:$0x1C0E0];
	_ =	sdelay $0x4  }
0x1d6: {  	v40 =	vshll.u32 v32, $0x2  }
0x1d7: {  	v32 =	vand.u32 $0x7, v32;
	v33 =	vand.u32 $0xFFFFFFE0, v40  }
0x1d8: {  	v32 =	vor.u32 v32, v33  }
0x1d9: {  	v33 =	vperm.xlane v32, v5;
	_ =	sdelay $0x1  }
0x1da: {  	v33 =	vadd.s32 v7, v33;
	_ =	sdelay $0x1  }
0x1db: {  	v32 =	vperm.xlane v32, v6;
	_ =	sdelay $0x1  }
0x1dc: {  	s11 =	simm.s32 $0x1A000;
	v32 =	vadd.s32 v7, v32  }
0x1dd: {  	[tilespmem:s11], [sflag:$0x2] =	stream.indirect_vreg.gather [hbm4b:s4+s2], $0x80, v33, vm2, $0xb8;
	[tilespmem:$0x1C180] =	vst v63  }
0x1de: {  	s18 =	simm.s32 $0x1A800  }
0x1df: {  	[tilespmem:s18], [sflag:$0x2] =	stream.indirect_vreg.gather [hbm4b:s16+s2], $0x80, v33, vm2, $0xb8;
	[tilespmem:$0x1C180] =	vst v63  }
0x1e0: {  	s19 =	simm.s32 $0x1B000  }
0x1e1: {  	[tilespmem:s19], [sflag:$0x2] =	stream.indirect_vreg.gather [hbm4b:s4+s2], $0x80, v32, vm2, $0xb8;
	[tilespmem:$0x1C180] =	vst v63  }
0x1e2: {  	s31 =	simm.s32 $0x1B800  }
0x1e3: {  	[tilespmem:s31], [sflag:$0x2] =	stream.indirect_vreg.gather [hbm4b:s16+s2], $0x80, v32, vm2, $0xb8;
	[tilespmem:$0x1C180] =	vst v63  }
0x1e4: {  	_ =	swait.ge [sflag:s12], $0xE000  }
0x1e5: {  	[sflag:s12] =	ssyncset.done $0x0  }
0x1e6: {  	s6 =	sadd.s32 $0x70, s17;
	s0 =	rddreg [dreg:$0x7];
	[sflag:s12] =	ssyncadd.s32 $0xFFFF2000  }
0x1e7: {  	v41 =	vadd.s32 s6, v0;
	[hbm4b:s0+s2] =	stream.linear.scatter [tilespmem:s2], [sflag:$0x3], $0xE000, $0x38;
	[tilespmem:$0x1C180] =	vst v63  }
0x1e8: {  	v42 =	vshll.u32 v41, $0x2;
	_ =	swait.ge [sflag:s13], $0xE000  }
0x1e9: {  	v43 =	vand.u32 $0x7, v41;
	v33 =	vand.u32 $0xFFFFFFE0, v42;
	[sflag:s13] =	ssyncset.done $0x0  }
0x1ea: {  	s11 =	sadd.s32 $0x80, s17;
	v33 =	vor.u32 v43, v33;
	[sflag:s13] =	ssyncadd.s32 $0xFFFF2000  }
0x1eb: {  	v44 =	vadd.s32 s11, v0;
	s19 =	sadd.s32 $0x90, s17;
	v34 =	vperm.xlane v33, v5;
	[tilespmem:$0x1C000] =	vst v41  }
0x1ec: {  	v45 =	vadd.s32 s19, v0;
	s31 =	sadd.s32 $0xA0, s17;
	[tilespmem:$0x1C010] =	vst v44  }
0x1ed: {  	v34 =	vadd.s32 v7, v34;
	v46 =	vadd.s32 s31, v0;
	s0 =	sadd.s32 $0xB0, s17;
	[tilespmem:$0x1C020] =	vst v45  }
0x1ee: {  	s6 =	sadd.s32 $0xC0, s17;
	v47 =	vadd.s32 s0, v0;
	[tilespmem:$0x1C030] =	vst v46  }
0x1ef: {  	v48 =	vadd.s32 s6, v0;
	s11 =	sadd.s32 $0xD0, s17;
	v33 =	vperm.xlane v33, v6;
	[tilespmem:$0x1C040] =	vst v47  }
0x1f0: {  	v49 =	vadd.s32 s11, v0;
	[tilespmem:$0x1C050] =	vst v48  }
0x1f1: {  	v50 =	vadd.s32 v7, v33;
	[tilespmem:$0x1C060] =	vst v49  }
0x1f2: {  	[tilespmem:s2], [sflag:$0x1] =	stream.indirect_vreg.gather [hbm4b:s4+s2], $0x80, v34, vm2, $0xb8;
	[tilespmem:$0x1C180] =	vst v63  }
0x1f3: {  	s18 =	simm.s32 $0x800  }
0x1f4: {  	[tilespmem:s18], [sflag:$0x1] =	stream.indirect_vreg.gather [hbm4b:s16+s2], $0x80, v34, vm2, $0xb8;
	[tilespmem:$0x1C180] =	vst v63  }
0x1f5: {  	s19 =	simm.s32 $0x1000  }
0x1f6: {  	[tilespmem:s19], [sflag:$0x1] =	stream.indirect_vreg.gather [hbm4b:s4+s2], $0x80, v50, vm2, $0xb8;
	[tilespmem:$0x1C180] =	vst v63  }
0x1f7: {  	s31 =	simm.s32 $0x1800  }
0x1f8: {  	[tilespmem:s31], [sflag:$0x1] =	stream.indirect_vreg.gather [hbm4b:s16+s2], $0x80, v50, vm2, $0xb8;
	[tilespmem:$0x1C180] =	vst v63  }
0x1f9: {  	v32 =	vld [tilespmem:$0x1C010];
	_ =	sdelay $0x4  }
0x1fa: {  	v51 =	vshll.u32 v32, $0x2  }
0x1fb: {  	v32 =	vand.u32 $0x7, v32;
	v33 =	vand.u32 $0xFFFFFFE0, v51  }
0x1fc: {  	v32 =	vor.u32 v32, v33  }
0x1fd: {  	v33 =	vperm.xlane v32, v5;
	_ =	sdelay $0x1  }
0x1fe: {  	v33 =	vadd.s32 v7, v33;
	_ =	sdelay $0x1  }
0x1ff: {  	v32 =	vperm.xlane v32, v6;
	_ =	sdelay $0x1  }
0x200: {  	s6 =	simm.s32 $0x2000;
	v32 =	vadd.s32 v7, v32  }
0x201: {  	[tilespmem:s6], [sflag:$0x1] =	stream.indirect_vreg.gather [hbm4b:s4+s2], $0x80, v33, vm2, $0xb8;
	[tilespmem:$0x1C180] =	vst v63  }
0x202: {  	s11 =	simm.s32 $0x2800  }
0x203: {  	[tilespmem:s11], [sflag:$0x1] =	stream.indirect_vreg.gather [hbm4b:s16+s2], $0x80, v33, vm2, $0xb8;
	[tilespmem:$0x1C180] =	vst v63  }
0x204: {  	s18 =	simm.s32 $0x3000  }
0x205: {  	[tilespmem:s18], [sflag:$0x1] =	stream.indirect_vreg.gather [hbm4b:s4+s2], $0x80, v32, vm2, $0xb8;
	[tilespmem:$0x1C180] =	vst v63  }
0x206: {  	s19 =	simm.s32 $0x3800  }
0x207: {  	[tilespmem:s19], [sflag:$0x1] =	stream.indirect_vreg.gather [hbm4b:s16+s2], $0x80, v32, vm2, $0xb8;
	[tilespmem:$0x1C180] =	vst v63  }
0x208: {  	v32 =	vld [tilespmem:$0x1C020];
	_ =	sdelay $0x4  }
0x209: {  	v52 =	vshll.u32 v32, $0x2  }
0x20a: {  	v32 =	vand.u32 $0x7, v32;
	v33 =	vand.u32 $0xFFFFFFE0, v52  }
0x20b: {  	v32 =	vor.u32 v32, v33  }
0x20c: {  	v33 =	vperm.xlane v32, v5;
	_ =	sdelay $0x1  }
0x20d: {  	v33 =	vadd.s32 v7, v33;
	_ =	sdelay $0x1  }
0x20e: {  	v32 =	vperm.xlane v32, v6;
	_ =	sdelay $0x1  }
0x20f: {  	s31 =	simm.s32 $0x4000;
	v32 =	vadd.s32 v7, v32  }
0x210: {  	[tilespmem:s31], [sflag:$0x1] =	stream.indirect_vreg.gather [hbm4b:s4+s2], $0x80, v33, vm2, $0xb8;
	[tilespmem:$0x1C180] =	vst v63  }
0x211: {  	s6 =	simm.s32 $0x4800  }
0x212: {  	[tilespmem:s6], [sflag:$0x1] =	stream.indirect_vreg.gather [hbm4b:s16+s2], $0x80, v33, vm2, $0xb8;
	[tilespmem:$0x1C180] =	vst v63  }
0x213: {  	s11 =	simm.s32 $0x5000  }
0x214: {  	[tilespmem:s11], [sflag:$0x1] =	stream.indirect_vreg.gather [hbm4b:s4+s2], $0x80, v32, vm2, $0xb8;
	[tilespmem:$0x1C180] =	vst v63  }
0x215: {  	s3 =	simm.s32 $0x5800  }
0x216: {  	[tilespmem:s3], [sflag:$0x1] =	stream.indirect_vreg.gather [hbm4b:s16+s2], $0x80, v32, vm2, $0xb8;
	[tilespmem:$0x1C180] =	vst v63  }
0x217: {  	v32 =	vld [tilespmem:$0x1C030];
	_ =	sdelay $0x4  }
0x218: {  	v53 =	vshll.u32 v32, $0x2  }
0x219: {  	v32 =	vand.u32 $0x7, v32;
	v33 =	vand.u32 $0xFFFFFFE0, v53  }
0x21a: {  	v32 =	vor.u32 v32, v33  }
0x21b: {  	v33 =	vperm.xlane v32, v5;
	_ =	sdelay $0x1  }
0x21c: {  	v33 =	vadd.s32 v7, v33;
	_ =	sdelay $0x1  }
0x21d: {  	v32 =	vperm.xlane v32, v6;
	_ =	sdelay $0x1  }
0x21e: {  	s18 =	simm.s32 $0x6000;
	v32 =	vadd.s32 v7, v32  }
0x21f: {  	[tilespmem:s18], [sflag:$0x1] =	stream.indirect_vreg.gather [hbm4b:s4+s2], $0x80, v33, vm2, $0xb8;
	[tilespmem:$0x1C180] =	vst v63  }
0x220: {  	s19 =	simm.s32 $0x6800  }
0x221: {  	[tilespmem:s19], [sflag:$0x1] =	stream.indirect_vreg.gather [hbm4b:s16+s2], $0x80, v33, vm2, $0xb8;
	[tilespmem:$0x1C180] =	vst v63  }
0x222: {  	s20 =	simm.s32 $0x7000  }
0x223: {  	[tilespmem:s20], [sflag:$0x1] =	stream.indirect_vreg.gather [hbm4b:s4+s2], $0x80, v32, vm2, $0xb8;
	[tilespmem:$0x1C180] =	vst v63  }
0x224: {  	s7 =	simm.s32 $0x7800  }
0x225: {  	[tilespmem:s7], [sflag:$0x1] =	stream.indirect_vreg.gather [hbm4b:s16+s2], $0x80, v32, vm2, $0xb8;
	[tilespmem:$0x1C180] =	vst v63  }
0x226: {  	v32 =	vld [tilespmem:$0x1C040];
	_ =	sdelay $0x4  }
0x227: {  	v54 =	vshll.u32 v32, $0x2  }
0x228: {  	v32 =	vand.u32 $0x7, v32;
	v33 =	vand.u32 $0xFFFFFFE0, v54  }
0x229: {  	v32 =	vor.u32 v32, v33  }
0x22a: {  	v33 =	vperm.xlane v32, v5;
	_ =	sdelay $0x1  }
0x22b: {  	v33 =	vadd.s32 v7, v33;
	_ =	sdelay $0x1  }
0x22c: {  	v32 =	vperm.xlane v32, v6;
	_ =	sdelay $0x1  }
0x22d: {  	s21 =	simm.s32 $0x8000;
	v32 =	vadd.s32 v7, v32  }
0x22e: {  	[tilespmem:s21], [sflag:$0x1] =	stream.indirect_vreg.gather [hbm4b:s4+s2], $0x80, v33, vm2, $0xb8;
	[tilespmem:$0x1C180] =	vst v63  }
0x22f: {  	s22 =	simm.s32 $0x8800  }
0x230: {  	[tilespmem:s22], [sflag:$0x1] =	stream.indirect_vreg.gather [hbm4b:s16+s2], $0x80, v33, vm2, $0xb8;
	[tilespmem:$0x1C180] =	vst v63  }
0x231: {  	s23 =	simm.s32 $0x9000  }
0x232: {  	[tilespmem:s23], [sflag:$0x1] =	stream.indirect_vreg.gather [hbm4b:s4+s2], $0x80, v32, vm2, $0xb8;
	[tilespmem:$0x1C180] =	vst v63  }
0x233: {  	s8 =	simm.s32 $0x9800  }
0x234: {  	[tilespmem:s8], [sflag:$0x1] =	stream.indirect_vreg.gather [hbm4b:s16+s2], $0x80, v32, vm2, $0xb8;
	[tilespmem:$0x1C180] =	vst v63  }
0x235: {  	v32 =	vld [tilespmem:$0x1C050];
	_ =	sdelay $0x4  }
0x236: {  	v55 =	vshll.u32 v32, $0x2  }
0x237: {  	v32 =	vand.u32 $0x7, v32;
	v33 =	vand.u32 $0xFFFFFFE0, v55  }
0x238: {  	v32 =	vor.u32 v32, v33  }
0x239: {  	v33 =	vperm.xlane v32, v5;
	_ =	sdelay $0x1  }
0x23a: {  	v33 =	vadd.s32 v7, v33;
	_ =	sdelay $0x1  }
0x23b: {  	v32 =	vperm.xlane v32, v6;
	_ =	sdelay $0x1  }
0x23c: {  	s24 =	simm.s32 $0xA000;
	v32 =	vadd.s32 v7, v32  }
0x23d: {  	[tilespmem:s24], [sflag:$0x1] =	stream.indirect_vreg.gather [hbm4b:s4+s2], $0x80, v33, vm2, $0xb8;
	[tilespmem:$0x1C180] =	vst v63  }
0x23e: {  	s25 =	simm.s32 $0xA800  }
0x23f: {  	[tilespmem:s25], [sflag:$0x1] =	stream.indirect_vreg.gather [hbm4b:s16+s2], $0x80, v33, vm2, $0xb8;
	[tilespmem:$0x1C180] =	vst v63  }
0x240: {  	s26 =	simm.s32 $0xB000  }
0x241: {  	[tilespmem:s26], [sflag:$0x1] =	stream.indirect_vreg.gather [hbm4b:s4+s2], $0x80, v32, vm2, $0xb8;
	[tilespmem:$0x1C180] =	vst v63  }
0x242: {  	s9 =	simm.s32 $0xB800  }
0x243: {  	[tilespmem:s9], [sflag:$0x1] =	stream.indirect_vreg.gather [hbm4b:s16+s2], $0x80, v32, vm2, $0xb8;
	[tilespmem:$0x1C180] =	vst v63  }
0x244: {  	v32 =	vld [tilespmem:$0x1C060];
	_ =	sdelay $0x4  }
0x245: {  	v56 =	vshll.u32 v32, $0x2  }
0x246: {  	v32 =	vand.u32 $0x7, v32;
	v33 =	vand.u32 $0xFFFFFFE0, v56  }
0x247: {  	v32 =	vor.u32 v32, v33  }
0x248: {  	v33 =	vperm.xlane v32, v5;
	_ =	sdelay $0x1  }
0x249: {  	v33 =	vadd.s32 v7, v33;
	_ =	sdelay $0x1  }
0x24a: {  	v32 =	vperm.xlane v32, v6;
	_ =	sdelay $0x1  }
0x24b: {  	s28 =	simm.s32 $0xC000;
	v32 =	vadd.s32 v7, v32  }
0x24c: {  	[tilespmem:s28], [sflag:$0x1] =	stream.indirect_vreg.gather [hbm4b:s4+s2], $0x80, v33, vm2, $0xb8;
	[tilespmem:$0x1C180] =	vst v63  }
0x24d: {  	s29 =	simm.s32 $0xC800  }
0x24e: {  	[tilespmem:s29], [sflag:$0x1] =	stream.indirect_vreg.gather [hbm4b:s16+s2], $0x80, v33, vm2, $0xb8;
	[tilespmem:$0x1C180] =	vst v63  }
0x24f: {  	s30 =	simm.s32 $0xD000  }
0x250: {  	[tilespmem:s30], [sflag:$0x1] =	stream.indirect_vreg.gather [hbm4b:s4+s2], $0x80, v32, vm2, $0xb8;
	[tilespmem:$0x1C180] =	vst v63  }
0x251: {  	s10 =	simm.s32 $0xD800  }
0x252: {  	[tilespmem:s10], [sflag:$0x1] =	stream.indirect_vreg.gather [hbm4b:s16+s2], $0x80, v32, vm2, $0xb8;
	[tilespmem:$0x1C180] =	vst v63  }
0x253: {  	_ =	swait.ge [sflag:s14], $0xE000  }
0x254: {  	s31 =	simm.s32 $0xE000;
	[sflag:s14] =	ssyncset.done $0x0  }
0x255: {  	s30 =	sadd.s32 $0xE0, s17;
	s29 =	rddreg [dreg:$0x8];
	[sflag:s14] =	ssyncadd.s32 $0xFFFF2000  }
0x256: {  	v57 =	vadd.s32 s30, v0;
	[hbm4b:s29+s2] =	stream.linear.scatter [tilespmem:s31], [sflag:$0x4], $0xE000, $0x38;
	[tilespmem:$0x1C180] =	vst v63  }
0x257: {  	v58 =	vshll.u32 v57, $0x2;
	_ =	swait.ge [sflag:s1], $0xE000  }
0x258: {  	v59 =	vand.u32 $0x7, v57;
	v33 =	vand.u32 $0xFFFFFFE0, v58;
	[sflag:s1] =	ssyncset.done $0x0  }
0x259: {  	s3 =	sadd.s32 $0xF0, s17;
	v33 =	vor.u32 v59, v33;
	[sflag:s1] =	ssyncadd.s32 $0xFFFF2000  }
0x25a: {  	s6 =	sadd.s32 $0x100, s17;
	v60 =	vadd.s32 s3, v0;
	v34 =	vperm.xlane v33, v5;
	[tilespmem:$0x1C080] =	vst v57  }
0x25b: {  	v61 =	vadd.s32 s6, v0;
	s7 =	sadd.s32 $0x110, s17;
	[tilespmem:$0x1C090] =	vst v60  }
0x25c: {  	v62 =	vadd.s32 s7, v0;
	s8 =	sadd.s32 $0x120, s17;
	v34 =	vadd.s32 v7, v34;
	[tilespmem:$0x1C0A0] =	vst v61  }
0x25d: {  	v63 =	vadd.s32 s8, v0;
	s9 =	sadd.s32 $0x130, s17;
	[tilespmem:$0x1C0B0] =	vst v62  }
0x25e: {  	v36 =	vadd.s32 s9, v0;
	s17 =	sadd.s32 $0x140, s17;
	v33 =	vperm.xlane v33, v6;
	[tilespmem:$0x1C0C0] =	vst v63  }
0x25f: {  	v37 =	vadd.s32 s17, v0;
	[tilespmem:$0x1C0D0] =	vst v36  }
0x260: {  	v38 =	vadd.s32 v7, v33;
	[tilespmem:$0x1C0E0] =	vst v37  }
0x261: {  	[tilespmem:s31], [sflag:$0x2] =	stream.indirect_vreg.gather [hbm4b:s4+s2], $0x80, v34, vm2, $0xb8;
	[tilespmem:$0x1C180] =	vst v63  }
0x262: {  	s10 =	simm.s32 $0xE800  }
0x263: {  	[tilespmem:s10], [sflag:$0x2] =	stream.indirect_vreg.gather [hbm4b:s16+s2], $0x80, v34, vm2, $0xb8;
	[tilespmem:$0x1C180] =	vst v63  }
0x264: {  	s11 =	simm.s32 $0xF000  }
0x265: {  	[tilespmem:s11], [sflag:$0x2] =	stream.indirect_vreg.gather [hbm4b:s4+s2], $0x80, v38, vm2, $0xb8;
	[tilespmem:$0x1C180] =	vst v63  }
0x266: {  	s17 =	simm.s32 $0xF800  }
0x267: {  	[tilespmem:s17], [sflag:$0x2] =	stream.indirect_vreg.gather [hbm4b:s16+s2], $0x80, v38, vm2, $0xb8;
	[tilespmem:$0x1C180] =	vst v63  }
0x268: {  	v32 =	vld [tilespmem:$0x1C090];
	_ =	sdelay $0x4  }
0x269: {  	v39 =	vshll.u32 v32, $0x2  }
0x26a: {  	v32 =	vand.u32 $0x7, v32;
	v33 =	vand.u32 $0xFFFFFFE0, v39  }
0x26b: {  	v32 =	vor.u32 v32, v33  }
0x26c: {  	v33 =	vperm.xlane v32, v5;
	_ =	sdelay $0x1  }
0x26d: {  	v33 =	vadd.s32 v7, v33;
	_ =	sdelay $0x1  }
0x26e: {  	v32 =	vperm.xlane v32, v6;
	_ =	sdelay $0x1  }
0x26f: {  	s18 =	simm.s32 $0x10000;
	v32 =	vadd.s32 v7, v32  }
0x270: {  	[tilespmem:s18], [sflag:$0x2] =	stream.indirect_vreg.gather [hbm4b:s4+s2], $0x80, v33, vm2, $0xb8;
	[tilespmem:$0x1C180] =	vst v63  }
0x271: {  	s19 =	simm.s32 $0x10800  }
0x272: {  	[tilespmem:s19], [sflag:$0x2] =	stream.indirect_vreg.gather [hbm4b:s16+s2], $0x80, v33, vm2, $0xb8;
	[tilespmem:$0x1C180] =	vst v63  }
0x273: {  	s20 =	simm.s32 $0x11000  }
0x274: {  	[tilespmem:s20], [sflag:$0x2] =	stream.indirect_vreg.gather [hbm4b:s4+s2], $0x80, v32, vm2, $0xb8;
	[tilespmem:$0x1C180] =	vst v63  }
0x275: {  	s21 =	simm.s32 $0x11800  }
0x276: {  	[tilespmem:s21], [sflag:$0x2] =	stream.indirect_vreg.gather [hbm4b:s16+s2], $0x80, v32, vm2, $0xb8;
	[tilespmem:$0x1C180] =	vst v63  }
0x277: {  	v32 =	vld [tilespmem:$0x1C0A0];
	_ =	sdelay $0x4  }
0x278: {  	v40 =	vshll.u32 v32, $0x2  }
0x279: {  	v32 =	vand.u32 $0x7, v32;
	v33 =	vand.u32 $0xFFFFFFE0, v40  }
0x27a: {  	v32 =	vor.u32 v32, v33  }
0x27b: {  	v33 =	vperm.xlane v32, v5;
	_ =	sdelay $0x1  }
0x27c: {  	v33 =	vadd.s32 v7, v33;
	_ =	sdelay $0x1  }
0x27d: {  	v32 =	vperm.xlane v32, v6;
	_ =	sdelay $0x1  }
0x27e: {  	s22 =	simm.s32 $0x12000;
	v32 =	vadd.s32 v7, v32  }
0x27f: {  	[tilespmem:s22], [sflag:$0x2] =	stream.indirect_vreg.gather [hbm4b:s4+s2], $0x80, v33, vm2, $0xb8;
	[tilespmem:$0x1C180] =	vst v63  }
0x280: {  	s23 =	simm.s32 $0x12800  }
0x281: {  	[tilespmem:s23], [sflag:$0x2] =	stream.indirect_vreg.gather [hbm4b:s16+s2], $0x80, v33, vm2, $0xb8;
	[tilespmem:$0x1C180] =	vst v63  }
0x282: {  	s24 =	simm.s32 $0x13000  }
0x283: {  	[tilespmem:s24], [sflag:$0x2] =	stream.indirect_vreg.gather [hbm4b:s4+s2], $0x80, v32, vm2, $0xb8;
	[tilespmem:$0x1C180] =	vst v63  }
0x284: {  	s25 =	simm.s32 $0x13800  }
0x285: {  	[tilespmem:s25], [sflag:$0x2] =	stream.indirect_vreg.gather [hbm4b:s16+s2], $0x80, v32, vm2, $0xb8;
	[tilespmem:$0x1C180] =	vst v63  }
0x286: {  	v32 =	vld [tilespmem:$0x1C0B0];
	_ =	sdelay $0x4  }
0x287: {  	v41 =	vshll.u32 v32, $0x2  }
0x288: {  	v32 =	vand.u32 $0x7, v32;
	v33 =	vand.u32 $0xFFFFFFE0, v41  }
0x289: {  	v32 =	vor.u32 v32, v33  }
0x28a: {  	v33 =	vperm.xlane v32, v5;
	_ =	sdelay $0x1  }
0x28b: {  	v33 =	vadd.s32 v7, v33;
	_ =	sdelay $0x1  }
0x28c: {  	v32 =	vperm.xlane v32, v6;
	_ =	sdelay $0x1  }
0x28d: {  	s26 =	simm.s32 $0x14000;
	v32 =	vadd.s32 v7, v32  }
0x28e: {  	[tilespmem:s26], [sflag:$0x2] =	stream.indirect_vreg.gather [hbm4b:s4+s2], $0x80, v33, vm2, $0xb8;
	[tilespmem:$0x1C180] =	vst v63  }
0x28f: {  	s28 =	simm.s32 $0x14800  }
0x290: {  	[tilespmem:s28], [sflag:$0x2] =	stream.indirect_vreg.gather [hbm4b:s16+s2], $0x80, v33, vm2, $0xb8;
	[tilespmem:$0x1C180] =	vst v63  }
0x291: {  	s29 =	simm.s32 $0x15000  }
0x292: {  	[tilespmem:s29], [sflag:$0x2] =	stream.indirect_vreg.gather [hbm4b:s4+s2], $0x80, v32, vm2, $0xb8;
	[tilespmem:$0x1C180] =	vst v63  }
0x293: {  	s30 =	simm.s32 $0x15800  }
0x294: {  	[tilespmem:s30], [sflag:$0x2] =	stream.indirect_vreg.gather [hbm4b:s16+s2], $0x80, v32, vm2, $0xb8;
	[tilespmem:$0x1C180] =	vst v63  }
0x295: {  	v32 =	vld [tilespmem:$0x1C0C0];
	_ =	sdelay $0x4  }
0x296: {  	v42 =	vshll.u32 v32, $0x2  }
0x297: {  	v32 =	vand.u32 $0x7, v32;
	v33 =	vand.u32 $0xFFFFFFE0, v42  }
0x298: {  	v32 =	vor.u32 v32, v33  }
0x299: {  	v33 =	vperm.xlane v32, v5;
	_ =	sdelay $0x1  }
0x29a: {  	v33 =	vadd.s32 v7, v33;
	_ =	sdelay $0x1  }
0x29b: {  	v32 =	vperm.xlane v32, v6;
	_ =	sdelay $0x1  }
0x29c: {  	s31 =	simm.s32 $0x16000;
	v32 =	vadd.s32 v7, v32  }
0x29d: {  	[tilespmem:s31], [sflag:$0x2] =	stream.indirect_vreg.gather [hbm4b:s4+s2], $0x80, v33, vm2, $0xb8;
	[tilespmem:$0x1C180] =	vst v63  }
0x29e: {  	s3 =	simm.s32 $0x16800  }
0x29f: {  	[tilespmem:s3], [sflag:$0x2] =	stream.indirect_vreg.gather [hbm4b:s16+s2], $0x80, v33, vm2, $0xb8;
	[tilespmem:$0x1C180] =	vst v63  }
0x2a0: {  	s6 =	simm.s32 $0x17000  }
0x2a1: {  	[tilespmem:s6], [sflag:$0x2] =	stream.indirect_vreg.gather [hbm4b:s4+s2], $0x80, v32, vm2, $0xb8;
	[tilespmem:$0x1C180] =	vst v63  }
0x2a2: {  	s7 =	simm.s32 $0x17800  }
0x2a3: {  	[tilespmem:s7], [sflag:$0x2] =	stream.indirect_vreg.gather [hbm4b:s16+s2], $0x80, v32, vm2, $0xb8;
	[tilespmem:$0x1C180] =	vst v63  }
0x2a4: {  	v32 =	vld [tilespmem:$0x1C0D0];
	_ =	sdelay $0x4  }
0x2a5: {  	v43 =	vshll.u32 v32, $0x2  }
0x2a6: {  	v32 =	vand.u32 $0x7, v32;
	v33 =	vand.u32 $0xFFFFFFE0, v43  }
0x2a7: {  	v32 =	vor.u32 v32, v33  }
0x2a8: {  	v33 =	vperm.xlane v32, v5;
	_ =	sdelay $0x1  }
0x2a9: {  	v33 =	vadd.s32 v7, v33;
	_ =	sdelay $0x1  }
0x2aa: {  	v32 =	vperm.xlane v32, v6;
	_ =	sdelay $0x1  }
0x2ab: {  	s8 =	simm.s32 $0x18000;
	v32 =	vadd.s32 v7, v32  }
0x2ac: {  	[tilespmem:s8], [sflag:$0x2] =	stream.indirect_vreg.gather [hbm4b:s4+s2], $0x80, v33, vm2, $0xb8;
	[tilespmem:$0x1C180] =	vst v63  }
0x2ad: {  	s9 =	simm.s32 $0x18800  }
0x2ae: {  	[tilespmem:s9], [sflag:$0x2] =	stream.indirect_vreg.gather [hbm4b:s16+s2], $0x80, v33, vm2, $0xb8;
	[tilespmem:$0x1C180] =	vst v63  }
0x2af: {  	s10 =	simm.s32 $0x19000  }
0x2b0: {  	[tilespmem:s10], [sflag:$0x2] =	stream.indirect_vreg.gather [hbm4b:s4+s2], $0x80, v32, vm2, $0xb8;
	[tilespmem:$0x1C180] =	vst v63  }
0x2b1: {  	s11 =	simm.s32 $0x19800  }
0x2b2: {  	[tilespmem:s11], [sflag:$0x2] =	stream.indirect_vreg.gather [hbm4b:s16+s2], $0x80, v32, vm2, $0xb8;
	[tilespmem:$0x1C180] =	vst v63  }
0x2b3: {  	v32 =	vld [tilespmem:$0x1C0E0];
	_ =	sdelay $0x4  }
0x2b4: {  	v44 =	vshll.u32 v32, $0x2  }
0x2b5: {  	v32 =	vand.u32 $0x7, v32;
	v33 =	vand.u32 $0xFFFFFFE0, v44  }
0x2b6: {  	v32 =	vor.u32 v32, v33  }
0x2b7: {  	v33 =	vperm.xlane v32, v5;
	_ =	sdelay $0x1  }
0x2b8: {  	v33 =	vadd.s32 v7, v33;
	_ =	sdelay $0x1  }
0x2b9: {  	v32 =	vperm.xlane v32, v6;
	_ =	sdelay $0x1  }
0x2ba: {  	s17 =	simm.s32 $0x1A000;
	v32 =	vadd.s32 v7, v32  }
0x2bb: {  	[tilespmem:s17], [sflag:$0x2] =	stream.indirect_vreg.gather [hbm4b:s4+s2], $0x80, v33, vm2, $0xb8;
	[tilespmem:$0x1C180] =	vst v63  }
0x2bc: {  	s18 =	simm.s32 $0x1A800  }
0x2bd: {  	[tilespmem:s18], [sflag:$0x2] =	stream.indirect_vreg.gather [hbm4b:s16+s2], $0x80, v33, vm2, $0xb8;
	[tilespmem:$0x1C180] =	vst v63  }
0x2be: {  	s19 =	simm.s32 $0x1B000  }
0x2bf: {  	[tilespmem:s19], [sflag:$0x2] =	stream.indirect_vreg.gather [hbm4b:s4+s2], $0x80, v32, vm2, $0xb8;
	[tilespmem:$0x1C180] =	vst v63  }
0x2c0: {  	s20 =	simm.s32 $0x1B800  }
0x2c1: {  	[tilespmem:s20], [sflag:$0x2] =	stream.indirect_vreg.gather [hbm4b:s16+s2], $0x80, v32, vm2, $0xb8;
	[tilespmem:$0x1C180] =	vst v63  }
0x2c2: {  	_ =	swait.ge [sflag:s12], $0xE000  }
0x2c3: {  	[sflag:s12] =	ssyncset.done $0x0  }
0x2c4: {  	s21 =	rddreg [dreg:$0x9];
	[sflag:s12] =	ssyncadd.s32 $0xFFFF2000  }
0x2c5: {  	[hbm4b:s21+s2] =	stream.linear.scatter [tilespmem:s2], [sflag:$0x3], $0xE000, $0x38;
	[tilespmem:$0x1C180] =	vst v63  }
0x2c6: {  	_ =	swait.ge [sflag:s13], $0xE000  }
0x2c7: {  	[sflag:s13] =	ssyncset.done $0x0  }
0x2c8: {  	[sflag:s13] =	ssyncadd.s32 $0xFFFF2000  }
0x2c9: {  	[tilespmem:$0x1C000] =	vst v1  }
0x2ca: {  	[tilespmem:$0x1C010] =	vst v2  }
0x2cb: {  	[tilespmem:$0x1C020] =	vst v3  }
0x2cc: {  	[tilespmem:$0x1C030] =	vst v4  }
0x2cd: {  	[tilespmem:$0x1C040] =	vst v8  }
0x2ce: {  	[tilespmem:$0x1C050] =	vst v9  }
0x2cf: {  	[tilespmem:$0x1C060] =	vst v10  }
0x2d0: {  	[tilespmem:s2], [sflag:$0x1] =	stream.indirect_vreg.gather [hbm4b:s5+s2], $0x80, v11, vm2, $0xb8;
	[tilespmem:$0x1C180] =	vst v63  }
0x2d1: {  	s22 =	simm.s32 $0x800;
	s16 =	sadd.s32 $0x100, s5  }
0x2d2: {  	[tilespmem:s22], [sflag:$0x1] =	stream.indirect_vreg.gather [hbm4b:s16+s2], $0x80, v11, vm2, $0xb8;
	[tilespmem:$0x1C180] =	vst v63  }
0x2d3: {  	s23 =	simm.s32 $0x1000  }
0x2d4: {  	[tilespmem:s23], [sflag:$0x1] =	stream.indirect_vreg.gather [hbm4b:s5+s2], $0x80, v12, vm2, $0xb8;
	[tilespmem:$0x1C180] =	vst v63  }
0x2d5: {  	s29 =	simm.s32 $0x1800  }
0x2d6: {  	[tilespmem:s29], [sflag:$0x1] =	stream.indirect_vreg.gather [hbm4b:s16+s2], $0x80, v12, vm2, $0xb8;
	[tilespmem:$0x1C180] =	vst v63  }
0x2d7: {  	v45 =	vld [tilespmem:$0x1C010];
	_ =	sdelay $0x4  }
0x2d8: {  	v46 =	vshll.u32 v45, $0x2  }
0x2d9: {  	v32 =	vand.u32 $0x7, v45;
	v33 =	vand.u32 $0xFFFFFFE0, v46  }
0x2da: {  	v32 =	vor.u32 v32, v33  }
0x2db: {  	v33 =	vperm.xlane v32, v5;
	_ =	sdelay $0x1  }
0x2dc: {  	v33 =	vadd.s32 v7, v33;
	_ =	sdelay $0x1  }
0x2dd: {  	v32 =	vperm.xlane v32, v6;
	_ =	sdelay $0x1  }
0x2de: {  	s24 =	simm.s32 $0x2000;
	v32 =	vadd.s32 v7, v32  }
0x2df: {  	[tilespmem:s24], [sflag:$0x1] =	stream.indirect_vreg.gather [hbm4b:s5+s2], $0x80, v33, vm2, $0xb8;
	[tilespmem:$0x1C180] =	vst v63  }
0x2e0: {  	s3 =	simm.s32 $0x2800  }
0x2e1: {  	[tilespmem:s3], [sflag:$0x1] =	stream.indirect_vreg.gather [hbm4b:s16+s2], $0x80, v33, vm2, $0xb8;
	[tilespmem:$0x1C180] =	vst v63  }
0x2e2: {  	s6 =	simm.s32 $0x3000  }
0x2e3: {  	[tilespmem:s6], [sflag:$0x1] =	stream.indirect_vreg.gather [hbm4b:s5+s2], $0x80, v32, vm2, $0xb8;
	[tilespmem:$0x1C180] =	vst v63  }
0x2e4: {  	s30 =	simm.s32 $0x3800  }
0x2e5: {  	[tilespmem:s30], [sflag:$0x1] =	stream.indirect_vreg.gather [hbm4b:s16+s2], $0x80, v32, vm2, $0xb8;
	[tilespmem:$0x1C180] =	vst v63  }
0x2e6: {  	v32 =	vld [tilespmem:$0x1C020];
	_ =	sdelay $0x4  }
0x2e7: {  	v47 =	vshll.u32 v32, $0x2  }
0x2e8: {  	v32 =	vand.u32 $0x7, v32;
	v33 =	vand.u32 $0xFFFFFFE0, v47  }
0x2e9: {  	v32 =	vor.u32 v32, v33  }
0x2ea: {  	v33 =	vperm.xlane v32, v5;
	_ =	sdelay $0x1  }
0x2eb: {  	v33 =	vadd.s32 v7, v33;
	_ =	sdelay $0x1  }
0x2ec: {  	v32 =	vperm.xlane v32, v6;
	_ =	sdelay $0x1  }
0x2ed: {  	s7 =	simm.s32 $0x4000;
	v32 =	vadd.s32 v7, v32  }
0x2ee: {  	[tilespmem:s7], [sflag:$0x1] =	stream.indirect_vreg.gather [hbm4b:s5+s2], $0x80, v33, vm2, $0xb8;
	[tilespmem:$0x1C180] =	vst v63  }
0x2ef: {  	s8 =	simm.s32 $0x4800  }
0x2f0: {  	[tilespmem:s8], [sflag:$0x1] =	stream.indirect_vreg.gather [hbm4b:s16+s2], $0x80, v33, vm2, $0xb8;
	[tilespmem:$0x1C180] =	vst v63  }
0x2f1: {  	s9 =	simm.s32 $0x5000  }
0x2f2: {  	[tilespmem:s9], [sflag:$0x1] =	stream.indirect_vreg.gather [hbm4b:s5+s2], $0x80, v32, vm2, $0xb8;
	[tilespmem:$0x1C180] =	vst v63  }
0x2f3: {  	s31 =	simm.s32 $0x5800  }
0x2f4: {  	[tilespmem:s31], [sflag:$0x1] =	stream.indirect_vreg.gather [hbm4b:s16+s2], $0x80, v32, vm2, $0xb8;
	[tilespmem:$0x1C180] =	vst v63  }
0x2f5: {  	v32 =	vld [tilespmem:$0x1C030];
	_ =	sdelay $0x4  }
0x2f6: {  	v48 =	vshll.u32 v32, $0x2  }
0x2f7: {  	v32 =	vand.u32 $0x7, v32;
	v33 =	vand.u32 $0xFFFFFFE0, v48  }
0x2f8: {  	v32 =	vor.u32 v32, v33  }
0x2f9: {  	v33 =	vperm.xlane v32, v5;
	_ =	sdelay $0x1  }
0x2fa: {  	v33 =	vadd.s32 v7, v33;
	_ =	sdelay $0x1  }
0x2fb: {  	v32 =	vperm.xlane v32, v6;
	_ =	sdelay $0x1  }
0x2fc: {  	s10 =	simm.s32 $0x6000;
	v32 =	vadd.s32 v7, v32  }
0x2fd: {  	[tilespmem:s10], [sflag:$0x1] =	stream.indirect_vreg.gather [hbm4b:s5+s2], $0x80, v33, vm2, $0xb8;
	[tilespmem:$0x1C180] =	vst v63  }
0x2fe: {  	s11 =	simm.s32 $0x6800  }
0x2ff: {  	[tilespmem:s11], [sflag:$0x1] =	stream.indirect_vreg.gather [hbm4b:s16+s2], $0x80, v33, vm2, $0xb8;
	[tilespmem:$0x1C180] =	vst v63  }
0x300: {  	s18 =	simm.s32 $0x7000  }
0x301: {  	[tilespmem:s18], [sflag:$0x1] =	stream.indirect_vreg.gather [hbm4b:s5+s2], $0x80, v32, vm2, $0xb8;
	[tilespmem:$0x1C180] =	vst v63  }
0x302: {  	s25 =	simm.s32 $0x7800  }
0x303: {  	[tilespmem:s25], [sflag:$0x1] =	stream.indirect_vreg.gather [hbm4b:s16+s2], $0x80, v32, vm2, $0xb8;
	[tilespmem:$0x1C180] =	vst v63  }
0x304: {  	v32 =	vld [tilespmem:$0x1C040];
	_ =	sdelay $0x4  }
0x305: {  	v49 =	vshll.u32 v32, $0x2  }
0x306: {  	v32 =	vand.u32 $0x7, v32;
	v33 =	vand.u32 $0xFFFFFFE0, v49  }
0x307: {  	v32 =	vor.u32 v32, v33  }
0x308: {  	v33 =	vperm.xlane v32, v5;
	_ =	sdelay $0x1  }
0x309: {  	v33 =	vadd.s32 v7, v33;
	_ =	sdelay $0x1  }
0x30a: {  	v32 =	vperm.xlane v32, v6;
	_ =	sdelay $0x1  }
0x30b: {  	s19 =	simm.s32 $0x8000;
	v32 =	vadd.s32 v7, v32  }
0x30c: {  	[tilespmem:s19], [sflag:$0x1] =	stream.indirect_vreg.gather [hbm4b:s5+s2], $0x80, v33, vm2, $0xb8;
	[tilespmem:$0x1C180] =	vst v63  }
0x30d: {  	s20 =	simm.s32 $0x8800  }
0x30e: {  	[tilespmem:s20], [sflag:$0x1] =	stream.indirect_vreg.gather [hbm4b:s16+s2], $0x80, v33, vm2, $0xb8;
	[tilespmem:$0x1C180] =	vst v63  }
0x30f: {  	s21 =	simm.s32 $0x9000  }
0x310: {  	[tilespmem:s21], [sflag:$0x1] =	stream.indirect_vreg.gather [hbm4b:s5+s2], $0x80, v32, vm2, $0xb8;
	[tilespmem:$0x1C180] =	vst v63  }
0x311: {  	s26 =	simm.s32 $0x9800  }
0x312: {  	[tilespmem:s26], [sflag:$0x1] =	stream.indirect_vreg.gather [hbm4b:s16+s2], $0x80, v32, vm2, $0xb8;
	[tilespmem:$0x1C180] =	vst v63  }
0x313: {  	v32 =	vld [tilespmem:$0x1C050];
	_ =	sdelay $0x4  }
0x314: {  	v50 =	vshll.u32 v32, $0x2  }
0x315: {  	v32 =	vand.u32 $0x7, v32;
	v33 =	vand.u32 $0xFFFFFFE0, v50  }
0x316: {  	v32 =	vor.u32 v32, v33  }
0x317: {  	v33 =	vperm.xlane v32, v5;
	_ =	sdelay $0x1  }
0x318: {  	v33 =	vadd.s32 v7, v33;
	_ =	sdelay $0x1  }
0x319: {  	v32 =	vperm.xlane v32, v6;
	_ =	sdelay $0x1  }
0x31a: {  	s22 =	simm.s32 $0xA000;
	v32 =	vadd.s32 v7, v32  }
0x31b: {  	[tilespmem:s22], [sflag:$0x1] =	stream.indirect_vreg.gather [hbm4b:s5+s2], $0x80, v33, vm2, $0xb8;
	[tilespmem:$0x1C180] =	vst v63  }
0x31c: {  	s23 =	simm.s32 $0xA800  }
0x31d: {  	[tilespmem:s23], [sflag:$0x1] =	stream.indirect_vreg.gather [hbm4b:s16+s2], $0x80, v33, vm2, $0xb8;
	[tilespmem:$0x1C180] =	vst v63  }
0x31e: {  	s24 =	simm.s32 $0xB000  }
0x31f: {  	[tilespmem:s24], [sflag:$0x1] =	stream.indirect_vreg.gather [hbm4b:s5+s2], $0x80, v32, vm2, $0xb8;
	[tilespmem:$0x1C180] =	vst v63  }
0x320: {  	s28 =	simm.s32 $0xB800  }
0x321: {  	[tilespmem:s28], [sflag:$0x1] =	stream.indirect_vreg.gather [hbm4b:s16+s2], $0x80, v32, vm2, $0xb8;
	[tilespmem:$0x1C180] =	vst v63  }
0x322: {  	v32 =	vld [tilespmem:$0x1C060];
	_ =	sdelay $0x4  }
0x323: {  	v51 =	vshll.u32 v32, $0x2  }
0x324: {  	v32 =	vand.u32 $0x7, v32;
	v33 =	vand.u32 $0xFFFFFFE0, v51  }
0x325: {  	v32 =	vor.u32 v32, v33  }
0x326: {  	v33 =	vperm.xlane v32, v5;
	_ =	sdelay $0x1  }
0x327: {  	v33 =	vadd.s32 v7, v33;
	_ =	sdelay $0x1  }
0x328: {  	v32 =	vperm.xlane v32, v6;
	_ =	sdelay $0x1  }
0x329: {  	s25 =	simm.s32 $0xC000;
	v32 =	vadd.s32 v7, v32  }
0x32a: {  	[tilespmem:s25], [sflag:$0x1] =	stream.indirect_vreg.gather [hbm4b:s5+s2], $0x80, v33, vm2, $0xb8;
	[tilespmem:$0x1C180] =	vst v63  }
0x32b: {  	s26 =	simm.s32 $0xC800  }
0x32c: {  	[tilespmem:s26], [sflag:$0x1] =	stream.indirect_vreg.gather [hbm4b:s16+s2], $0x80, v33, vm2, $0xb8;
	[tilespmem:$0x1C180] =	vst v63  }
0x32d: {  	s28 =	simm.s32 $0xD000  }
0x32e: {  	[tilespmem:s28], [sflag:$0x1] =	stream.indirect_vreg.gather [hbm4b:s5+s2], $0x80, v32, vm2, $0xb8;
	[tilespmem:$0x1C180] =	vst v63  }
0x32f: {  	s17 =	simm.s32 $0xD800  }
0x330: {  	[tilespmem:s17], [sflag:$0x1] =	stream.indirect_vreg.gather [hbm4b:s16+s2], $0x80, v32, vm2, $0xb8;
	[tilespmem:$0x1C180] =	vst v63  }
0x331: {  	_ =	swait.ge [sflag:s14], $0xE000  }
0x332: {  	[sflag:s14] =	ssyncset.done $0x0  }
0x333: {  	s0 =	simm.s32 $0xE000;
	s17 =	rddreg [dreg:$0xa];
	[sflag:s14] =	ssyncadd.s32 $0xFFFF2000  }
0x334: {  	[hbm4b:s17+s2] =	stream.linear.scatter [tilespmem:s0], [sflag:$0x4], $0xE000, $0x38;
	[tilespmem:$0x1C180] =	vst v63  }
0x335: {  	_ =	swait.ge [sflag:s1], $0xE000  }
0x336: {  	[sflag:s1] =	ssyncset.done $0x0  }
0x337: {  	[sflag:s1] =	ssyncadd.s32 $0xFFFF2000  }
0x338: {  	[tilespmem:$0x1C080] =	vst v13  }
0x339: {  	[tilespmem:$0x1C090] =	vst v14  }
0x33a: {  	[tilespmem:$0x1C0A0] =	vst v15  }
0x33b: {  	[tilespmem:$0x1C0B0] =	vst v16  }
0x33c: {  	[tilespmem:$0x1C0C0] =	vst v17  }
0x33d: {  	[tilespmem:$0x1C0D0] =	vst v18  }
0x33e: {  	[tilespmem:$0x1C0E0] =	vst v19  }
0x33f: {  	[tilespmem:s0], [sflag:$0x2] =	stream.indirect_vreg.gather [hbm4b:s5+s2], $0x80, v20, vm2, $0xb8;
	[tilespmem:$0x1C180] =	vst v63  }
0x340: {  	s17 =	simm.s32 $0xE800  }
0x341: {  	[tilespmem:s17], [sflag:$0x2] =	stream.indirect_vreg.gather [hbm4b:s16+s2], $0x80, v20, vm2, $0xb8;
	[tilespmem:$0x1C180] =	vst v63  }
0x342: {  	s17 =	simm.s32 $0xF000  }
0x343: {  	[tilespmem:s17], [sflag:$0x2] =	stream.indirect_vreg.gather [hbm4b:s5+s2], $0x80, v21, vm2, $0xb8;
	[tilespmem:$0x1C180] =	vst v63  }
0x344: {  	s17 =	simm.s32 $0xF800  }
0x345: {  	[tilespmem:s17], [sflag:$0x2] =	stream.indirect_vreg.gather [hbm4b:s16+s2], $0x80, v21, vm2, $0xb8;
	[tilespmem:$0x1C180] =	vst v63  }
0x346: {  	v52 =	vld [tilespmem:$0x1C090];
	_ =	sdelay $0x4  }
0x347: {  	v53 =	vshll.u32 v52, $0x2  }
0x348: {  	v32 =	vand.u32 $0x7, v52;
	v33 =	vand.u32 $0xFFFFFFE0, v53  }
0x349: {  	v32 =	vor.u32 v32, v33  }
0x34a: {  	v33 =	vperm.xlane v32, v5;
	_ =	sdelay $0x1  }
0x34b: {  	v33 =	vadd.s32 v7, v33;
	_ =	sdelay $0x1  }
0x34c: {  	v32 =	vperm.xlane v32, v6;
	_ =	sdelay $0x1  }
0x34d: {  	s17 =	simm.s32 $0x10000;
	v32 =	vadd.s32 v7, v32  }
0x34e: {  	[tilespmem:s17], [sflag:$0x2] =	stream.indirect_vreg.gather [hbm4b:s5+s2], $0x80, v33, vm2, $0xb8;
	[tilespmem:$0x1C180] =	vst v63  }
0x34f: {  	s17 =	simm.s32 $0x10800  }
0x350: {  	[tilespmem:s17], [sflag:$0x2] =	stream.indirect_vreg.gather [hbm4b:s16+s2], $0x80, v33, vm2, $0xb8;
	[tilespmem:$0x1C180] =	vst v63  }
0x351: {  	s17 =	simm.s32 $0x11000  }
0x352: {  	[tilespmem:s17], [sflag:$0x2] =	stream.indirect_vreg.gather [hbm4b:s5+s2], $0x80, v32, vm2, $0xb8;
	[tilespmem:$0x1C180] =	vst v63  }
0x353: {  	s17 =	simm.s32 $0x11800  }
0x354: {  	[tilespmem:s17], [sflag:$0x2] =	stream.indirect_vreg.gather [hbm4b:s16+s2], $0x80, v32, vm2, $0xb8;
	[tilespmem:$0x1C180] =	vst v63  }
0x355: {  	v32 =	vld [tilespmem:$0x1C0A0];
	_ =	sdelay $0x4  }
0x356: {  	v54 =	vshll.u32 v32, $0x2  }
0x357: {  	v32 =	vand.u32 $0x7, v32;
	v33 =	vand.u32 $0xFFFFFFE0, v54  }
0x358: {  	v32 =	vor.u32 v32, v33  }
0x359: {  	v33 =	vperm.xlane v32, v5;
	_ =	sdelay $0x1  }
0x35a: {  	v33 =	vadd.s32 v7, v33;
	_ =	sdelay $0x1  }
0x35b: {  	v32 =	vperm.xlane v32, v6;
	_ =	sdelay $0x1  }
0x35c: {  	s17 =	simm.s32 $0x12000;
	v32 =	vadd.s32 v7, v32  }
0x35d: {  	[tilespmem:s17], [sflag:$0x2] =	stream.indirect_vreg.gather [hbm4b:s5+s2], $0x80, v33, vm2, $0xb8;
	[tilespmem:$0x1C180] =	vst v63  }
0x35e: {  	s17 =	simm.s32 $0x12800  }
0x35f: {  	[tilespmem:s17], [sflag:$0x2] =	stream.indirect_vreg.gather [hbm4b:s16+s2], $0x80, v33, vm2, $0xb8;
	[tilespmem:$0x1C180] =	vst v63  }
0x360: {  	s17 =	simm.s32 $0x13000  }
0x361: {  	[tilespmem:s17], [sflag:$0x2] =	stream.indirect_vreg.gather [hbm4b:s5+s2], $0x80, v32, vm2, $0xb8;
	[tilespmem:$0x1C180] =	vst v63  }
0x362: {  	s17 =	simm.s32 $0x13800  }
0x363: {  	[tilespmem:s17], [sflag:$0x2] =	stream.indirect_vreg.gather [hbm4b:s16+s2], $0x80, v32, vm2, $0xb8;
	[tilespmem:$0x1C180] =	vst v63  }
0x364: {  	v32 =	vld [tilespmem:$0x1C0B0];
	_ =	sdelay $0x4  }
0x365: {  	v55 =	vshll.u32 v32, $0x2  }
0x366: {  	v32 =	vand.u32 $0x7, v32;
	v33 =	vand.u32 $0xFFFFFFE0, v55  }
0x367: {  	v32 =	vor.u32 v32, v33  }
0x368: {  	v33 =	vperm.xlane v32, v5;
	_ =	sdelay $0x1  }
0x369: {  	v33 =	vadd.s32 v7, v33;
	_ =	sdelay $0x1  }
0x36a: {  	v32 =	vperm.xlane v32, v6;
	_ =	sdelay $0x1  }
0x36b: {  	s17 =	simm.s32 $0x14000;
	v32 =	vadd.s32 v7, v32  }
0x36c: {  	[tilespmem:s17], [sflag:$0x2] =	stream.indirect_vreg.gather [hbm4b:s5+s2], $0x80, v33, vm2, $0xb8;
	[tilespmem:$0x1C180] =	vst v63  }
0x36d: {  	s17 =	simm.s32 $0x14800  }
0x36e: {  	[tilespmem:s17], [sflag:$0x2] =	stream.indirect_vreg.gather [hbm4b:s16+s2], $0x80, v33, vm2, $0xb8;
	[tilespmem:$0x1C180] =	vst v63  }
0x36f: {  	s17 =	simm.s32 $0x15000  }
0x370: {  	[tilespmem:s17], [sflag:$0x2] =	stream.indirect_vreg.gather [hbm4b:s5+s2], $0x80, v32, vm2, $0xb8;
	[tilespmem:$0x1C180] =	vst v63  }
0x371: {  	s17 =	simm.s32 $0x15800  }
0x372: {  	[tilespmem:s17], [sflag:$0x2] =	stream.indirect_vreg.gather [hbm4b:s16+s2], $0x80, v32, vm2, $0xb8;
	[tilespmem:$0x1C180] =	vst v63  }
0x373: {  	v32 =	vld [tilespmem:$0x1C0C0];
	_ =	sdelay $0x4  }
0x374: {  	v56 =	vshll.u32 v32, $0x2  }
0x375: {  	v32 =	vand.u32 $0x7, v32;
	v33 =	vand.u32 $0xFFFFFFE0, v56  }
0x376: {  	v32 =	vor.u32 v32, v33  }
0x377: {  	v33 =	vperm.xlane v32, v5;
	_ =	sdelay $0x1  }
0x378: {  	v33 =	vadd.s32 v7, v33;
	_ =	sdelay $0x1  }
0x379: {  	v32 =	vperm.xlane v32, v6;
	_ =	sdelay $0x1  }
0x37a: {  	s17 =	simm.s32 $0x16000;
	v32 =	vadd.s32 v7, v32  }
0x37b: {  	[tilespmem:s17], [sflag:$0x2] =	stream.indirect_vreg.gather [hbm4b:s5+s2], $0x80, v33, vm2, $0xb8;
	[tilespmem:$0x1C180] =	vst v63  }
0x37c: {  	s17 =	simm.s32 $0x16800  }
0x37d: {  	[tilespmem:s17], [sflag:$0x2] =	stream.indirect_vreg.gather [hbm4b:s16+s2], $0x80, v33, vm2, $0xb8;
	[tilespmem:$0x1C180] =	vst v63  }
0x37e: {  	s17 =	simm.s32 $0x17000  }
0x37f: {  	[tilespmem:s17], [sflag:$0x2] =	stream.indirect_vreg.gather [hbm4b:s5+s2], $0x80, v32, vm2, $0xb8;
	[tilespmem:$0x1C180] =	vst v63  }
0x380: {  	s17 =	simm.s32 $0x17800  }
0x381: {  	[tilespmem:s17], [sflag:$0x2] =	stream.indirect_vreg.gather [hbm4b:s16+s2], $0x80, v32, vm2, $0xb8;
	[tilespmem:$0x1C180] =	vst v63  }
0x382: {  	v32 =	vld [tilespmem:$0x1C0D0];
	_ =	sdelay $0x4  }
0x383: {  	v57 =	vshll.u32 v32, $0x2  }
0x384: {  	v32 =	vand.u32 $0x7, v32;
	v33 =	vand.u32 $0xFFFFFFE0, v57  }
0x385: {  	v32 =	vor.u32 v32, v33  }
0x386: {  	v33 =	vperm.xlane v32, v5;
	_ =	sdelay $0x1  }
0x387: {  	v33 =	vadd.s32 v7, v33;
	_ =	sdelay $0x1  }
0x388: {  	v32 =	vperm.xlane v32, v6;
	_ =	sdelay $0x1  }
0x389: {  	s17 =	simm.s32 $0x18000;
	v32 =	vadd.s32 v7, v32  }
0x38a: {  	[tilespmem:s17], [sflag:$0x2] =	stream.indirect_vreg.gather [hbm4b:s5+s2], $0x80, v33, vm2, $0xb8;
	[tilespmem:$0x1C180] =	vst v63  }
0x38b: {  	s17 =	simm.s32 $0x18800  }
0x38c: {  	[tilespmem:s17], [sflag:$0x2] =	stream.indirect_vreg.gather [hbm4b:s16+s2], $0x80, v33, vm2, $0xb8;
	[tilespmem:$0x1C180] =	vst v63  }
0x38d: {  	s17 =	simm.s32 $0x19000  }
0x38e: {  	[tilespmem:s17], [sflag:$0x2] =	stream.indirect_vreg.gather [hbm4b:s5+s2], $0x80, v32, vm2, $0xb8;
	[tilespmem:$0x1C180] =	vst v63  }
0x38f: {  	s17 =	simm.s32 $0x19800  }
0x390: {  	[tilespmem:s17], [sflag:$0x2] =	stream.indirect_vreg.gather [hbm4b:s16+s2], $0x80, v32, vm2, $0xb8;
	[tilespmem:$0x1C180] =	vst v63  }
0x391: {  	v32 =	vld [tilespmem:$0x1C0E0];
	_ =	sdelay $0x4  }
0x392: {  	v58 =	vshll.u32 v32, $0x2  }
0x393: {  	v32 =	vand.u32 $0x7, v32;
	v33 =	vand.u32 $0xFFFFFFE0, v58  }
0x394: {  	v32 =	vor.u32 v32, v33  }
0x395: {  	v33 =	vperm.xlane v32, v5;
	_ =	sdelay $0x1  }
0x396: {  	v33 =	vadd.s32 v7, v33;
	_ =	sdelay $0x1  }
0x397: {  	v32 =	vperm.xlane v32, v6;
	_ =	sdelay $0x1  }
0x398: {  	s17 =	simm.s32 $0x1A000;
	v32 =	vadd.s32 v7, v32  }
0x399: {  	[tilespmem:s17], [sflag:$0x2] =	stream.indirect_vreg.gather [hbm4b:s5+s2], $0x80, v33, vm2, $0xb8;
	[tilespmem:$0x1C180] =	vst v63  }
0x39a: {  	s17 =	simm.s32 $0x1A800  }
0x39b: {  	[tilespmem:s17], [sflag:$0x2] =	stream.indirect_vreg.gather [hbm4b:s16+s2], $0x80, v33, vm2, $0xb8;
	[tilespmem:$0x1C180] =	vst v63  }
0x39c: {  	s17 =	simm.s32 $0x1B000  }
0x39d: {  	[tilespmem:s17], [sflag:$0x2] =	stream.indirect_vreg.gather [hbm4b:s5+s2], $0x80, v32, vm2, $0xb8;
	[tilespmem:$0x1C180] =	vst v63  }
0x39e: {  	s17 =	simm.s32 $0x1B800  }
0x39f: {  	[tilespmem:s17], [sflag:$0x2] =	stream.indirect_vreg.gather [hbm4b:s16+s2], $0x80, v32, vm2, $0xb8;
	[tilespmem:$0x1C180] =	vst v63  }
0x3a0: {  	_ =	swait.ge [sflag:s12], $0xE000  }
0x3a1: {  	[sflag:s12] =	ssyncset.done $0x0  }
0x3a2: {  	s17 =	rddreg [dreg:$0xb];
	[sflag:s12] =	ssyncadd.s32 $0xFFFF2000  }
0x3a3: {  	[hbm4b:s17+s2] =	stream.linear.scatter [tilespmem:s2], [sflag:$0x3], $0xE000, $0x38;
	[tilespmem:$0x1C180] =	vst v63  }
0x3a4: {  	_ =	swait.ge [sflag:s13], $0xE000  }
0x3a5: {  	[sflag:s13] =	ssyncset.done $0x0  }
0x3a6: {  	[sflag:s13] =	ssyncadd.s32 $0xFFFF2000  }
0x3a7: {  	[tilespmem:$0x1C000] =	vst v22  }
0x3a8: {  	[tilespmem:$0x1C010] =	vst v23  }
0x3a9: {  	[tilespmem:$0x1C020] =	vst v24  }
0x3aa: {  	[tilespmem:$0x1C030] =	vst v25  }
0x3ab: {  	[tilespmem:$0x1C040] =	vst v26  }
0x3ac: {  	[tilespmem:$0x1C050] =	vst v27  }
0x3ad: {  	[tilespmem:$0x1C060] =	vst v28  }
0x3ae: {  	[tilespmem:s2], [sflag:$0x1] =	stream.indirect_vreg.gather [hbm4b:s5+s2], $0x80, v29, vm2, $0xb8;
	[tilespmem:$0x1C180] =	vst v63  }
0x3af: {  	s17 =	simm.s32 $0x800  }
0x3b0: {  	[tilespmem:s17], [sflag:$0x1] =	stream.indirect_vreg.gather [hbm4b:s16+s2], $0x80, v29, vm2, $0xb8;
	[tilespmem:$0x1C180] =	vst v63  }
0x3b1: {  	s17 =	simm.s32 $0x1000  }
0x3b2: {  	[tilespmem:s17], [sflag:$0x1] =	stream.indirect_vreg.gather [hbm4b:s5+s2], $0x80, v30, vm2, $0xb8;
	[tilespmem:$0x1C180] =	vst v63  }
0x3b3: {  	_ = 	snop  }
0x3b4: {  	[tilespmem:s29], [sflag:$0x1] =	stream.indirect_vreg.gather [hbm4b:s16+s2], $0x80, v30, vm2, $0xb8;
	[tilespmem:$0x1C180] =	vst v63  }
0x3b5: {  	v59 =	vld [tilespmem:$0x1C010];
	_ =	sdelay $0x4  }
0x3b6: {  	v60 =	vshll.u32 v59, $0x2  }
0x3b7: {  	v32 =	vand.u32 $0x7, v59;
	v33 =	vand.u32 $0xFFFFFFE0, v60  }
0x3b8: {  	v32 =	vor.u32 v32, v33  }
0x3b9: {  	v33 =	vperm.xlane v32, v5;
	_ =	sdelay $0x1  }
0x3ba: {  	v33 =	vadd.s32 v7, v33;
	_ =	sdelay $0x1  }
0x3bb: {  	v32 =	vperm.xlane v32, v6;
	_ =	sdelay $0x1  }
0x3bc: {  	s29 =	simm.s32 $0x2000;
	v32 =	vadd.s32 v7, v32  }
0x3bd: {  	[tilespmem:s29], [sflag:$0x1] =	stream.indirect_vreg.gather [hbm4b:s5+s2], $0x80, v33, vm2, $0xb8;
	[tilespmem:$0x1C180] =	vst v63  }
0x3be: {  	_ = 	snop  }
0x3bf: {  	[tilespmem:s3], [sflag:$0x1] =	stream.indirect_vreg.gather [hbm4b:s16+s2], $0x80, v33, vm2, $0xb8;
	[tilespmem:$0x1C180] =	vst v63  }
0x3c0: {  	_ = 	snop  }
0x3c1: {  	[tilespmem:s6], [sflag:$0x1] =	stream.indirect_vreg.gather [hbm4b:s5+s2], $0x80, v32, vm2, $0xb8;
	[tilespmem:$0x1C180] =	vst v63  }
0x3c2: {  	_ = 	snop  }
0x3c3: {  	[tilespmem:s30], [sflag:$0x1] =	stream.indirect_vreg.gather [hbm4b:s16+s2], $0x80, v32, vm2, $0xb8;
	[tilespmem:$0x1C180] =	vst v63  }
0x3c4: {  	v32 =	vld [tilespmem:$0x1C020];
	_ =	sdelay $0x4  }
0x3c5: {  	v61 =	vshll.u32 v32, $0x2  }
0x3c6: {  	v32 =	vand.u32 $0x7, v32;
	v33 =	vand.u32 $0xFFFFFFE0, v61  }
0x3c7: {  	v32 =	vor.u32 v32, v33  }
0x3c8: {  	v33 =	vperm.xlane v32, v5;
	_ =	sdelay $0x1  }
0x3c9: {  	v33 =	vadd.s32 v7, v33;
	_ =	sdelay $0x1  }
0x3ca: {  	v32 =	vperm.xlane v32, v6;
	_ =	sdelay $0x1  }
0x3cb: {  	v32 =	vadd.s32 v7, v32  }
0x3cc: {  	[tilespmem:s7], [sflag:$0x1] =	stream.indirect_vreg.gather [hbm4b:s5+s2], $0x80, v33, vm2, $0xb8;
	[tilespmem:$0x1C180] =	vst v63  }
0x3cd: {  	_ = 	snop  }
0x3ce: {  	[tilespmem:s8], [sflag:$0x1] =	stream.indirect_vreg.gather [hbm4b:s16+s2], $0x80, v33, vm2, $0xb8;
	[tilespmem:$0x1C180] =	vst v63  }
0x3cf: {  	_ = 	snop  }
0x3d0: {  	[tilespmem:s9], [sflag:$0x1] =	stream.indirect_vreg.gather [hbm4b:s5+s2], $0x80, v32, vm2, $0xb8;
	[tilespmem:$0x1C180] =	vst v63  }
0x3d1: {  	_ = 	snop  }
0x3d2: {  	[tilespmem:s31], [sflag:$0x1] =	stream.indirect_vreg.gather [hbm4b:s16+s2], $0x80, v32, vm2, $0xb8;
	[tilespmem:$0x1C180] =	vst v63  }
0x3d3: {  	v32 =	vld [tilespmem:$0x1C030];
	_ =	sdelay $0x4  }
0x3d4: {  	v62 =	vshll.u32 v32, $0x2  }
0x3d5: {  	v32 =	vand.u32 $0x7, v32;
	v33 =	vand.u32 $0xFFFFFFE0, v62  }
0x3d6: {  	v32 =	vor.u32 v32, v33  }
0x3d7: {  	v33 =	vperm.xlane v32, v5;
	_ =	sdelay $0x1  }
0x3d8: {  	v33 =	vadd.s32 v7, v33;
	_ =	sdelay $0x1  }
0x3d9: {  	v32 =	vperm.xlane v32, v6;
	_ =	sdelay $0x1  }
0x3da: {  	v32 =	vadd.s32 v7, v32  }
0x3db: {  	[tilespmem:s10], [sflag:$0x1] =	stream.indirect_vreg.gather [hbm4b:s5+s2], $0x80, v33, vm2, $0xb8;
	[tilespmem:$0x1C180] =	vst v63  }
0x3dc: {  	_ = 	snop  }
0x3dd: {  	[tilespmem:s11], [sflag:$0x1] =	stream.indirect_vreg.gather [hbm4b:s16+s2], $0x80, v33, vm2, $0xb8;
	[tilespmem:$0x1C180] =	vst v63  }
0x3de: {  	_ = 	snop  }
0x3df: {  	[tilespmem:s18], [sflag:$0x1] =	stream.indirect_vreg.gather [hbm4b:s5+s2], $0x80, v32, vm2, $0xb8;
	[tilespmem:$0x1C180] =	vst v63  }
0x3e0: {  	s18 =	simm.s32 $0x7800  }
0x3e1: {  	[tilespmem:s18], [sflag:$0x1] =	stream.indirect_vreg.gather [hbm4b:s16+s2], $0x80, v32, vm2, $0xb8;
	[tilespmem:$0x1C180] =	vst v63  }
0x3e2: {  	v32 =	vld [tilespmem:$0x1C040];
	_ =	sdelay $0x4  }
0x3e3: {  	v63 =	vshll.u32 v32, $0x2  }
0x3e4: {  	v32 =	vand.u32 $0x7, v32;
	v33 =	vand.u32 $0xFFFFFFE0, v63  }
0x3e5: {  	v32 =	vor.u32 v32, v33  }
0x3e6: {  	v33 =	vperm.xlane v32, v5;
	_ =	sdelay $0x1  }
0x3e7: {  	v33 =	vadd.s32 v7, v33;
	_ =	sdelay $0x1  }
0x3e8: {  	v32 =	vperm.xlane v32, v6;
	_ =	sdelay $0x1  }
0x3e9: {  	v32 =	vadd.s32 v7, v32  }
0x3ea: {  	[tilespmem:s19], [sflag:$0x1] =	stream.indirect_vreg.gather [hbm4b:s5+s2], $0x80, v33, vm2, $0xb8;
	[tilespmem:$0x1C180] =	vst v63  }
0x3eb: {  	_ = 	snop  }
0x3ec: {  	[tilespmem:s20], [sflag:$0x1] =	stream.indirect_vreg.gather [hbm4b:s16+s2], $0x80, v33, vm2, $0xb8;
	[tilespmem:$0x1C180] =	vst v63  }
0x3ed: {  	_ = 	snop  }
0x3ee: {  	[tilespmem:s21], [sflag:$0x1] =	stream.indirect_vreg.gather [hbm4b:s5+s2], $0x80, v32, vm2, $0xb8;
	[tilespmem:$0x1C180] =	vst v63  }
0x3ef: {  	s21 =	simm.s32 $0x9800  }
0x3f0: {  	[tilespmem:s21], [sflag:$0x1] =	stream.indirect_vreg.gather [hbm4b:s16+s2], $0x80, v32, vm2, $0xb8;
	[tilespmem:$0x1C180] =	vst v63  }
0x3f1: {  	v32 =	vld [tilespmem:$0x1C050];
	_ =	sdelay $0x4  }
0x3f2: {  	v36 =	vshll.u32 v32, $0x2  }
0x3f3: {  	v32 =	vand.u32 $0x7, v32;
	v33 =	vand.u32 $0xFFFFFFE0, v36  }
0x3f4: {  	v32 =	vor.u32 v32, v33  }
0x3f5: {  	v33 =	vperm.xlane v32, v5;
	_ =	sdelay $0x1  }
0x3f6: {  	v33 =	vadd.s32 v7, v33;
	_ =	sdelay $0x1  }
0x3f7: {  	v32 =	vperm.xlane v32, v6;
	_ =	sdelay $0x1  }
0x3f8: {  	v32 =	vadd.s32 v7, v32  }
0x3f9: {  	[tilespmem:s22], [sflag:$0x1] =	stream.indirect_vreg.gather [hbm4b:s5+s2], $0x80, v33, vm2, $0xb8;
	[tilespmem:$0x1C180] =	vst v63  }
0x3fa: {  	_ = 	snop  }
0x3fb: {  	[tilespmem:s23], [sflag:$0x1] =	stream.indirect_vreg.gather [hbm4b:s16+s2], $0x80, v33, vm2, $0xb8;
	[tilespmem:$0x1C180] =	vst v63  }
0x3fc: {  	_ = 	snop  }
0x3fd: {  	[tilespmem:s24], [sflag:$0x1] =	stream.indirect_vreg.gather [hbm4b:s5+s2], $0x80, v32, vm2, $0xb8;
	[tilespmem:$0x1C180] =	vst v63  }
0x3fe: {  	s6 =	simm.s32 $0xB800  }
0x3ff: {  	[tilespmem:s6], [sflag:$0x1] =	stream.indirect_vreg.gather [hbm4b:s16+s2], $0x80, v32, vm2, $0xb8;
	[tilespmem:$0x1C180] =	vst v63  }
0x400: {  	v32 =	vld [tilespmem:$0x1C060];
	_ =	sdelay $0x4  }
0x401: {  	v37 =	vshll.u32 v32, $0x2  }
0x402: {  	v32 =	vand.u32 $0x7, v32;
	v33 =	vand.u32 $0xFFFFFFE0, v37  }
0x403: {  	v32 =	vor.u32 v32, v33  }
0x404: {  	v33 =	vperm.xlane v32, v5;
	_ =	sdelay $0x1  }
0x405: {  	v33 =	vadd.s32 v7, v33;
	_ =	sdelay $0x1  }
0x406: {  	v32 =	vperm.xlane v32, v6;
	_ =	sdelay $0x1  }
0x407: {  	v32 =	vadd.s32 v7, v32  }
0x408: {  	[tilespmem:s25], [sflag:$0x1] =	stream.indirect_vreg.gather [hbm4b:s5+s2], $0x80, v33, vm2, $0xb8;
	[tilespmem:$0x1C180] =	vst v63  }
0x409: {  	_ = 	snop  }
0x40a: {  	[tilespmem:s26], [sflag:$0x1] =	stream.indirect_vreg.gather [hbm4b:s16+s2], $0x80, v33, vm2, $0xb8;
	[tilespmem:$0x1C180] =	vst v63  }
0x40b: {  	_ = 	snop  }
0x40c: {  	[tilespmem:s28], [sflag:$0x1] =	stream.indirect_vreg.gather [hbm4b:s5+s2], $0x80, v32, vm2, $0xb8;
	[tilespmem:$0x1C180] =	vst v63  }
0x40d: {  	s17 =	simm.s32 $0xD800  }
0x40e: {  	[tilespmem:s17], [sflag:$0x1] =	stream.indirect_vreg.gather [hbm4b:s16+s2], $0x80, v32, vm2, $0xb8;
	[tilespmem:$0x1C180] =	vst v63  }
0x40f: {  	_ =	swait.ge [sflag:s14], $0xE000  }
0x410: {  	v31 =	vbroadcast v31, $0xF;
	[sflag:s14] =	ssyncset.done $0x0  }
0x411: {  	s3 =	simm.s32 $0xE000;
	s18 =	rddreg [dreg:$0xc];
	[sflag:s14] =	ssyncadd.s32 $0xFFFF2000  }
0x412: {  	v31 =	vadd.s32 v0, v31;
	[hbm4b:s18+s2] =	stream.linear.scatter [tilespmem:s3], [sflag:$0x4], $0xE000, $0x38;
	[tilespmem:$0x1C180] =	vst v63  }
0x413: {  	v38 =	vshll.u32 v31, $0x2;
	_ =	swait.ge [sflag:s1], $0xE000  }
0x414: {  	v39 =	vand.u32 $0x7, v31;
	v32 =	vand.u32 $0xFFFFFFE0, v38;
	[sflag:s1] =	ssyncset.done $0x0  }
0x415: {  	s6 =	sadd.s32 $0x10, s15;
	v32 =	vor.u32 v39, v32;
	[sflag:s1] =	ssyncadd.s32 $0xFFFF2000  }
0x416: {  	v33 =	vperm.xlane v32, v5;
	s18 =	sadd.s32 $0x20, s15;
	[tilespmem:$0x1C080] =	vst v31;
	v31 =	vadd.s32 s6, v0  }
0x417: {  	s6 =	sadd.s32 $0x30, s15;
	[tilespmem:$0x1C090] =	vst v31;
	v31 =	vadd.s32 s18, v0  }
0x418: {  	v33 =	vadd.s32 v7, v33;
	s18 =	sadd.s32 $0x40, s15;
	[tilespmem:$0x1C0A0] =	vst v31;
	v31 =	vadd.s32 s6, v0  }
0x419: {  	s6 =	sadd.s32 $0x50, s15;
	[tilespmem:$0x1C0B0] =	vst v31;
	v31 =	vadd.s32 s18, v0  }
0x41a: {  	v32 =	vperm.xlane v32, v6;
	s18 =	sadd.s32 $0x60, s15;
	[tilespmem:$0x1C0C0] =	vst v31;
	v31 =	vadd.s32 s6, v0  }
0x41b: {  	[tilespmem:$0x1C0D0] =	vst v31;
	v31 =	vadd.s32 s18, v0  }
0x41c: {  	[tilespmem:$0x1C0E0] =	vst v31;
	v31 =	vadd.s32 v7, v32  }
0x41d: {  	[tilespmem:s3], [sflag:$0x2] =	stream.indirect_vreg.gather [hbm4b:s5+s2], $0x80, v33, vm2, $0xb8;
	[tilespmem:$0x1C180] =	vst v63  }
0x41e: {  	s0 =	simm.s32 $0xE800  }
0x41f: {  	[tilespmem:s0], [sflag:$0x2] =	stream.indirect_vreg.gather [hbm4b:s16+s2], $0x80, v33, vm2, $0xb8;
	[tilespmem:$0x1C180] =	vst v63  }
0x420: {  	s3 =	simm.s32 $0xF000  }
0x421: {  	[tilespmem:s3], [sflag:$0x2] =	stream.indirect_vreg.gather [hbm4b:s5+s2], $0x80, v31, vm2, $0xb8;
	[tilespmem:$0x1C180] =	vst v63  }
0x422: {  	s17 =	simm.s32 $0xF800  }
0x423: {  	[tilespmem:s17], [sflag:$0x2] =	stream.indirect_vreg.gather [hbm4b:s16+s2], $0x80, v31, vm2, $0xb8;
	[tilespmem:$0x1C180] =	vst v63  }
0x424: {  	v31 =	vld [tilespmem:$0x1C090];
	_ =	sdelay $0x4  }
0x425: {  	v40 =	vshll.u32 v31, $0x2  }
0x426: {  	v31 =	vand.u32 $0x7, v31;
	v32 =	vand.u32 $0xFFFFFFE0, v40  }
0x427: {  	v31 =	vor.u32 v31, v32  }
0x428: {  	v32 =	vperm.xlane v31, v5;
	_ =	sdelay $0x1  }
0x429: {  	v32 =	vadd.s32 v7, v32;
	_ =	sdelay $0x1  }
0x42a: {  	v31 =	vperm.xlane v31, v6;
	_ =	sdelay $0x1  }
0x42b: {  	s0 =	simm.s32 $0x10000;
	v31 =	vadd.s32 v7, v31  }
0x42c: {  	[tilespmem:s0], [sflag:$0x2] =	stream.indirect_vreg.gather [hbm4b:s5+s2], $0x80, v32, vm2, $0xb8;
	[tilespmem:$0x1C180] =	vst v63  }
0x42d: {  	s3 =	simm.s32 $0x10800  }
0x42e: {  	[tilespmem:s3], [sflag:$0x2] =	stream.indirect_vreg.gather [hbm4b:s16+s2], $0x80, v32, vm2, $0xb8;
	[tilespmem:$0x1C180] =	vst v63  }
0x42f: {  	s18 =	simm.s32 $0x11000  }
0x430: {  	[tilespmem:s18], [sflag:$0x2] =	stream.indirect_vreg.gather [hbm4b:s5+s2], $0x80, v31, vm2, $0xb8;
	[tilespmem:$0x1C180] =	vst v63  }
0x431: {  	s18 =	simm.s32 $0x11800  }
0x432: {  	[tilespmem:s18], [sflag:$0x2] =	stream.indirect_vreg.gather [hbm4b:s16+s2], $0x80, v31, vm2, $0xb8;
	[tilespmem:$0x1C180] =	vst v63  }
0x433: {  	v31 =	vld [tilespmem:$0x1C0A0];
	_ =	sdelay $0x4  }
0x434: {  	v41 =	vshll.u32 v31, $0x2  }
0x435: {  	v31 =	vand.u32 $0x7, v31;
	v32 =	vand.u32 $0xFFFFFFE0, v41  }
0x436: {  	v31 =	vor.u32 v31, v32  }
0x437: {  	v32 =	vperm.xlane v31, v5;
	_ =	sdelay $0x1  }
0x438: {  	v32 =	vadd.s32 v7, v32;
	_ =	sdelay $0x1  }
0x439: {  	v31 =	vperm.xlane v31, v6;
	_ =	sdelay $0x1  }
0x43a: {  	s18 =	simm.s32 $0x12000;
	v31 =	vadd.s32 v7, v31  }
0x43b: {  	[tilespmem:s18], [sflag:$0x2] =	stream.indirect_vreg.gather [hbm4b:s5+s2], $0x80, v32, vm2, $0xb8;
	[tilespmem:$0x1C180] =	vst v63  }
0x43c: {  	s18 =	simm.s32 $0x12800  }
0x43d: {  	[tilespmem:s18], [sflag:$0x2] =	stream.indirect_vreg.gather [hbm4b:s16+s2], $0x80, v32, vm2, $0xb8;
	[tilespmem:$0x1C180] =	vst v63  }
0x43e: {  	s18 =	simm.s32 $0x13000  }
0x43f: {  	[tilespmem:s18], [sflag:$0x2] =	stream.indirect_vreg.gather [hbm4b:s5+s2], $0x80, v31, vm2, $0xb8;
	[tilespmem:$0x1C180] =	vst v63  }
0x440: {  	s18 =	simm.s32 $0x13800  }
0x441: {  	[tilespmem:s18], [sflag:$0x2] =	stream.indirect_vreg.gather [hbm4b:s16+s2], $0x80, v31, vm2, $0xb8;
	[tilespmem:$0x1C180] =	vst v63  }
0x442: {  	v31 =	vld [tilespmem:$0x1C0B0];
	_ =	sdelay $0x4  }
0x443: {  	v42 =	vshll.u32 v31, $0x2  }
0x444: {  	v31 =	vand.u32 $0x7, v31;
	v32 =	vand.u32 $0xFFFFFFE0, v42  }
0x445: {  	v31 =	vor.u32 v31, v32  }
0x446: {  	v32 =	vperm.xlane v31, v5;
	_ =	sdelay $0x1  }
0x447: {  	v32 =	vadd.s32 v7, v32;
	_ =	sdelay $0x1  }
0x448: {  	v31 =	vperm.xlane v31, v6;
	_ =	sdelay $0x1  }
0x449: {  	s18 =	simm.s32 $0x14000;
	v31 =	vadd.s32 v7, v31  }
0x44a: {  	[tilespmem:s18], [sflag:$0x2] =	stream.indirect_vreg.gather [hbm4b:s5+s2], $0x80, v32, vm2, $0xb8;
	[tilespmem:$0x1C180] =	vst v63  }
0x44b: {  	s18 =	simm.s32 $0x14800  }
0x44c: {  	[tilespmem:s18], [sflag:$0x2] =	stream.indirect_vreg.gather [hbm4b:s16+s2], $0x80, v32, vm2, $0xb8;
	[tilespmem:$0x1C180] =	vst v63  }
0x44d: {  	s18 =	simm.s32 $0x15000  }
0x44e: {  	[tilespmem:s18], [sflag:$0x2] =	stream.indirect_vreg.gather [hbm4b:s5+s2], $0x80, v31, vm2, $0xb8;
	[tilespmem:$0x1C180] =	vst v63  }
0x44f: {  	s18 =	simm.s32 $0x15800  }
0x450: {  	[tilespmem:s18], [sflag:$0x2] =	stream.indirect_vreg.gather [hbm4b:s16+s2], $0x80, v31, vm2, $0xb8;
	[tilespmem:$0x1C180] =	vst v63  }
0x451: {  	v31 =	vld [tilespmem:$0x1C0C0];
	_ =	sdelay $0x4  }
0x452: {  	v43 =	vshll.u32 v31, $0x2  }
0x453: {  	v31 =	vand.u32 $0x7, v31;
	v32 =	vand.u32 $0xFFFFFFE0, v43  }
0x454: {  	v31 =	vor.u32 v31, v32  }
0x455: {  	v32 =	vperm.xlane v31, v5;
	_ =	sdelay $0x1  }
0x456: {  	v32 =	vadd.s32 v7, v32;
	_ =	sdelay $0x1  }
0x457: {  	v31 =	vperm.xlane v31, v6;
	_ =	sdelay $0x1  }
0x458: {  	s18 =	simm.s32 $0x16000;
	v31 =	vadd.s32 v7, v31  }
0x459: {  	[tilespmem:s18], [sflag:$0x2] =	stream.indirect_vreg.gather [hbm4b:s5+s2], $0x80, v32, vm2, $0xb8;
	[tilespmem:$0x1C180] =	vst v63  }
0x45a: {  	s18 =	simm.s32 $0x16800  }
0x45b: {  	[tilespmem:s18], [sflag:$0x2] =	stream.indirect_vreg.gather [hbm4b:s16+s2], $0x80, v32, vm2, $0xb8;
	[tilespmem:$0x1C180] =	vst v63  }
0x45c: {  	s18 =	simm.s32 $0x17000  }
0x45d: {  	[tilespmem:s18], [sflag:$0x2] =	stream.indirect_vreg.gather [hbm4b:s5+s2], $0x80, v31, vm2, $0xb8;
	[tilespmem:$0x1C180] =	vst v63  }
0x45e: {  	s18 =	simm.s32 $0x17800  }
0x45f: {  	[tilespmem:s18], [sflag:$0x2] =	stream.indirect_vreg.gather [hbm4b:s16+s2], $0x80, v31, vm2, $0xb8;
	[tilespmem:$0x1C180] =	vst v63  }
0x460: {  	v31 =	vld [tilespmem:$0x1C0D0];
	_ =	sdelay $0x4  }
0x461: {  	v44 =	vshll.u32 v31, $0x2  }
0x462: {  	v31 =	vand.u32 $0x7, v31;
	v32 =	vand.u32 $0xFFFFFFE0, v44  }
0x463: {  	v31 =	vor.u32 v31, v32  }
0x464: {  	v32 =	vperm.xlane v31, v5;
	_ =	sdelay $0x1  }
0x465: {  	v32 =	vadd.s32 v7, v32;
	_ =	sdelay $0x1  }
0x466: {  	v31 =	vperm.xlane v31, v6;
	_ =	sdelay $0x1  }
0x467: {  	s18 =	simm.s32 $0x18000;
	v31 =	vadd.s32 v7, v31  }
0x468: {  	[tilespmem:s18], [sflag:$0x2] =	stream.indirect_vreg.gather [hbm4b:s5+s2], $0x80, v32, vm2, $0xb8;
	[tilespmem:$0x1C180] =	vst v63  }
0x469: {  	s18 =	simm.s32 $0x18800  }
0x46a: {  	[tilespmem:s18], [sflag:$0x2] =	stream.indirect_vreg.gather [hbm4b:s16+s2], $0x80, v32, vm2, $0xb8;
	[tilespmem:$0x1C180] =	vst v63  }
0x46b: {  	s18 =	simm.s32 $0x19000  }
0x46c: {  	[tilespmem:s18], [sflag:$0x2] =	stream.indirect_vreg.gather [hbm4b:s5+s2], $0x80, v31, vm2, $0xb8;
	[tilespmem:$0x1C180] =	vst v63  }
0x46d: {  	s18 =	simm.s32 $0x19800  }
0x46e: {  	[tilespmem:s18], [sflag:$0x2] =	stream.indirect_vreg.gather [hbm4b:s16+s2], $0x80, v31, vm2, $0xb8;
	[tilespmem:$0x1C180] =	vst v63  }
0x46f: {  	v31 =	vld [tilespmem:$0x1C0E0];
	_ =	sdelay $0x4  }
0x470: {  	v45 =	vshll.u32 v31, $0x2  }
0x471: {  	v31 =	vand.u32 $0x7, v31;
	v32 =	vand.u32 $0xFFFFFFE0, v45  }
0x472: {  	v31 =	vor.u32 v31, v32  }
0x473: {  	v32 =	vperm.xlane v31, v5;
	_ =	sdelay $0x1  }
0x474: {  	v32 =	vadd.s32 v7, v32;
	_ =	sdelay $0x1  }
0x475: {  	v31 =	vperm.xlane v31, v6;
	_ =	sdelay $0x1  }
0x476: {  	s18 =	simm.s32 $0x1A000;
	v31 =	vadd.s32 v7, v31  }
0x477: {  	[tilespmem:s18], [sflag:$0x2] =	stream.indirect_vreg.gather [hbm4b:s5+s2], $0x80, v32, vm2, $0xb8;
	[tilespmem:$0x1C180] =	vst v63  }
0x478: {  	s18 =	simm.s32 $0x1A800  }
0x479: {  	[tilespmem:s18], [sflag:$0x2] =	stream.indirect_vreg.gather [hbm4b:s16+s2], $0x80, v32, vm2, $0xb8;
	[tilespmem:$0x1C180] =	vst v63  }
0x47a: {  	s18 =	simm.s32 $0x1B000  }
0x47b: {  	[tilespmem:s18], [sflag:$0x2] =	stream.indirect_vreg.gather [hbm4b:s5+s2], $0x80, v31, vm2, $0xb8;
	[tilespmem:$0x1C180] =	vst v63  }
0x47c: {  	s18 =	simm.s32 $0x1B800  }
0x47d: {  	[tilespmem:s18], [sflag:$0x2] =	stream.indirect_vreg.gather [hbm4b:s16+s2], $0x80, v31, vm2, $0xb8;
	[tilespmem:$0x1C180] =	vst v63  }
0x47e: {  	_ =	swait.ge [sflag:s12], $0xE000  }
0x47f: {  	[sflag:s12] =	ssyncset.done $0x0  }
0x480: {  	s18 =	sadd.s32 $0x70, s15;
	s17 =	rddreg [dreg:$0xd];
	[sflag:s12] =	ssyncadd.s32 $0xFFFF2000  }
0x481: {  	v31 =	vadd.s32 s18, v0;
	[hbm4b:s17+s2] =	stream.linear.scatter [tilespmem:s2], [sflag:$0x3], $0xE000, $0x38;
	[tilespmem:$0x1C180] =	vst v63  }
0x482: {  	v46 =	vshll.u32 v31, $0x2;
	_ =	swait.ge [sflag:s13], $0xE000  }
0x483: {  	v47 =	vand.u32 $0x7, v31;
	v32 =	vand.u32 $0xFFFFFFE0, v46;
	[sflag:s13] =	ssyncset.done $0x0  }
0x484: {  	s18 =	sadd.s32 $0x80, s15;
	v32 =	vor.u32 v47, v32;
	[sflag:s13] =	ssyncadd.s32 $0xFFFF2000  }
0x485: {  	v33 =	vperm.xlane v32, v5;
	[tilespmem:$0x1C000] =	vst v31;
	v31 =	vadd.s32 s18, v0;
	s18 =	sadd.s32 $0x90, s15  }
0x486: {  	[tilespmem:$0x1C010] =	vst v31;
	v31 =	vadd.s32 s18, v0;
	s18 =	sadd.s32 $0xA0, s15  }
0x487: {  	v33 =	vadd.s32 v7, v33;
	[tilespmem:$0x1C020] =	vst v31;
	v31 =	vadd.s32 s18, v0;
	s18 =	sadd.s32 $0xB0, s15  }
0x488: {  	[tilespmem:$0x1C030] =	vst v31;
	v31 =	vadd.s32 s18, v0;
	s18 =	sadd.s32 $0xC0, s15  }
0x489: {  	v32 =	vperm.xlane v32, v6;
	[tilespmem:$0x1C040] =	vst v31;
	v31 =	vadd.s32 s18, v0;
	s18 =	sadd.s32 $0xD0, s15  }
0x48a: {  	[tilespmem:$0x1C050] =	vst v31;
	v31 =	vadd.s32 s18, v0  }
0x48b: {  	[tilespmem:$0x1C060] =	vst v31;
	v31 =	vadd.s32 v7, v32  }
0x48c: {  	[tilespmem:s2], [sflag:$0x1] =	stream.indirect_vreg.gather [hbm4b:s5+s2], $0x80, v33, vm2, $0xb8;
	[tilespmem:$0x1C180] =	vst v63  }
0x48d: {  	s18 =	simm.s32 $0x800  }
0x48e: {  	[tilespmem:s18], [sflag:$0x1] =	stream.indirect_vreg.gather [hbm4b:s16+s2], $0x80, v33, vm2, $0xb8;
	[tilespmem:$0x1C180] =	vst v63  }
0x48f: {  	s18 =	simm.s32 $0x1000  }
0x490: {  	[tilespmem:s18], [sflag:$0x1] =	stream.indirect_vreg.gather [hbm4b:s5+s2], $0x80, v31, vm2, $0xb8;
	[tilespmem:$0x1C180] =	vst v63  }
0x491: {  	s18 =	simm.s32 $0x1800  }
0x492: {  	[tilespmem:s18], [sflag:$0x1] =	stream.indirect_vreg.gather [hbm4b:s16+s2], $0x80, v31, vm2, $0xb8;
	[tilespmem:$0x1C180] =	vst v63  }
0x493: {  	v31 =	vld [tilespmem:$0x1C010];
	_ =	sdelay $0x4  }
0x494: {  	v48 =	vshll.u32 v31, $0x2  }
0x495: {  	v31 =	vand.u32 $0x7, v31;
	v32 =	vand.u32 $0xFFFFFFE0, v48  }
0x496: {  	v31 =	vor.u32 v31, v32  }
0x497: {  	v32 =	vperm.xlane v31, v5;
	_ =	sdelay $0x1  }
0x498: {  	v32 =	vadd.s32 v7, v32;
	_ =	sdelay $0x1  }
0x499: {  	v31 =	vperm.xlane v31, v6;
	_ =	sdelay $0x1  }
0x49a: {  	s18 =	simm.s32 $0x2000;
	v31 =	vadd.s32 v7, v31  }
0x49b: {  	[tilespmem:s18], [sflag:$0x1] =	stream.indirect_vreg.gather [hbm4b:s5+s2], $0x80, v32, vm2, $0xb8;
	[tilespmem:$0x1C180] =	vst v63  }
0x49c: {  	s18 =	simm.s32 $0x2800  }
0x49d: {  	[tilespmem:s18], [sflag:$0x1] =	stream.indirect_vreg.gather [hbm4b:s16+s2], $0x80, v32, vm2, $0xb8;
	[tilespmem:$0x1C180] =	vst v63  }
0x49e: {  	s18 =	simm.s32 $0x3000  }
0x49f: {  	[tilespmem:s18], [sflag:$0x1] =	stream.indirect_vreg.gather [hbm4b:s5+s2], $0x80, v31, vm2, $0xb8;
	[tilespmem:$0x1C180] =	vst v63  }
0x4a0: {  	s18 =	simm.s32 $0x3800  }
0x4a1: {  	[tilespmem:s18], [sflag:$0x1] =	stream.indirect_vreg.gather [hbm4b:s16+s2], $0x80, v31, vm2, $0xb8;
	[tilespmem:$0x1C180] =	vst v63  }
0x4a2: {  	v31 =	vld [tilespmem:$0x1C020];
	_ =	sdelay $0x4  }
0x4a3: {  	v49 =	vshll.u32 v31, $0x2  }
0x4a4: {  	v31 =	vand.u32 $0x7, v31;
	v32 =	vand.u32 $0xFFFFFFE0, v49  }
0x4a5: {  	v31 =	vor.u32 v31, v32  }
0x4a6: {  	v32 =	vperm.xlane v31, v5;
	_ =	sdelay $0x1  }
0x4a7: {  	v32 =	vadd.s32 v7, v32;
	_ =	sdelay $0x1  }
0x4a8: {  	v31 =	vperm.xlane v31, v6;
	_ =	sdelay $0x1  }
0x4a9: {  	s7 =	simm.s32 $0x4000;
	v31 =	vadd.s32 v7, v31  }
0x4aa: {  	[tilespmem:s7], [sflag:$0x1] =	stream.indirect_vreg.gather [hbm4b:s5+s2], $0x80, v32, vm2, $0xb8;
	[tilespmem:$0x1C180] =	vst v63  }
0x4ab: {  	s8 =	simm.s32 $0x4800  }
0x4ac: {  	[tilespmem:s8], [sflag:$0x1] =	stream.indirect_vreg.gather [hbm4b:s16+s2], $0x80, v32, vm2, $0xb8;
	[tilespmem:$0x1C180] =	vst v63  }
0x4ad: {  	s9 =	simm.s32 $0x5000  }
0x4ae: {  	[tilespmem:s9], [sflag:$0x1] =	stream.indirect_vreg.gather [hbm4b:s5+s2], $0x80, v31, vm2, $0xb8;
	[tilespmem:$0x1C180] =	vst v63  }
0x4af: {  	s18 =	simm.s32 $0x5800  }
0x4b0: {  	[tilespmem:s18], [sflag:$0x1] =	stream.indirect_vreg.gather [hbm4b:s16+s2], $0x80, v31, vm2, $0xb8;
	[tilespmem:$0x1C180] =	vst v63  }
0x4b1: {  	v31 =	vld [tilespmem:$0x1C030];
	_ =	sdelay $0x4  }
0x4b2: {  	v50 =	vshll.u32 v31, $0x2  }
0x4b3: {  	v31 =	vand.u32 $0x7, v31;
	v32 =	vand.u32 $0xFFFFFFE0, v50  }
0x4b4: {  	v31 =	vor.u32 v31, v32  }
0x4b5: {  	v32 =	vperm.xlane v31, v5;
	_ =	sdelay $0x1  }
0x4b6: {  	v32 =	vadd.s32 v7, v32;
	_ =	sdelay $0x1  }
0x4b7: {  	v31 =	vperm.xlane v31, v6;
	_ =	sdelay $0x1  }
0x4b8: {  	s10 =	simm.s32 $0x6000;
	v31 =	vadd.s32 v7, v31  }
0x4b9: {  	[tilespmem:s10], [sflag:$0x1] =	stream.indirect_vreg.gather [hbm4b:s5+s2], $0x80, v32, vm2, $0xb8;
	[tilespmem:$0x1C180] =	vst v63  }
0x4ba: {  	s11 =	simm.s32 $0x6800  }
0x4bb: {  	[tilespmem:s11], [sflag:$0x1] =	stream.indirect_vreg.gather [hbm4b:s16+s2], $0x80, v32, vm2, $0xb8;
	[tilespmem:$0x1C180] =	vst v63  }
0x4bc: {  	s30 =	simm.s32 $0x7000  }
0x4bd: {  	[tilespmem:s30], [sflag:$0x1] =	stream.indirect_vreg.gather [hbm4b:s5+s2], $0x80, v31, vm2, $0xb8;
	[tilespmem:$0x1C180] =	vst v63  }
0x4be: {  	s31 =	simm.s32 $0x7800  }
0x4bf: {  	[tilespmem:s31], [sflag:$0x1] =	stream.indirect_vreg.gather [hbm4b:s16+s2], $0x80, v31, vm2, $0xb8;
	[tilespmem:$0x1C180] =	vst v63  }
0x4c0: {  	v31 =	vld [tilespmem:$0x1C040];
	_ =	sdelay $0x4  }
0x4c1: {  	v51 =	vshll.u32 v31, $0x2  }
0x4c2: {  	v31 =	vand.u32 $0x7, v31;
	v32 =	vand.u32 $0xFFFFFFE0, v51  }
0x4c3: {  	v31 =	vor.u32 v31, v32  }
0x4c4: {  	v32 =	vperm.xlane v31, v5;
	_ =	sdelay $0x1  }
0x4c5: {  	v32 =	vadd.s32 v7, v32;
	_ =	sdelay $0x1  }
0x4c6: {  	v31 =	vperm.xlane v31, v6;
	_ =	sdelay $0x1  }
0x4c7: {  	s29 =	simm.s32 $0x8000;
	v31 =	vadd.s32 v7, v31  }
0x4c8: {  	[tilespmem:s29], [sflag:$0x1] =	stream.indirect_vreg.gather [hbm4b:s5+s2], $0x80, v32, vm2, $0xb8;
	[tilespmem:$0x1C180] =	vst v63  }
0x4c9: {  	s19 =	simm.s32 $0x8800  }
0x4ca: {  	[tilespmem:s19], [sflag:$0x1] =	stream.indirect_vreg.gather [hbm4b:s16+s2], $0x80, v32, vm2, $0xb8;
	[tilespmem:$0x1C180] =	vst v63  }
0x4cb: {  	s20 =	simm.s32 $0x9000  }
0x4cc: {  	[tilespmem:s20], [sflag:$0x1] =	stream.indirect_vreg.gather [hbm4b:s5+s2], $0x80, v31, vm2, $0xb8;
	[tilespmem:$0x1C180] =	vst v63  }
0x4cd: {  	s8 =	simm.s32 $0x9800  }
0x4ce: {  	[tilespmem:s8], [sflag:$0x1] =	stream.indirect_vreg.gather [hbm4b:s16+s2], $0x80, v31, vm2, $0xb8;
	[tilespmem:$0x1C180] =	vst v63  }
0x4cf: {  	v31 =	vld [tilespmem:$0x1C050];
	_ =	sdelay $0x4  }
0x4d0: {  	v52 =	vshll.u32 v31, $0x2  }
0x4d1: {  	v31 =	vand.u32 $0x7, v31;
	v32 =	vand.u32 $0xFFFFFFE0, v52  }
0x4d2: {  	v31 =	vor.u32 v31, v32  }
0x4d3: {  	v32 =	vperm.xlane v31, v5;
	_ =	sdelay $0x1  }
0x4d4: {  	v32 =	vadd.s32 v7, v32;
	_ =	sdelay $0x1  }
0x4d5: {  	v31 =	vperm.xlane v31, v6;
	_ =	sdelay $0x1  }
0x4d6: {  	s21 =	simm.s32 $0xA000;
	v31 =	vadd.s32 v7, v31  }
0x4d7: {  	[tilespmem:s21], [sflag:$0x1] =	stream.indirect_vreg.gather [hbm4b:s5+s2], $0x80, v32, vm2, $0xb8;
	[tilespmem:$0x1C180] =	vst v63  }
0x4d8: {  	s22 =	simm.s32 $0xA800  }
0x4d9: {  	[tilespmem:s22], [sflag:$0x1] =	stream.indirect_vreg.gather [hbm4b:s16+s2], $0x80, v32, vm2, $0xb8;
	[tilespmem:$0x1C180] =	vst v63  }
0x4da: {  	s23 =	simm.s32 $0xB000  }
0x4db: {  	[tilespmem:s23], [sflag:$0x1] =	stream.indirect_vreg.gather [hbm4b:s5+s2], $0x80, v31, vm2, $0xb8;
	[tilespmem:$0x1C180] =	vst v63  }
0x4dc: {  	s9 =	simm.s32 $0xB800  }
0x4dd: {  	[tilespmem:s9], [sflag:$0x1] =	stream.indirect_vreg.gather [hbm4b:s16+s2], $0x80, v31, vm2, $0xb8;
	[tilespmem:$0x1C180] =	vst v63  }
0x4de: {  	v31 =	vld [tilespmem:$0x1C060];
	_ =	sdelay $0x4  }
0x4df: {  	v53 =	vshll.u32 v31, $0x2  }
0x4e0: {  	v31 =	vand.u32 $0x7, v31;
	v32 =	vand.u32 $0xFFFFFFE0, v53  }
0x4e1: {  	v31 =	vor.u32 v31, v32  }
0x4e2: {  	v32 =	vperm.xlane v31, v5;
	_ =	sdelay $0x1  }
0x4e3: {  	v32 =	vadd.s32 v7, v32;
	_ =	sdelay $0x1  }
0x4e4: {  	v31 =	vperm.xlane v31, v6;
	_ =	sdelay $0x1  }
0x4e5: {  	s24 =	simm.s32 $0xC000;
	v31 =	vadd.s32 v7, v31  }
0x4e6: {  	[tilespmem:s24], [sflag:$0x1] =	stream.indirect_vreg.gather [hbm4b:s5+s2], $0x80, v32, vm2, $0xb8;
	[tilespmem:$0x1C180] =	vst v63  }
0x4e7: {  	s25 =	simm.s32 $0xC800  }
0x4e8: {  	[tilespmem:s25], [sflag:$0x1] =	stream.indirect_vreg.gather [hbm4b:s16+s2], $0x80, v32, vm2, $0xb8;
	[tilespmem:$0x1C180] =	vst v63  }
0x4e9: {  	s26 =	simm.s32 $0xD000  }
0x4ea: {  	[tilespmem:s26], [sflag:$0x1] =	stream.indirect_vreg.gather [hbm4b:s5+s2], $0x80, v31, vm2, $0xb8;
	[tilespmem:$0x1C180] =	vst v63  }
0x4eb: {  	s28 =	simm.s32 $0xD800  }
0x4ec: {  	[tilespmem:s28], [sflag:$0x1] =	stream.indirect_vreg.gather [hbm4b:s16+s2], $0x80, v31, vm2, $0xb8;
	[tilespmem:$0x1C180] =	vst v63  }
0x4ed: {  	_ =	swait.ge [sflag:s14], $0xE000  }
0x4ee: {  	s6 =	simm.s32 $0xE000;
	[sflag:s14] =	ssyncset.done $0x0  }
0x4ef: {  	s11 =	sadd.s32 $0xE0, s15;
	s10 =	rddreg [dreg:$0xe];
	[sflag:s14] =	ssyncadd.s32 $0xFFFF2000  }
0x4f0: {  	v31 =	vadd.s32 s11, v0;
	[hbm4b:s10+s2] =	stream.linear.scatter [tilespmem:s6], [sflag:$0x4], $0xE000, $0x38;
	[tilespmem:$0x1C180] =	vst v63  }
0x4f1: {  	v54 =	vshll.u32 v31, $0x2;
	_ =	swait.ge [sflag:s1], $0xE000  }
0x4f2: {  	v55 =	vand.u32 $0x7, v31;
	v32 =	vand.u32 $0xFFFFFFE0, v54;
	[sflag:s1] =	ssyncset.done $0x0  }
0x4f3: {  	s19 =	sadd.s32 $0xF0, s15;
	v32 =	vor.u32 v55, v32;
	[sflag:s1] =	ssyncadd.s32 $0xFFFF2000  }
0x4f4: {  	s20 =	sadd.s32 $0x100, s15;
	v33 =	vperm.xlane v32, v5;
	[tilespmem:$0x1C080] =	vst v31;
	v31 =	vadd.s32 s19, v0  }
0x4f5: {  	s21 =	sadd.s32 $0x110, s15;
	[tilespmem:$0x1C090] =	vst v31;
	v31 =	vadd.s32 s20, v0  }
0x4f6: {  	s22 =	sadd.s32 $0x120, s15;
	v33 =	vadd.s32 v7, v33;
	[tilespmem:$0x1C0A0] =	vst v31;
	v31 =	vadd.s32 s21, v0  }
0x4f7: {  	s23 =	sadd.s32 $0x130, s15;
	[tilespmem:$0x1C0B0] =	vst v31;
	v31 =	vadd.s32 s22, v0  }
0x4f8: {  	s15 =	sadd.s32 $0x140, s15;
	v56 =	vadd.s32 s23, v0;
	[tilespmem:$0x1C0C0] =	vst v31;
	v31 =	vperm.xlane v32, v6  }
0x4f9: {  	v57 =	vadd.s32 s15, v0;
	[tilespmem:$0x1C0D0] =	vst v56  }
0x4fa: {  	[tilespmem:$0x1C0E0] =	vst v57;
	v31 =	vadd.s32 v7, v31  }
0x4fb: {  	[tilespmem:s6], [sflag:$0x2] =	stream.indirect_vreg.gather [hbm4b:s5+s2], $0x80, v33, vm2, $0xb8;
	[tilespmem:$0x1C180] =	vst v63  }
0x4fc: {  	s24 =	simm.s32 $0xE800  }
0x4fd: {  	[tilespmem:s24], [sflag:$0x2] =	stream.indirect_vreg.gather [hbm4b:s16+s2], $0x80, v33, vm2, $0xb8;
	[tilespmem:$0x1C180] =	vst v63  }
0x4fe: {  	s25 =	simm.s32 $0xF000  }
0x4ff: {  	[tilespmem:s25], [sflag:$0x2] =	stream.indirect_vreg.gather [hbm4b:s5+s2], $0x80, v31, vm2, $0xb8;
	[tilespmem:$0x1C180] =	vst v63  }
0x500: {  	s26 =	simm.s32 $0xF800  }
0x501: {  	[tilespmem:s26], [sflag:$0x2] =	stream.indirect_vreg.gather [hbm4b:s16+s2], $0x80, v31, vm2, $0xb8;
	[tilespmem:$0x1C180] =	vst v63  }
0x502: {  	v31 =	vld [tilespmem:$0x1C090];
	_ =	sdelay $0x4  }
0x503: {  	v58 =	vshll.u32 v31, $0x2  }
0x504: {  	v31 =	vand.u32 $0x7, v31;
	v32 =	vand.u32 $0xFFFFFFE0, v58  }
0x505: {  	v31 =	vor.u32 v31, v32  }
0x506: {  	v32 =	vperm.xlane v31, v5;
	_ =	sdelay $0x1  }
0x507: {  	v32 =	vadd.s32 v7, v32;
	_ =	sdelay $0x1  }
0x508: {  	v31 =	vperm.xlane v31, v6;
	_ =	sdelay $0x1  }
0x509: {  	v31 =	vadd.s32 v7, v31  }
0x50a: {  	[tilespmem:s0], [sflag:$0x2] =	stream.indirect_vreg.gather [hbm4b:s5+s2], $0x80, v32, vm2, $0xb8;
	[tilespmem:$0x1C180] =	vst v63  }
0x50b: {  	_ = 	snop  }
0x50c: {  	[tilespmem:s3], [sflag:$0x2] =	stream.indirect_vreg.gather [hbm4b:s16+s2], $0x80, v32, vm2, $0xb8;
	[tilespmem:$0x1C180] =	vst v63  }
0x50d: {  	s28 =	simm.s32 $0x11000  }
0x50e: {  	[tilespmem:s28], [sflag:$0x2] =	stream.indirect_vreg.gather [hbm4b:s5+s2], $0x80, v31, vm2, $0xb8;
	[tilespmem:$0x1C180] =	vst v63  }
0x50f: {  	s29 =	simm.s32 $0x11800  }
0x510: {  	[tilespmem:s29], [sflag:$0x2] =	stream.indirect_vreg.gather [hbm4b:s16+s2], $0x80, v31, vm2, $0xb8;
	[tilespmem:$0x1C180] =	vst v63  }
0x511: {  	v31 =	vld [tilespmem:$0x1C0A0];
	_ =	sdelay $0x4  }
0x512: {  	v59 =	vshll.u32 v31, $0x2  }
0x513: {  	v31 =	vand.u32 $0x7, v31;
	v32 =	vand.u32 $0xFFFFFFE0, v59  }
0x514: {  	v31 =	vor.u32 v31, v32  }
0x515: {  	v32 =	vperm.xlane v31, v5;
	_ =	sdelay $0x1  }
0x516: {  	v32 =	vadd.s32 v7, v32;
	_ =	sdelay $0x1  }
0x517: {  	v31 =	vperm.xlane v31, v6;
	_ =	sdelay $0x1  }
0x518: {  	s30 =	simm.s32 $0x12000;
	v31 =	vadd.s32 v7, v31  }
0x519: {  	[tilespmem:s30], [sflag:$0x2] =	stream.indirect_vreg.gather [hbm4b:s5+s2], $0x80, v32, vm2, $0xb8;
	[tilespmem:$0x1C180] =	vst v63  }
0x51a: {  	s31 =	simm.s32 $0x12800  }
0x51b: {  	[tilespmem:s31], [sflag:$0x2] =	stream.indirect_vreg.gather [hbm4b:s16+s2], $0x80, v32, vm2, $0xb8;
	[tilespmem:$0x1C180] =	vst v63  }
0x51c: {  	s7 =	simm.s32 $0x13000  }
0x51d: {  	[tilespmem:s7], [sflag:$0x2] =	stream.indirect_vreg.gather [hbm4b:s5+s2], $0x80, v31, vm2, $0xb8;
	[tilespmem:$0x1C180] =	vst v63  }
0x51e: {  	s8 =	simm.s32 $0x13800  }
0x51f: {  	[tilespmem:s8], [sflag:$0x2] =	stream.indirect_vreg.gather [hbm4b:s16+s2], $0x80, v31, vm2, $0xb8;
	[tilespmem:$0x1C180] =	vst v63  }
0x520: {  	v31 =	vld [tilespmem:$0x1C0B0];
	_ =	sdelay $0x4  }
0x521: {  	v60 =	vshll.u32 v31, $0x2  }
0x522: {  	v31 =	vand.u32 $0x7, v31;
	v32 =	vand.u32 $0xFFFFFFE0, v60  }
0x523: {  	v31 =	vor.u32 v31, v32  }
0x524: {  	v32 =	vperm.xlane v31, v5;
	_ =	sdelay $0x1  }
0x525: {  	v32 =	vadd.s32 v7, v32;
	_ =	sdelay $0x1  }
0x526: {  	v31 =	vperm.xlane v31, v6;
	_ =	sdelay $0x1  }
0x527: {  	s9 =	simm.s32 $0x14000;
	v31 =	vadd.s32 v7, v31  }
0x528: {  	[tilespmem:s9], [sflag:$0x2] =	stream.indirect_vreg.gather [hbm4b:s5+s2], $0x80, v32, vm2, $0xb8;
	[tilespmem:$0x1C180] =	vst v63  }
0x529: {  	s10 =	simm.s32 $0x14800  }
0x52a: {  	[tilespmem:s10], [sflag:$0x2] =	stream.indirect_vreg.gather [hbm4b:s16+s2], $0x80, v32, vm2, $0xb8;
	[tilespmem:$0x1C180] =	vst v63  }
0x52b: {  	s11 =	simm.s32 $0x15000  }
0x52c: {  	[tilespmem:s11], [sflag:$0x2] =	stream.indirect_vreg.gather [hbm4b:s5+s2], $0x80, v31, vm2, $0xb8;
	[tilespmem:$0x1C180] =	vst v63  }
0x52d: {  	s15 =	simm.s32 $0x15800  }
0x52e: {  	[tilespmem:s15], [sflag:$0x2] =	stream.indirect_vreg.gather [hbm4b:s16+s2], $0x80, v31, vm2, $0xb8;
	[tilespmem:$0x1C180] =	vst v63  }
0x52f: {  	v31 =	vld [tilespmem:$0x1C0C0];
	_ =	sdelay $0x4  }
0x530: {  	v61 =	vshll.u32 v31, $0x2  }
0x531: {  	v31 =	vand.u32 $0x7, v31;
	v32 =	vand.u32 $0xFFFFFFE0, v61  }
0x532: {  	v31 =	vor.u32 v31, v32  }
0x533: {  	v32 =	vperm.xlane v31, v5;
	_ =	sdelay $0x1  }
0x534: {  	v32 =	vadd.s32 v7, v32;
	_ =	sdelay $0x1  }
0x535: {  	v31 =	vperm.xlane v31, v6;
	_ =	sdelay $0x1  }
0x536: {  	s17 =	simm.s32 $0x16000;
	v31 =	vadd.s32 v7, v31  }
0x537: {  	[tilespmem:s17], [sflag:$0x2] =	stream.indirect_vreg.gather [hbm4b:s5+s2], $0x80, v32, vm2, $0xb8;
	[tilespmem:$0x1C180] =	vst v63  }
0x538: {  	s18 =	simm.s32 $0x16800  }
0x539: {  	[tilespmem:s18], [sflag:$0x2] =	stream.indirect_vreg.gather [hbm4b:s16+s2], $0x80, v32, vm2, $0xb8;
	[tilespmem:$0x1C180] =	vst v63  }
0x53a: {  	s19 =	simm.s32 $0x17000  }
0x53b: {  	[tilespmem:s19], [sflag:$0x2] =	stream.indirect_vreg.gather [hbm4b:s5+s2], $0x80, v31, vm2, $0xb8;
	[tilespmem:$0x1C180] =	vst v63  }
0x53c: {  	s20 =	simm.s32 $0x17800  }
0x53d: {  	[tilespmem:s20], [sflag:$0x2] =	stream.indirect_vreg.gather [hbm4b:s16+s2], $0x80, v31, vm2, $0xb8;
	[tilespmem:$0x1C180] =	vst v63  }
0x53e: {  	v31 =	vld [tilespmem:$0x1C0D0];
	_ =	sdelay $0x4  }
0x53f: {  	v62 =	vshll.u32 v31, $0x2  }
0x540: {  	v31 =	vand.u32 $0x7, v31;
	v32 =	vand.u32 $0xFFFFFFE0, v62  }
0x541: {  	v31 =	vor.u32 v31, v32  }
0x542: {  	v32 =	vperm.xlane v31, v5;
	_ =	sdelay $0x1  }
0x543: {  	v32 =	vadd.s32 v7, v32;
	_ =	sdelay $0x1  }
0x544: {  	v31 =	vperm.xlane v31, v6;
	_ =	sdelay $0x1  }
0x545: {  	s21 =	simm.s32 $0x18000;
	v31 =	vadd.s32 v7, v31  }
0x546: {  	[tilespmem:s21], [sflag:$0x2] =	stream.indirect_vreg.gather [hbm4b:s5+s2], $0x80, v32, vm2, $0xb8;
	[tilespmem:$0x1C180] =	vst v63  }
0x547: {  	s22 =	simm.s32 $0x18800  }
0x548: {  	[tilespmem:s22], [sflag:$0x2] =	stream.indirect_vreg.gather [hbm4b:s16+s2], $0x80, v32, vm2, $0xb8;
	[tilespmem:$0x1C180] =	vst v63  }
0x549: {  	s23 =	simm.s32 $0x19000  }
0x54a: {  	[tilespmem:s23], [sflag:$0x2] =	stream.indirect_vreg.gather [hbm4b:s5+s2], $0x80, v31, vm2, $0xb8;
	[tilespmem:$0x1C180] =	vst v63  }
0x54b: {  	s24 =	simm.s32 $0x19800  }
0x54c: {  	[tilespmem:s24], [sflag:$0x2] =	stream.indirect_vreg.gather [hbm4b:s16+s2], $0x80, v31, vm2, $0xb8;
	[tilespmem:$0x1C180] =	vst v63  }
0x54d: {  	v31 =	vld [tilespmem:$0x1C0E0];
	_ =	sdelay $0x4  }
0x54e: {  	v63 =	vshll.u32 v31, $0x2  }
0x54f: {  	v31 =	vand.u32 $0x7, v31;
	v32 =	vand.u32 $0xFFFFFFE0, v63  }
0x550: {  	v31 =	vor.u32 v31, v32  }
0x551: {  	v32 =	vperm.xlane v31, v5;
	_ =	sdelay $0x1  }
0x552: {  	v32 =	vadd.s32 v7, v32;
	_ =	sdelay $0x1  }
0x553: {  	v31 =	vperm.xlane v31, v6;
	_ =	sdelay $0x1  }
0x554: {  	s25 =	simm.s32 $0x1A000;
	v31 =	vadd.s32 v7, v31  }
0x555: {  	[tilespmem:s25], [sflag:$0x2] =	stream.indirect_vreg.gather [hbm4b:s5+s2], $0x80, v32, vm2, $0xb8;
	[tilespmem:$0x1C180] =	vst v63  }
0x556: {  	s26 =	simm.s32 $0x1A800  }
0x557: {  	[tilespmem:s26], [sflag:$0x2] =	stream.indirect_vreg.gather [hbm4b:s16+s2], $0x80, v32, vm2, $0xb8;
	[tilespmem:$0x1C180] =	vst v63  }
0x558: {  	s28 =	simm.s32 $0x1B000  }
0x559: {  	[tilespmem:s28], [sflag:$0x2] =	stream.indirect_vreg.gather [hbm4b:s5+s2], $0x80, v31, vm2, $0xb8;
	[tilespmem:$0x1C180] =	vst v63  }
0x55a: {  	s29 =	simm.s32 $0x1B800  }
0x55b: {  	[tilespmem:s29], [sflag:$0x2] =	stream.indirect_vreg.gather [hbm4b:s16+s2], $0x80, v31, vm2, $0xb8;
	[tilespmem:$0x1C180] =	vst v63  }
0x55c: {  	s0 =	rddreg [dreg:$0x12];
	_ =	swait.ge [sflag:s12], $0xE000  }
0x55d: {  	[sflag:s12] =	ssyncset.done $0x0  }
0x55e: {  	s30 =	rddreg [dreg:$0xf];
	[sflag:s12] =	ssyncadd.s32 $0xFFFF2000  }
0x55f: {  	[hbm4b:s30+s2] =	stream.linear.scatter [tilespmem:s2], [sflag:$0x3], $0xE000, $0x38;
	[tilespmem:$0x1C180] =	vst v63  }
0x560: {  	_ =	swait.ge [sflag:s14], $0xE000  }
0x561: {  	[sflag:s14] =	ssyncset.done $0x0  }
0x562: {  	s31 =	rddreg [dreg:$0x10];
	[sflag:s14] =	ssyncadd.s32 $0xFFFF2000  }
0x563: {  	[hbm4b:s31+s2] =	stream.linear.scatter [tilespmem:s6], [sflag:$0x4], $0xE000, $0x38;
	[tilespmem:$0x1C180] =	vst v63  }
0x564: {  	p0 =	sne.s32 s0, $0x1;
	_ =	swait.ge [sflag:s13], $0xE000  }
.Ltmp0:
0x565: {  	[sflag:s13] =	ssyncset.done $0x0;
	(pc) =	sbr.rel @p0 .LBB2_1-.Ltmp0, $4  }
0x566: {  	[sflag:s13] =	ssyncadd.s32 $0xFFFF2000  }
0x567: {  	_ =	swait.ge [sflag:s1], $0xE000  }
0x568: {  	[sflag:s1] =	ssyncset.done $0x0  }
0x569: {  	s0 =	sadd.s32 $0xFFFFFFFF, s0;
	[sflag:s1] =	ssyncadd.s32 $0xFFFF2000  }
0x56a: {  	_ =	sfence.sel $0x180000  }
0x56b: {  	[bflag:$0x0] =	sbarrier.arrive $0xFFFF  }
0x56c: {  	_ =	strace $0x90000047  }
0x56d: {  	s0 =	stileid.u32;
	[bflag:$0x2] =	sbarrier.arrive $0xFFFF  }
0x56e: {  	p0 =	sne.s32 s0, $0x0;
	s0 =	rddreg [dreg:$0x4]  }
0x56f: {  	s0 =	sadd.s32 @!p0 $0x100000, s0  }
0x570: {  	[sflag:s0] =	ssyncadd.tile.s32 @!p0 $0x1;
	_ =	shalt  }
.Lfunc_end2:
_tile_overlayer_lowered:
.L_overlay_start_2:
0x571: {  	(tag) =	ssettag $0x2  }
0x572: {  	s0 =	rddreg [dreg:$0x0];
	s2 =	stileid.u32  }
0x573: {  	s1 =	rddreg [dreg:$0x1];
	p0 =	sne.s32 s2, $0x0  }
0x574: {  	s3 =	rddreg [dreg:$0x2];
	[bflag:$0x3] =	sbarrier.arrive $0xFFFF;
	s2 =	simm.s32 @!p0 $0x1C05  }
0x575: {  	[timem:s3], [sflag:s2] =	dma.local @!p0 [hbm:s0], s1  }
0x576: {  	s0 =	simm.s32 @!p0 $0x5  }
0x577: {  	_ =	swait.ge @!p0 [sflag:s0], s1  }
0x578: {  	s1 =	ssub.s32 @!p0 $0x0, s1;
	[sflag:s0] =	ssyncset.done @!p0 $0x0  }
0x579: {  	[sflag:s0] =	ssyncadd.s32 @!p0 s1  }
0x57a: {  	[bflag:$0x3] =	sbarrier.arrive $0xFFFF  }
0x57b: {  	_ =	shalt  }

</sc_bundles>
